<compile_context>
chip_gen: v7x
topology: tpu7x:2x2x1
jax: 0.10.2.dev20260603
libtpu: 0.0.44.dev20260713+nightly
codegen_flags: <defaults>
</compile_context>

<pallas_src>
import functools

import jax
import jax.numpy as jnp
from jax import lax
from jax.experimental import pallas as pl
from jax.experimental.pallas import tpu as pltpu
from jax.experimental.pallas import tpu_sc as plsc

_NUM_UNITS = 2048
_D_TOK = 256
_N_TOK = 16384
_N_PAIR = 65536
_H3 = 768
_DEC_H = 1024
_DEC_OUT = 8

_TOK_TILE = 2048
_ROW_TILE = 2048
_GCHUNK = 128
_NW = 32
_CHUNKS = (8192, 16384, 20480, 20480)
_UB = 256


def _seg_mean_body(ids_ref, tok_ref, out_ref, acc_ref, cnt_ref):
    step = pl.program_id(0)

    @pl.when(step == 0)
    def _():
        acc_ref[...] = jnp.zeros_like(acc_ref)
        cnt_ref[...] = jnp.zeros_like(cnt_ref)

    ids = ids_ref[...].reshape(1, _TOK_TILE)
    id_lo = jnp.min(ids)
    id_hi = jnp.max(ids)
    tok = tok_ref[...].astype(jnp.bfloat16)
    ones = jnp.ones((_TOK_TILE, 128), jnp.bfloat16)
    for b in range(_NUM_UNITS // _UB):
        lo = b * _UB

        @pl.when((id_hi >= lo) & (id_lo < lo + _UB))
        def _(lo=lo):
            oh = (lax.broadcasted_iota(jnp.int32, (_UB, _TOK_TILE), 0) + lo
                  == ids).astype(jnp.bfloat16)
            acc_ref[lo:lo + _UB, :] += jnp.dot(
                oh, tok, preferred_element_type=jnp.float32)
            cnt_ref[lo:lo + _UB, :] += jnp.dot(
                oh, ones, preferred_element_type=jnp.float32)

    @pl.when(step == pl.num_programs(0) - 1)
    def _():
        out_ref[...] = acc_ref[...] / jnp.maximum(cnt_ref[:, :1], 1.0)


def _sc_gather(table, idx):
    n = idx.shape[0]
    d = table.shape[1]
    per_w = n // _NW
    n_chunks = per_w // _GCHUNK
    mesh = plsc.VectorSubcoreMesh(core_axis_name="c", subcore_axis_name="s")

    @functools.partial(
        pl.kernel,
        out_type=jax.ShapeDtypeStruct((n, d), table.dtype),
        mesh=mesh,
        scratch_types=[
            pltpu.VMEM((per_w,), jnp.int32),
            pltpu.VMEM((_GCHUNK, d), table.dtype),
            pltpu.VMEM((_GCHUNK, d), table.dtype),
            pltpu.VMEM_SHARED((_NUM_UNITS, d), table.dtype),
            pltpu.SemaphoreType.DMA,
            pltpu.SemaphoreType.DMA,
            pltpu.SemaphoreType.DMA,
            pltpu.SemaphoreType.DMA,
        ],
    )
    def gk(table_hbm, idx_hbm, out_hbm, idx_v, row0, row1, tbl_s,
           gsem0, gsem1, osem0, osem1):
        sid = lax.axis_index("s")
        wid = sid * 2 + lax.axis_index("c")
        base = wid * per_w

        @pl.when(sid == 0)
        def _():
            pltpu.sync_copy(table_hbm, tbl_s)

        pltpu.sync_copy(idx_hbm.at[pl.ds(base, per_w)], idx_v)
        plsc.subcore_barrier()

        def g_copy(c, buf, sem):
            return pltpu.make_async_copy(
                tbl_s.at[idx_v.at[pl.ds(c * _GCHUNK, _GCHUNK)]], buf, sem)

        def o_copy(c, buf, sem):
            return pltpu.make_async_copy(
                buf, out_hbm.at[pl.ds(base + c * _GCHUNK, _GCHUNK)], sem)

        g_copy(0, row0, gsem0).start()

        @pl.loop(0, n_chunks // 2)
        def _(i):
            c0 = 2 * i
            c1 = c0 + 1
            g_copy(c0, row0, gsem0).wait()

            @pl.when(i > 0)
            def _():
                o_copy(c1 - 2, row1, osem1).wait()

            g_copy(c1, row1, gsem1).start()
            o_copy(c0, row0, osem0).start()
            g_copy(c1, row1, gsem1).wait()
            o_copy(c0, row0, osem0).wait()

            @pl.when(c1 + 1 < n_chunks)
            def _():
                g_copy(c1 + 1, row0, gsem0).start()

            o_copy(c1, row1, osem1).start()

        o_copy(n_chunks - 1, row1, osem1).wait()

    return gk(table, idx)


def _mlp_body(tree_ref, g1_ref, g2_ref, w1_ref,
              b1_ref, w2_ref, b2_ref, out_ref):
    bf = jnp.bfloat16
    f32 = jnp.float32

    def unpack(gref):
        gi = gref[...]
        lo = pltpu.bitcast(gi << 16, f32).astype(bf)
        hi = pltpu.bitcast(gi & jnp.int32(-65536), f32).astype(bf)
        return lo, hi

    lo1, hi1 = unpack(g1_ref)
    lo2, hi2 = unpack(g2_ref)
    x = jnp.concatenate(
        [tree_ref[...].astype(bf), lo1, hi1, lo2, hi2], axis=1)
    acc = jnp.dot(x, w1_ref[...], preferred_element_type=f32)
    h = jnp.tanh(acc + b1_ref[...])
    out_ref[...] = jnp.dot(h.astype(bf), w2_ref[...],
                           preferred_element_type=f32) + b2_ref[...]


def kernel(token_embs, segment_ids, p1, p2, tree_pair_embs, W1, b1, W2, b2):
    f32 = jnp.float32
    bf = jnp.bfloat16

    ids3 = segment_ids.astype(jnp.int32).reshape(
        _N_TOK // _TOK_TILE, 1, _TOK_TILE)

    unit_embs = pl.pallas_call(
        _seg_mean_body,
        grid=(_N_TOK // _TOK_TILE,),
        in_specs=[
            pl.BlockSpec((1, 1, _TOK_TILE), lambda i: (i, 0, 0)),
            pl.BlockSpec((_TOK_TILE, _D_TOK), lambda i: (i, 0)),
        ],
        out_specs=pl.BlockSpec((_NUM_UNITS, _D_TOK), lambda i: (0, 0)),
        out_shape=jax.ShapeDtypeStruct((_NUM_UNITS, _D_TOK), f32),
        scratch_shapes=[pltpu.VMEM((_NUM_UNITS, _D_TOK), f32),
                        pltpu.VMEM((_NUM_UNITS, 128), f32)],
    )(ids3, token_embs)

    ub16 = unit_embs.astype(bf)
    upacked = lax.bitcast_convert_type(
        jnp.stack([ub16[:, :_D_TOK // 2], ub16[:, _D_TOK // 2:]], axis=-1),
        jnp.int32)

    w1 = W1.astype(bf)
    b1r = b1.reshape(1, _DEC_H)
    w2 = W2.astype(bf)
    b2r = b2.reshape(1, _DEC_OUT)

    p1i = p1.astype(jnp.int32)
    p2i = p2.astype(jnp.int32)

    outs = []
    base = 0
    for k, chunk in enumerate(_CHUNKS):
        nb = chunk // _ROW_TILE
        row0 = base // _ROW_TILE
        pk = jnp.concatenate([
            lax.dynamic_slice_in_dim(p1i, base, chunk),
            lax.dynamic_slice_in_dim(p2i, base, chunk)])
        base += chunk
        gk = _sc_gather(upacked, pk)
        out_k = pl.pallas_call(
            _mlp_body,
            grid=(nb,),
            in_specs=[
                pl.BlockSpec((_ROW_TILE, _H3),
                             lambda i, row0=row0: (i + row0, 0)),
                pl.BlockSpec((_ROW_TILE, _D_TOK // 2), lambda i: (i, 0)),
                pl.BlockSpec((_ROW_TILE, _D_TOK // 2),
                             lambda i, nb=nb: (i + nb, 0)),
                pl.BlockSpec((_H3 + 2 * _D_TOK, _DEC_H), lambda i: (0, 0)),
                pl.BlockSpec((1, _DEC_H), lambda i: (0, 0)),
                pl.BlockSpec((_DEC_H, _DEC_OUT), lambda i: (0, 0)),
                pl.BlockSpec((1, _DEC_OUT), lambda i: (0, 0)),
            ],
            out_specs=pl.BlockSpec((_ROW_TILE, _DEC_OUT), lambda i: (i, 0)),
            out_shape=jax.ShapeDtypeStruct((chunk, _DEC_OUT), f32),
        )(tree_pair_embs, gk, gk, w1, b1r, w2, b2r)
        outs.append(out_k)
    return jnp.concatenate(outs, axis=0)

# --- scband reference (transcript-rebuilt; emitter-appended) ---
"""Pipeline reference for scband-dep-pairing-layer-39307540693255 (READ-ONLY COPY).

The authoritative reference and input builder live on the scoring server;
editing this copy changes nothing except your own understanding.
"""

import jax, jax.numpy as jnp
import numpy as np

NUM_UNITS = 2048
D_TOK = 256
H_TREE = 256
N_TOK = 16384
N_PAIR = 65536
DEC_IN = 3 * H_TREE + 2 * D_TOK  # 1280
DEC_H = 1024
DEC_OUT = 8


def setup_inputs(seed: int = 0) -> dict:
    key = jax.random.key(seed)
    k1, k2, k3, k4, k5, k6, k7, k8, k9 = jax.random.split(key, 9)
    token_embs = jax.random.normal(k1, (N_TOK, D_TOK), dtype=jnp.float32)
    segment_ids = jnp.sort(jax.random.randint(k2, (N_TOK,), 0, NUM_UNITS, dtype=jnp.int64))
    p1 = jax.random.randint(k3, (N_PAIR,), 0, NUM_UNITS, dtype=jnp.int64)
    p2 = jax.random.randint(k4, (N_PAIR,), 0, NUM_UNITS, dtype=jnp.int64)
    tree_pair_embs = jax.random.normal(k5, (N_PAIR, 3 * H_TREE), dtype=jnp.float32)
    W1 = jax.random.normal(k6, (DEC_IN, DEC_H), dtype=jnp.float32) * (1.0 / np.sqrt(DEC_IN))
    b1 = jnp.zeros((DEC_H,), dtype=jnp.float32)
    W2 = jax.random.normal(k7, (DEC_H, DEC_OUT), dtype=jnp.float32) * (1.0 / np.sqrt(DEC_H))
    b2 = jnp.zeros((DEC_OUT,), dtype=jnp.float32)
    return {"token_embs": token_embs, "segment_ids": segment_ids, "p1": p1, "p2": p2,
            "tree_pair_embs": tree_pair_embs, "W1": W1, "b1": b1, "W2": W2, "b2": b2}


def reference(token_embs, segment_ids, p1, p2, tree_pair_embs, W1, b1, W2, b2):
    # agg_emb(..., mode='average', flat=True): average token embeddings per unit span
    seg_sum = jax.ops.segment_sum(token_embs, segment_ids, num_segments=NUM_UNITS)
    counts = jax.ops.segment_sum(jnp.ones((token_embs.shape[0],), dtype=jnp.float32),
                                  segment_ids, num_segments=NUM_UNITS)
    unit_embs_flat = seg_sum / jnp.clip(counts, 1.0, None)[:, None]
    # unit_pair_embs = cat(unit_embs_flat[p1g], unit_embs_flat[p2g])
    unit_pair_embs = jnp.concatenate((jnp.take(unit_embs_flat, p1, axis=0),
                                      jnp.take(unit_embs_flat, p2, axis=0)), axis=-1)
    # pair_embs = cat(tree_pair_embs, unit_pair_embs)
    pair_embs = jnp.concatenate((tree_pair_embs, unit_pair_embs), axis=-1)
    # link_label_clf_layer: Linear -> Tanh -> (Dropout p=0) -> Linear
    h = jnp.tanh(pair_embs @ W1 + b1)
    logits = h @ W2 + b2
    return logits

if __name__ == "__main__":
    import jax
    _d = setup_inputs()
    print(jax.jit(kernel)(*tuple(_d.values())))

</pallas_src>

<mosaic_0001>
#map = affine_map<(d0, d1) -> (0, 0)>
#map1 = affine_map<(d0, d1) -> (0)>
module attributes {stable_mosaic.version = 14 : i64} {
  func.func @gk(%arg0: i32, %arg1: i32, %arg2: memref<2048x128xi32, #tpu.memory_space<hbm>>, %arg3: memref<40960xi32, #tpu.memory_space<hbm>>, %arg4: memref<40960x128xi32, #tpu.memory_space<hbm>>, %arg5: memref<1280xi32, #tpu.memory_space<vmem>>, %arg6: memref<128x128xi32, #tpu.memory_space<vmem>>, %arg7: memref<128x128xi32, #tpu.memory_space<vmem>>, %arg8: memref<2048x128xi32, #tpu.memory_space<vmem_shared>>, %arg9: memref<!tpu.dma_semaphore, #tpu.memory_space<semaphore_mem>>, %arg10: memref<!tpu.dma_semaphore, #tpu.memory_space<semaphore_mem>>, %arg11: memref<!tpu.dma_semaphore, #tpu.memory_space<semaphore_mem>>, %arg12: memref<!tpu.dma_semaphore, #tpu.memory_space<semaphore_mem>>) attributes {dimension_semantics = [#tpu.dimension_semantics<core_parallel>, #tpu.dimension_semantics<subcore_parallel>], iteration_bounds = array<i64: 2, 16>, scalar_prefetch = 0 : i64, scratch_operands = 8 : i64, tpu.core_type = #tpu.core_type<sc_vector_subcore>, window_params = [{transform_indices = #map}, {transform_indices = #map1}, {transform_indices = #map}]} {
    %mul3A = arith.constant 2 : i32
    %mul3A_0 = arith.muli %arg1, %mul3A : i32
    %add3A = arith.addi %mul3A_0, %arg0 : i32
    %mul3A_1 = arith.constant 1280 : i32
    %mul3A_2 = arith.muli %add3A, %mul3A_1 : i32
    %eq3A = arith.constant 0 : i32
    %eq3A_3 = arith.cmpi eq, %arg1, %eq3A : i32
    %convert_element_type3A = arith.extui %eq3A_3 : i1 to i32
    %cond3A = arith.constant 0 : i32
    %cond3A_4 = arith.cmpi ne, %convert_element_type3A, %cond3A : i32
    scf.if %cond3A_4 {
      "tpu.region"() ({
        %run_scoped3A = tpu.sem_alloc : memref<!tpu.dma_semaphore, #tpu.memory_space<semaphore_mem>>
        tpu.enqueue_dma source(%arg2 : memref<2048x128xi32, #tpu.memory_space<hbm>>) target(%arg8 : memref<2048x128xi32, #tpu.memory_space<vmem_shared>>) target_semaphore(%run_scoped3A : memref<!tpu.dma_semaphore, #tpu.memory_space<semaphore_mem>>)
        tpu.wait_dma2 semaphore(%run_scoped3A : memref<!tpu.dma_semaphore, #tpu.memory_space<semaphore_mem>>) src(%arg2 : memref<2048x128xi32, #tpu.memory_space<hbm>>) dst(%arg8 : memref<2048x128xi32, #tpu.memory_space<vmem_shared>>)
        tpu.yield
      }) : () -> ()
    } else {
    }
    "tpu.region"() ({
      %run_scoped3A = tpu.sem_alloc : memref<!tpu.dma_semaphore, #tpu.memory_space<semaphore_mem>>
      %dma_start3A_18 = tpu.memref_slice %arg3[%mul3A_2] : memref<40960xi32, #tpu.memory_space<hbm>> -> memref<1280xi32, #tpu.memory_space<hbm>>
      %dma_start3A_19 = tpu.memref_slice %arg3[%mul3A_2] : memref<40960xi32, #tpu.memory_space<hbm>> -> memref<1280xi32, #tpu.memory_space<hbm>>
      tpu.enqueue_dma source(%dma_start3A_19 : memref<1280xi32, #tpu.memory_space<hbm>>) target(%arg5 : memref<1280xi32, #tpu.memory_space<vmem>>) target_semaphore(%run_scoped3A : memref<!tpu.dma_semaphore, #tpu.memory_space<semaphore_mem>>)
      %dma_wait3A_20 = tpu.memref_slice %arg3[%mul3A_2] : memref<40960xi32, #tpu.memory_space<hbm>> -> memref<1280xi32, #tpu.memory_space<hbm>>
      %dma_wait3A_21 = tpu.memref_slice %arg3[%mul3A_2] : memref<40960xi32, #tpu.memory_space<hbm>> -> memref<1280xi32, #tpu.memory_space<hbm>>
      tpu.wait_dma2 semaphore(%run_scoped3A : memref<!tpu.dma_semaphore, #tpu.memory_space<semaphore_mem>>) src(%dma_wait3A_21 : memref<1280xi32, #tpu.memory_space<hbm>>) dst(%arg5 : memref<1280xi32, #tpu.memory_space<vmem>>)
      tpu.yield
    }) : () -> ()
    %barrier3A = arith.constant 0 : index
    tpu.barrier barrier_id(%barrier3A)
    %dma_start3A = arith.constant 0 : i32
    %dma_start3A_5 = tpu.memref_slice %arg5[%dma_start3A] : memref<1280xi32, #tpu.memory_space<vmem>> -> memref<128xi32, #tpu.memory_space<vmem>>
    %dma_start3A_6 = arith.constant 0 : i32
    %dma_start3A_7 = arith.constant 0 : i32
    %dma_start3A_8 = tpu.memref_slice %arg8[%dma_start3A_6, %dma_start3A_7] : memref<2048x128xi32, #tpu.memory_space<vmem_shared>> -> memref<2048x128xi32, #tpu.memory_space<vmem_shared>>
    tpu.enqueue_indirect_dma source(%dma_start3A_8 : memref<2048x128xi32, #tpu.memory_space<vmem_shared>>) target(%arg6 : memref<128x128xi32, #tpu.memory_space<vmem>>) offsets(%dma_start3A_5 : memref<128xi32, #tpu.memory_space<vmem>>) semaphore(%arg9 : memref<!tpu.dma_semaphore, #tpu.memory_space<semaphore_mem>>)
    %scan3A = arith.constant 0 : i32
    %scan3A_9 = arith.constant 5 : i32
    %scan3A_10 = arith.addi %scan3A, %scan3A_9 : i32
    %scan3A_11 = arith.constant 1 : i32
    scf.for %scan3A_18 = %scan3A to %scan3A_10 step %scan3A_11  : i32 {
      %mul3A_19 = arith.constant 1 : i32
      %mul3A_20 = arith.muli %scan3A_18, %mul3A_19 : i32
      %add3A_21 = arith.constant 0 : i32
      %add3A_22 = arith.addi %add3A_21, %mul3A_20 : i32
      %mul3A_23 = arith.constant 2 : i32
      %mul3A_24 = arith.muli %mul3A_23, %add3A_22 : i32
      %add3A_25 = arith.constant 1 : i32
      %add3A_26 = arith.addi %mul3A_24, %add3A_25 : i32
      %mul3A_27 = arith.constant 128 : i32
      %mul3A_28 = arith.muli %mul3A_24, %mul3A_27 : i32
      %dma_wait3A_29 = tpu.memref_slice %arg5[%mul3A_28] : memref<1280xi32, #tpu.memory_space<vmem>> -> memref<128xi32, #tpu.memory_space<vmem>>
      %dma_wait3A_30 = arith.constant 0 : i32
      %dma_wait3A_31 = arith.constant 0 : i32
      %dma_wait3A_32 = tpu.memref_slice %arg8[%dma_wait3A_30, %dma_wait3A_31] : memref<2048x128xi32, #tpu.memory_space<vmem_shared>> -> memref<2048x128xi32, #tpu.memory_space<vmem_shared>>
      tpu.wait_indirect_dma semaphore(%arg9 : memref<!tpu.dma_semaphore, #tpu.memory_space<semaphore_mem>>) src(%dma_wait3A_32 : memref<2048x128xi32, #tpu.memory_space<vmem_shared>>) dst(%arg6 : memref<128x128xi32, #tpu.memory_space<vmem>>)
      %gt3A = arith.constant 0 : i32
      %gt3A_33 = arith.cmpi sgt, %add3A_22, %gt3A : i32
      %convert_element_type3A_34 = arith.extui %gt3A_33 : i1 to i32
      %cond3A_35 = arith.constant 0 : i32
      %cond3A_36 = arith.cmpi ne, %convert_element_type3A_34, %cond3A_35 : i32
      scf.if %cond3A_36 {
        %sub3A = arith.constant 2 : i32
        %sub3A_76 = arith.subi %add3A_26, %sub3A : i32
        %mul3A_77 = arith.constant 128 : i32
        %mul3A_78 = arith.muli %sub3A_76, %mul3A_77 : i32
        %add3A_79 = arith.addi %mul3A_2, %mul3A_78 : i32
        %dma_wait3A_80 = arith.constant 0 : i32
        %dma_wait3A_81 = tpu.memref_slice %arg4[%add3A_79, %dma_wait3A_80] : memref<40960x128xi32, #tpu.memory_space<hbm>> -> memref<128x128xi32, #tpu.memory_space<hbm>>
        %dma_wait3A_82 = arith.constant 0 : i32
        %dma_wait3A_83 = tpu.memref_slice %arg4[%add3A_79, %dma_wait3A_82] : memref<40960x128xi32, #tpu.memory_space<hbm>> -> memref<128x128xi32, #tpu.memory_space<hbm>>
        tpu.wait_dma2 semaphore(%arg12 : memref<!tpu.dma_semaphore, #tpu.memory_space<semaphore_mem>>) src(%arg7 : memref<128x128xi32, #tpu.memory_space<vmem>>) dst(%dma_wait3A_83 : memref<128x128xi32, #tpu.memory_space<hbm>>)
      } else {
      }
      %mul3A_37 = arith.constant 128 : i32
      %mul3A_38 = arith.muli %add3A_26, %mul3A_37 : i32
      %dma_start3A_39 = tpu.memref_slice %arg5[%mul3A_38] : memref<1280xi32, #tpu.memory_space<vmem>> -> memref<128xi32, #tpu.memory_space<vmem>>
      %dma_start3A_40 = arith.constant 0 : i32
      %dma_start3A_41 = arith.constant 0 : i32
      %dma_start3A_42 = tpu.memref_slice %arg8[%dma_start3A_40, %dma_start3A_41] : memref<2048x128xi32, #tpu.memory_space<vmem_shared>> -> memref<2048x128xi32, #tpu.memory_space<vmem_shared>>
      tpu.enqueue_indirect_dma source(%dma_start3A_42 : memref<2048x128xi32, #tpu.memory_space<vmem_shared>>) target(%arg7 : memref<128x128xi32, #tpu.memory_space<vmem>>) offsets(%dma_start3A_39 : memref<128xi32, #tpu.memory_space<vmem>>) semaphore(%arg10 : memref<!tpu.dma_semaphore, #tpu.memory_space<semaphore_mem>>)
      %mul3A_43 = arith.constant 128 : i32
      %mul3A_44 = arith.muli %mul3A_24, %mul3A_43 : i32
      %add3A_45 = arith.addi %mul3A_2, %mul3A_44 : i32
      %dma_start3A_46 = arith.constant 0 : i32
      %dma_start3A_47 = tpu.memref_slice %arg4[%add3A_45, %dma_start3A_46] : memref<40960x128xi32, #tpu.memory_space<hbm>> -> memref<128x128xi32, #tpu.memory_space<hbm>>
      %dma_start3A_48 = arith.constant 0 : i32
      %dma_start3A_49 = tpu.memref_slice %arg4[%add3A_45, %dma_start3A_48] : memref<40960x128xi32, #tpu.memory_space<hbm>> -> memref<128x128xi32, #tpu.memory_space<hbm>>
      tpu.enqueue_dma source(%arg6 : memref<128x128xi32, #tpu.memory_space<vmem>>) target(%dma_start3A_49 : memref<128x128xi32, #tpu.memory_space<hbm>>) target_semaphore(%arg11 : memref<!tpu.dma_semaphore, #tpu.memory_space<semaphore_mem>>)
      %mul3A_50 = arith.constant 128 : i32
      %mul3A_51 = arith.muli %add3A_26, %mul3A_50 : i32
      %dma_wait3A_52 = tpu.memref_slice %arg5[%mul3A_51] : memref<1280xi32, #tpu.memory_space<vmem>> -> memref<128xi32, #tpu.memory_space<vmem>>
      %dma_wait3A_53 = arith.constant 0 : i32
      %dma_wait3A_54 = arith.constant 0 : i32
      %dma_wait3A_55 = tpu.memref_slice %arg8[%dma_wait3A_53, %dma_wait3A_54] : memref<2048x128xi32, #tpu.memory_space<vmem_shared>> -> memref<2048x128xi32, #tpu.memory_space<vmem_shared>>
      tpu.wait_indirect_dma semaphore(%arg10 : memref<!tpu.dma_semaphore, #tpu.memory_space<semaphore_mem>>) src(%dma_wait3A_55 : memref<2048x128xi32, #tpu.memory_space<vmem_shared>>) dst(%arg7 : memref<128x128xi32, #tpu.memory_space<vmem>>)
      %mul3A_56 = arith.constant 128 : i32
      %mul3A_57 = arith.muli %mul3A_24, %mul3A_56 : i32
      %add3A_58 = arith.addi %mul3A_2, %mul3A_57 : i32
      %dma_wait3A_59 = arith.constant 0 : i32
      %dma_wait3A_60 = tpu.memref_slice %arg4[%add3A_58, %dma_wait3A_59] : memref<40960x128xi32, #tpu.memory_space<hbm>> -> memref<128x128xi32, #tpu.memory_space<hbm>>
      %dma_wait3A_61 = arith.constant 0 : i32
      %dma_wait3A_62 = tpu.memref_slice %arg4[%add3A_58, %dma_wait3A_61] : memref<40960x128xi32, #tpu.memory_space<hbm>> -> memref<128x128xi32, #tpu.memory_space<hbm>>
      tpu.wait_dma2 semaphore(%arg11 : memref<!tpu.dma_semaphore, #tpu.memory_space<semaphore_mem>>) src(%arg6 : memref<128x128xi32, #tpu.memory_space<vmem>>) dst(%dma_wait3A_62 : memref<128x128xi32, #tpu.memory_space<hbm>>)
      %add3A_63 = arith.constant 1 : i32
      %add3A_64 = arith.addi %add3A_26, %add3A_63 : i32
      %lt3A = arith.constant 10 : i32
      %lt3A_65 = arith.cmpi slt, %add3A_64, %lt3A : i32
      %convert_element_type3A_66 = arith.extui %lt3A_65 : i1 to i32
      %cond3A_67 = arith.constant 0 : i32
      %cond3A_68 = arith.cmpi ne, %convert_element_type3A_66, %cond3A_67 : i32
      scf.if %cond3A_68 {
        %add3A_76 = arith.constant 1 : i32
        %add3A_77 = arith.addi %add3A_26, %add3A_76 : i32
        %mul3A_78 = arith.constant 128 : i32
        %mul3A_79 = arith.muli %add3A_77, %mul3A_78 : i32
        %dma_start3A_80 = tpu.memref_slice %arg5[%mul3A_79] : memref<1280xi32, #tpu.memory_space<vmem>> -> memref<128xi32, #tpu.memory_space<vmem>>
        %dma_start3A_81 = arith.constant 0 : i32
        %dma_start3A_82 = arith.constant 0 : i32
        %dma_start3A_83 = tpu.memref_slice %arg8[%dma_start3A_81, %dma_start3A_82] : memref<2048x128xi32, #tpu.memory_space<vmem_shared>> -> memref<2048x128xi32, #tpu.memory_space<vmem_shared>>
        tpu.enqueue_indirect_dma source(%dma_start3A_83 : memref<2048x128xi32, #tpu.memory_space<vmem_shared>>) target(%arg6 : memref<128x128xi32, #tpu.memory_space<vmem>>) offsets(%dma_start3A_80 : memref<128xi32, #tpu.memory_space<vmem>>) semaphore(%arg9 : memref<!tpu.dma_semaphore, #tpu.memory_space<semaphore_mem>>)
      } else {
      }
      %mul3A_69 = arith.constant 128 : i32
      %mul3A_70 = arith.muli %add3A_26, %mul3A_69 : i32
      %add3A_71 = arith.addi %mul3A_2, %mul3A_70 : i32
      %dma_start3A_72 = arith.constant 0 : i32
      %dma_start3A_73 = tpu.memref_slice %arg4[%add3A_71, %dma_start3A_72] : memref<40960x128xi32, #tpu.memory_space<hbm>> -> memref<128x128xi32, #tpu.memory_space<hbm>>
      %dma_start3A_74 = arith.constant 0 : i32
      %dma_start3A_75 = tpu.memref_slice %arg4[%add3A_71, %dma_start3A_74] : memref<40960x128xi32, #tpu.memory_space<hbm>> -> memref<128x128xi32, #tpu.memory_space<hbm>>
      tpu.enqueue_dma source(%arg7 : memref<128x128xi32, #tpu.memory_space<vmem>>) target(%dma_start3A_75 : memref<128x128xi32, #tpu.memory_space<hbm>>) target_semaphore(%arg12 : memref<!tpu.dma_semaphore, #tpu.memory_space<semaphore_mem>>)
    }
    %scan3A_12 = arith.constant 5 : i32
    %add3A_13 = arith.constant 1152 : i32
    %add3A_14 = arith.addi %mul3A_2, %add3A_13 : i32
    %dma_wait3A = arith.constant 0 : i32
    %dma_wait3A_15 = tpu.memref_slice %arg4[%add3A_14, %dma_wait3A] : memref<40960x128xi32, #tpu.memory_space<hbm>> -> memref<128x128xi32, #tpu.memory_space<hbm>>
    %dma_wait3A_16 = arith.constant 0 : i32
    %dma_wait3A_17 = tpu.memref_slice %arg4[%add3A_14, %dma_wait3A_16] : memref<40960x128xi32, #tpu.memory_space<hbm>> -> memref<128x128xi32, #tpu.memory_space<hbm>>
    tpu.wait_dma2 semaphore(%arg12 : memref<!tpu.dma_semaphore, #tpu.memory_space<semaphore_mem>>) src(%arg7 : memref<128x128xi32, #tpu.memory_space<vmem>>) dst(%dma_wait3A_17 : memref<128x128xi32, #tpu.memory_space<hbm>>)
    return
  }
}

#map = affine_map<(d0, d1) -> (0, 0)>
#map1 = affine_map<(d0, d1) -> (0)>
module attributes {stable_mosaic.version = 14 : i64} {
  func.func @gk(%arg0: i32, %arg1: i32, %arg2: memref<2048x128xi32, #tpu.memory_space<hbm>>, %arg3: memref<16384xi32, #tpu.memory_space<hbm>>, %arg4: memref<16384x128xi32, #tpu.memory_space<hbm>>, %arg5: memref<512xi32, #tpu.memory_space<vmem>>, %arg6: memref<128x128xi32, #tpu.memory_space<vmem>>, %arg7: memref<128x128xi32, #tpu.memory_space<vmem>>, %arg8: memref<2048x128xi32, #tpu.memory_space<vmem_shared>>, %arg9: memref<!tpu.dma_semaphore, #tpu.memory_space<semaphore_mem>>, %arg10: memref<!tpu.dma_semaphore, #tpu.memory_space<semaphore_mem>>, %arg11: memref<!tpu.dma_semaphore, #tpu.memory_space<semaphore_mem>>, %arg12: memref<!tpu.dma_semaphore, #tpu.memory_space<semaphore_mem>>) attributes {dimension_semantics = [#tpu.dimension_semantics<core_parallel>, #tpu.dimension_semantics<subcore_parallel>], iteration_bounds = array<i64: 2, 16>, scalar_prefetch = 0 : i64, scratch_operands = 8 : i64, tpu.core_type = #tpu.core_type<sc_vector_subcore>, window_params = [{transform_indices = #map}, {transform_indices = #map1}, {transform_indices = #map}]} {
    %mul3A = arith.constant 2 : i32
    %mul3A_0 = arith.muli %arg1, %mul3A : i32
    %add3A = arith.addi %mul3A_0, %arg0 : i32
    %mul3A_1 = arith.constant 512 : i32
    %mul3A_2 = arith.muli %add3A, %mul3A_1 : i32
    %eq3A = arith.constant 0 : i32
    %eq3A_3 = arith.cmpi eq, %arg1, %eq3A : i32
    %convert_element_type3A = arith.extui %eq3A_3 : i1 to i32
    %cond3A = arith.constant 0 : i32
    %cond3A_4 = arith.cmpi ne, %convert_element_type3A, %cond3A : i32
    scf.if %cond3A_4 {
      "tpu.region"() ({
        %run_scoped3A = tpu.sem_alloc : memref<!tpu.dma_semaphore, #tpu.memory_space<semaphore_mem>>
        tpu.enqueue_dma source(%arg2 : memref<2048x128xi32, #tpu.memory_space<hbm>>) target(%arg8 : memref<2048x128xi32, #tpu.memory_space<vmem_shared>>) target_semaphore(%run_scoped3A : memref<!tpu.dma_semaphore, #tpu.memory_space<semaphore_mem>>)
        tpu.wait_dma2 semaphore(%run_scoped3A : memref<!tpu.dma_semaphore, #tpu.memory_space<semaphore_mem>>) src(%arg2 : memref<2048x128xi32, #tpu.memory_space<hbm>>) dst(%arg8 : memref<2048x128xi32, #tpu.memory_space<vmem_shared>>)
        tpu.yield
      }) : () -> ()
    } else {
    }
    "tpu.region"() ({
      %run_scoped3A = tpu.sem_alloc : memref<!tpu.dma_semaphore, #tpu.memory_space<semaphore_mem>>
      %dma_start3A_18 = tpu.memref_slice %arg3[%mul3A_2] : memref<16384xi32, #tpu.memory_space<hbm>> -> memref<512xi32, #tpu.memory_space<hbm>>
      %dma_start3A_19 = tpu.memref_slice %arg3[%mul3A_2] : memref<16384xi32, #tpu.memory_space<hbm>> -> memref<512xi32, #tpu.memory_space<hbm>>
      tpu.enqueue_dma source(%dma_start3A_19 : memref<512xi32, #tpu.memory_space<hbm>>) target(%arg5 : memref<512xi32, #tpu.memory_space<vmem>>) target_semaphore(%run_scoped3A : memref<!tpu.dma_semaphore, #tpu.memory_space<semaphore_mem>>)
      %dma_wait3A_20 = tpu.memref_slice %arg3[%mul3A_2] : memref<16384xi32, #tpu.memory_space<hbm>> -> memref<512xi32, #tpu.memory_space<hbm>>
      %dma_wait3A_21 = tpu.memref_slice %arg3[%mul3A_2] : memref<16384xi32, #tpu.memory_space<hbm>> -> memref<512xi32, #tpu.memory_space<hbm>>
      tpu.wait_dma2 semaphore(%run_scoped3A : memref<!tpu.dma_semaphore, #tpu.memory_space<semaphore_mem>>) src(%dma_wait3A_21 : memref<512xi32, #tpu.memory_space<hbm>>) dst(%arg5 : memref<512xi32, #tpu.memory_space<vmem>>)
      tpu.yield
    }) : () -> ()
    %barrier3A = arith.constant 0 : index
    tpu.barrier barrier_id(%barrier3A)
    %dma_start3A = arith.constant 0 : i32
    %dma_start3A_5 = tpu.memref_slice %arg5[%dma_start3A] : memref<512xi32, #tpu.memory_space<vmem>> -> memref<128xi32, #tpu.memory_space<vmem>>
    %dma_start3A_6 = arith.constant 0 : i32
    %dma_start3A_7 = arith.constant 0 : i32
    %dma_start3A_8 = tpu.memref_slice %arg8[%dma_start3A_6, %dma_start3A_7] : memref<2048x128xi32, #tpu.memory_space<vmem_shared>> -> memref<2048x128xi32, #tpu.memory_space<vmem_shared>>
    tpu.enqueue_indirect_dma source(%dma_start3A_8 : memref<2048x128xi32, #tpu.memory_space<vmem_shared>>) target(%arg6 : memref<128x128xi32, #tpu.memory_space<vmem>>) offsets(%dma_start3A_5 : memref<128xi32, #tpu.memory_space<vmem>>) semaphore(%arg9 : memref<!tpu.dma_semaphore, #tpu.memory_space<semaphore_mem>>)
    %scan3A = arith.constant 0 : i32
    %scan3A_9 = arith.constant 2 : i32
    %scan3A_10 = arith.addi %scan3A, %scan3A_9 : i32
    %scan3A_11 = arith.constant 1 : i32
    scf.for %scan3A_18 = %scan3A to %scan3A_10 step %scan3A_11  : i32 {
      %mul3A_19 = arith.constant 1 : i32
      %mul3A_20 = arith.muli %scan3A_18, %mul3A_19 : i32
      %add3A_21 = arith.constant 0 : i32
      %add3A_22 = arith.addi %add3A_21, %mul3A_20 : i32
      %mul3A_23 = arith.constant 2 : i32
      %mul3A_24 = arith.muli %mul3A_23, %add3A_22 : i32
      %add3A_25 = arith.constant 1 : i32
      %add3A_26 = arith.addi %mul3A_24, %add3A_25 : i32
      %mul3A_27 = arith.constant 128 : i32
      %mul3A_28 = arith.muli %mul3A_24, %mul3A_27 : i32
      %dma_wait3A_29 = tpu.memref_slice %arg5[%mul3A_28] : memref<512xi32, #tpu.memory_space<vmem>> -> memref<128xi32, #tpu.memory_space<vmem>>
      %dma_wait3A_30 = arith.constant 0 : i32
      %dma_wait3A_31 = arith.constant 0 : i32
      %dma_wait3A_32 = tpu.memref_slice %arg8[%dma_wait3A_30, %dma_wait3A_31] : memref<2048x128xi32, #tpu.memory_space<vmem_shared>> -> memref<2048x128xi32, #tpu.memory_space<vmem_shared>>
      tpu.wait_indirect_dma semaphore(%arg9 : memref<!tpu.dma_semaphore, #tpu.memory_space<semaphore_mem>>) src(%dma_wait3A_32 : memref<2048x128xi32, #tpu.memory_space<vmem_shared>>) dst(%arg6 : memref<128x128xi32, #tpu.memory_space<vmem>>)
      %gt3A = arith.constant 0 : i32
      %gt3A_33 = arith.cmpi sgt, %add3A_22, %gt3A : i32
      %convert_element_type3A_34 = arith.extui %gt3A_33 : i1 to i32
      %cond3A_35 = arith.constant 0 : i32
      %cond3A_36 = arith.cmpi ne, %convert_element_type3A_34, %cond3A_35 : i32
      scf.if %cond3A_36 {
        %sub3A = arith.constant 2 : i32
        %sub3A_76 = arith.subi %add3A_26, %sub3A : i32
        %mul3A_77 = arith.constant 128 : i32
        %mul3A_78 = arith.muli %sub3A_76, %mul3A_77 : i32
        %add3A_79 = arith.addi %mul3A_2, %mul3A_78 : i32
        %dma_wait3A_80 = arith.constant 0 : i32
        %dma_wait3A_81 = tpu.memref_slice %arg4[%add3A_79, %dma_wait3A_80] : memref<16384x128xi32, #tpu.memory_space<hbm>> -> memref<128x128xi32, #tpu.memory_space<hbm>>
        %dma_wait3A_82 = arith.constant 0 : i32
        %dma_wait3A_83 = tpu.memref_slice %arg4[%add3A_79, %dma_wait3A_82] : memref<16384x128xi32, #tpu.memory_space<hbm>> -> memref<128x128xi32, #tpu.memory_space<hbm>>
        tpu.wait_dma2 semaphore(%arg12 : memref<!tpu.dma_semaphore, #tpu.memory_space<semaphore_mem>>) src(%arg7 : memref<128x128xi32, #tpu.memory_space<vmem>>) dst(%dma_wait3A_83 : memref<128x128xi32, #tpu.memory_space<hbm>>)
      } else {
      }
      %mul3A_37 = arith.constant 128 : i32
      %mul3A_38 = arith.muli %add3A_26, %mul3A_37 : i32
      %dma_start3A_39 = tpu.memref_slice %arg5[%mul3A_38] : memref<512xi32, #tpu.memory_space<vmem>> -> memref<128xi32, #tpu.memory_space<vmem>>
      %dma_start3A_40 = arith.constant 0 : i32
      %dma_start3A_41 = arith.constant 0 : i32
      %dma_start3A_42 = tpu.memref_slice %arg8[%dma_start3A_40, %dma_start3A_41] : memref<2048x128xi32, #tpu.memory_space<vmem_shared>> -> memref<2048x128xi32, #tpu.memory_space<vmem_shared>>
      tpu.enqueue_indirect_dma source(%dma_start3A_42 : memref<2048x128xi32, #tpu.memory_space<vmem_shared>>) target(%arg7 : memref<128x128xi32, #tpu.memory_space<vmem>>) offsets(%dma_start3A_39 : memref<128xi32, #tpu.memory_space<vmem>>) semaphore(%arg10 : memref<!tpu.dma_semaphore, #tpu.memory_space<semaphore_mem>>)
      %mul3A_43 = arith.constant 128 : i32
      %mul3A_44 = arith.muli %mul3A_24, %mul3A_43 : i32
      %add3A_45 = arith.addi %mul3A_2, %mul3A_44 : i32
      %dma_start3A_46 = arith.constant 0 : i32
      %dma_start3A_47 = tpu.memref_slice %arg4[%add3A_45, %dma_start3A_46] : memref<16384x128xi32, #tpu.memory_space<hbm>> -> memref<128x128xi32, #tpu.memory_space<hbm>>
      %dma_start3A_48 = arith.constant 0 : i32
      %dma_start3A_49 = tpu.memref_slice %arg4[%add3A_45, %dma_start3A_48] : memref<16384x128xi32, #tpu.memory_space<hbm>> -> memref<128x128xi32, #tpu.memory_space<hbm>>
      tpu.enqueue_dma source(%arg6 : memref<128x128xi32, #tpu.memory_space<vmem>>) target(%dma_start3A_49 : memref<128x128xi32, #tpu.memory_space<hbm>>) target_semaphore(%arg11 : memref<!tpu.dma_semaphore, #tpu.memory_space<semaphore_mem>>)
      %mul3A_50 = arith.constant 128 : i32
      %mul3A_51 = arith.muli %add3A_26, %mul3A_50 : i32
      %dma_wait3A_52 = tpu.memref_slice %arg5[%mul3A_51] : memref<512xi32, #tpu.memory_space<vmem>> -> memref<128xi32, #tpu.memory_space<vmem>>
      %dma_wait3A_53 = arith.constant 0 : i32
      %dma_wait3A_54 = arith.constant 0 : i32
      %dma_wait3A_55 = tpu.memref_slice %arg8[%dma_wait3A_53, %dma_wait3A_54] : memref<2048x128xi32, #tpu.memory_space<vmem_shared>> -> memref<2048x128xi32, #tpu.memory_space<vmem_shared>>
      tpu.wait_indirect_dma semaphore(%arg10 : memref<!tpu.dma_semaphore, #tpu.memory_space<semaphore_mem>>) src(%dma_wait3A_55 : memref<2048x128xi32, #tpu.memory_space<vmem_shared>>) dst(%arg7 : memref<128x128xi32, #tpu.memory_space<vmem>>)
      %mul3A_56 = arith.constant 128 : i32
      %mul3A_57 = arith.muli %mul3A_24, %mul3A_56 : i32
      %add3A_58 = arith.addi %mul3A_2, %mul3A_57 : i32
      %dma_wait3A_59 = arith.constant 0 : i32
      %dma_wait3A_60 = tpu.memref_slice %arg4[%add3A_58, %dma_wait3A_59] : memref<16384x128xi32, #tpu.memory_space<hbm>> -> memref<128x128xi32, #tpu.memory_space<hbm>>
      %dma_wait3A_61 = arith.constant 0 : i32
      %dma_wait3A_62 = tpu.memref_slice %arg4[%add3A_58, %dma_wait3A_61] : memref<16384x128xi32, #tpu.memory_space<hbm>> -> memref<128x128xi32, #tpu.memory_space<hbm>>
      tpu.wait_dma2 semaphore(%arg11 : memref<!tpu.dma_semaphore, #tpu.memory_space<semaphore_mem>>) src(%arg6 : memref<128x128xi32, #tpu.memory_space<vmem>>) dst(%dma_wait3A_62 : memref<128x128xi32, #tpu.memory_space<hbm>>)
      %add3A_63 = arith.constant 1 : i32
      %add3A_64 = arith.addi %add3A_26, %add3A_63 : i32
      %lt3A = arith.constant 4 : i32
      %lt3A_65 = arith.cmpi slt, %add3A_64, %lt3A : i32
      %convert_element_type3A_66 = arith.extui %lt3A_65 : i1 to i32
      %cond3A_67 = arith.constant 0 : i32
      %cond3A_68 = arith.cmpi ne, %convert_element_type3A_66, %cond3A_67 : i32
      scf.if %cond3A_68 {
        %add3A_76 = arith.constant 1 : i32
        %add3A_77 = arith.addi %add3A_26, %add3A_76 : i32
        %mul3A_78 = arith.constant 128 : i32
        %mul3A_79 = arith.muli %add3A_77, %mul3A_78 : i32
        %dma_start3A_80 = tpu.memref_slice %arg5[%mul3A_79] : memref<512xi32, #tpu.memory_space<vmem>> -> memref<128xi32, #tpu.memory_space<vmem>>
        %dma_start3A_81 = arith.constant 0 : i32
        %dma_start3A_82 = arith.constant 0 : i32
        %dma_start3A_83 = tpu.memref_slice %arg8[%dma_start3A_81, %dma_start3A_82] : memref<2048x128xi32, #tpu.memory_space<vmem_shared>> -> memref<2048x128xi32, #tpu.memory_space<vmem_shared>>
        tpu.enqueue_indirect_dma source(%dma_start3A_83 : memref<2048x128xi32, #tpu.memory_space<vmem_shared>>) target(%arg6 : memref<128x128xi32, #tpu.memory_space<vmem>>) offsets(%dma_start3A_80 : memref<128xi32, #tpu.memory_space<vmem>>) semaphore(%arg9 : memref<!tpu.dma_semaphore, #tpu.memory_space<semaphore_mem>>)
      } else {
      }
      %mul3A_69 = arith.constant 128 : i32
      %mul3A_70 = arith.muli %add3A_26, %mul3A_69 : i32
      %add3A_71 = arith.addi %mul3A_2, %mul3A_70 : i32
      %dma_start3A_72 = arith.constant 0 : i32
      %dma_start3A_73 = tpu.memref_slice %arg4[%add3A_71, %dma_start3A_72] : memref<16384x128xi32, #tpu.memory_space<hbm>> -> memref<128x128xi32, #tpu.memory_space<hbm>>
      %dma_start3A_74 = arith.constant 0 : i32
      %dma_start3A_75 = tpu.memref_slice %arg4[%add3A_71, %dma_start3A_74] : memref<16384x128xi32, #tpu.memory_space<hbm>> -> memref<128x128xi32, #tpu.memory_space<hbm>>
      tpu.enqueue_dma source(%arg7 : memref<128x128xi32, #tpu.memory_space<vmem>>) target(%dma_start3A_75 : memref<128x128xi32, #tpu.memory_space<hbm>>) target_semaphore(%arg12 : memref<!tpu.dma_semaphore, #tpu.memory_space<semaphore_mem>>)
    }
    %scan3A_12 = arith.constant 2 : i32
    %add3A_13 = arith.constant 384 : i32
    %add3A_14 = arith.addi %mul3A_2, %add3A_13 : i32
    %dma_wait3A = arith.constant 0 : i32
    %dma_wait3A_15 = tpu.memref_slice %arg4[%add3A_14, %dma_wait3A] : memref<16384x128xi32, #tpu.memory_space<hbm>> -> memref<128x128xi32, #tpu.memory_space<hbm>>
    %dma_wait3A_16 = arith.constant 0 : i32
    %dma_wait3A_17 = tpu.memref_slice %arg4[%add3A_14, %dma_wait3A_16] : memref<16384x128xi32, #tpu.memory_space<hbm>> -> memref<128x128xi32, #tpu.memory_space<hbm>>
    tpu.wait_dma2 semaphore(%arg12 : memref<!tpu.dma_semaphore, #tpu.memory_space<semaphore_mem>>) src(%arg7 : memref<128x128xi32, #tpu.memory_space<vmem>>) dst(%dma_wait3A_17 : memref<128x128xi32, #tpu.memory_space<hbm>>)
    return
  }
}

#map = affine_map<(d0, d1) -> (0, 0)>
#map1 = affine_map<(d0, d1) -> (0)>
module attributes {stable_mosaic.version = 14 : i64} {
  func.func @gk(%arg0: i32, %arg1: i32, %arg2: memref<2048x128xi32, #tpu.memory_space<hbm>>, %arg3: memref<32768xi32, #tpu.memory_space<hbm>>, %arg4: memref<32768x128xi32, #tpu.memory_space<hbm>>, %arg5: memref<1024xi32, #tpu.memory_space<vmem>>, %arg6: memref<128x128xi32, #tpu.memory_space<vmem>>, %arg7: memref<128x128xi32, #tpu.memory_space<vmem>>, %arg8: memref<2048x128xi32, #tpu.memory_space<vmem_shared>>, %arg9: memref<!tpu.dma_semaphore, #tpu.memory_space<semaphore_mem>>, %arg10: memref<!tpu.dma_semaphore, #tpu.memory_space<semaphore_mem>>, %arg11: memref<!tpu.dma_semaphore, #tpu.memory_space<semaphore_mem>>, %arg12: memref<!tpu.dma_semaphore, #tpu.memory_space<semaphore_mem>>) attributes {dimension_semantics = [#tpu.dimension_semantics<core_parallel>, #tpu.dimension_semantics<subcore_parallel>], iteration_bounds = array<i64: 2, 16>, scalar_prefetch = 0 : i64, scratch_operands = 8 : i64, tpu.core_type = #tpu.core_type<sc_vector_subcore>, window_params = [{transform_indices = #map}, {transform_indices = #map1}, {transform_indices = #map}]} {
    %mul3A = arith.constant 2 : i32
    %mul3A_0 = arith.muli %arg1, %mul3A : i32
    %add3A = arith.addi %mul3A_0, %arg0 : i32
    %mul3A_1 = arith.constant 1024 : i32
    %mul3A_2 = arith.muli %add3A, %mul3A_1 : i32
    %eq3A = arith.constant 0 : i32
    %eq3A_3 = arith.cmpi eq, %arg1, %eq3A : i32
    %convert_element_type3A = arith.extui %eq3A_3 : i1 to i32
    %cond3A = arith.constant 0 : i32
    %cond3A_4 = arith.cmpi ne, %convert_element_type3A, %cond3A : i32
    scf.if %cond3A_4 {
      "tpu.region"() ({
        %run_scoped3A = tpu.sem_alloc : memref<!tpu.dma_semaphore, #tpu.memory_space<semaphore_mem>>
        tpu.enqueue_dma source(%arg2 : memref<2048x128xi32, #tpu.memory_space<hbm>>) target(%arg8 : memref<2048x128xi32, #tpu.memory_space<vmem_shared>>) target_semaphore(%run_scoped3A : memref<!tpu.dma_semaphore, #tpu.memory_space<semaphore_mem>>)
        tpu.wait_dma2 semaphore(%run_scoped3A : memref<!tpu.dma_semaphore, #tpu.memory_space<semaphore_mem>>) src(%arg2 : memref<2048x128xi32, #tpu.memory_space<hbm>>) dst(%arg8 : memref<2048x128xi32, #tpu.memory_space<vmem_shared>>)
        tpu.yield
      }) : () -> ()
    } else {
    }
    "tpu.region"() ({
      %run_scoped3A = tpu.sem_alloc : memref<!tpu.dma_semaphore, #tpu.memory_space<semaphore_mem>>
      %dma_start3A_18 = tpu.memref_slice %arg3[%mul3A_2] : memref<32768xi32, #tpu.memory_space<hbm>> -> memref<1024xi32, #tpu.memory_space<hbm>>
      %dma_start3A_19 = tpu.memref_slice %arg3[%mul3A_2] : memref<32768xi32, #tpu.memory_space<hbm>> -> memref<1024xi32, #tpu.memory_space<hbm>>
      tpu.enqueue_dma source(%dma_start3A_19 : memref<1024xi32, #tpu.memory_space<hbm>>) target(%arg5 : memref<1024xi32, #tpu.memory_space<vmem>>) target_semaphore(%run_scoped3A : memref<!tpu.dma_semaphore, #tpu.memory_space<semaphore_mem>>)
      %dma_wait3A_20 = tpu.memref_slice %arg3[%mul3A_2] : memref<32768xi32, #tpu.memory_space<hbm>> -> memref<1024xi32, #tpu.memory_space<hbm>>
      %dma_wait3A_21 = tpu.memref_slice %arg3[%mul3A_2] : memref<32768xi32, #tpu.memory_space<hbm>> -> memref<1024xi32, #tpu.memory_space<hbm>>
      tpu.wait_dma2 semaphore(%run_scoped3A : memref<!tpu.dma_semaphore, #tpu.memory_space<semaphore_mem>>) src(%dma_wait3A_21 : memref<1024xi32, #tpu.memory_space<hbm>>) dst(%arg5 : memref<1024xi32, #tpu.memory_space<vmem>>)
      tpu.yield
    }) : () -> ()
    %barrier3A = arith.constant 0 : index
    tpu.barrier barrier_id(%barrier3A)
    %dma_start3A = arith.constant 0 : i32
    %dma_start3A_5 = tpu.memref_slice %arg5[%dma_start3A] : memref<1024xi32, #tpu.memory_space<vmem>> -> memref<128xi32, #tpu.memory_space<vmem>>
    %dma_start3A_6 = arith.constant 0 : i32
    %dma_start3A_7 = arith.constant 0 : i32
    %dma_start3A_8 = tpu.memref_slice %arg8[%dma_start3A_6, %dma_start3A_7] : memref<2048x128xi32, #tpu.memory_space<vmem_shared>> -> memref<2048x128xi32, #tpu.memory_space<vmem_shared>>
    tpu.enqueue_indirect_dma source(%dma_start3A_8 : memref<2048x128xi32, #tpu.memory_space<vmem_shared>>) target(%arg6 : memref<128x128xi32, #tpu.memory_space<vmem>>) offsets(%dma_start3A_5 : memref<128xi32, #tpu.memory_space<vmem>>) semaphore(%arg9 : memref<!tpu.dma_semaphore, #tpu.memory_space<semaphore_mem>>)
    %scan3A = arith.constant 0 : i32
    %scan3A_9 = arith.constant 4 : i32
    %scan3A_10 = arith.addi %scan3A, %scan3A_9 : i32
    %scan3A_11 = arith.constant 1 : i32
    scf.for %scan3A_18 = %scan3A to %scan3A_10 step %scan3A_11  : i32 {
      %mul3A_19 = arith.constant 1 : i32
      %mul3A_20 = arith.muli %scan3A_18, %mul3A_19 : i32
      %add3A_21 = arith.constant 0 : i32
      %add3A_22 = arith.addi %add3A_21, %mul3A_20 : i32
      %mul3A_23 = arith.constant 2 : i32
      %mul3A_24 = arith.muli %mul3A_23, %add3A_22 : i32
      %add3A_25 = arith.constant 1 : i32
      %add3A_26 = arith.addi %mul3A_24, %add3A_25 : i32
      %mul3A_27 = arith.constant 128 : i32
      %mul3A_28 = arith.muli %mul3A_24, %mul3A_27 : i32
      %dma_wait3A_29 = tpu.memref_slice %arg5[%mul3A_28] : memref<1024xi32, #tpu.memory_space<vmem>> -> memref<128xi32, #tpu.memory_space<vmem>>
      %dma_wait3A_30 = arith.constant 0 : i32
      %dma_wait3A_31 = arith.constant 0 : i32
      %dma_wait3A_32 = tpu.memref_slice %arg8[%dma_wait3A_30, %dma_wait3A_31] : memref<2048x128xi32, #tpu.memory_space<vmem_shared>> -> memref<2048x128xi32, #tpu.memory_space<vmem_shared>>
      tpu.wait_indirect_dma semaphore(%arg9 : memref<!tpu.dma_semaphore, #tpu.memory_space<semaphore_mem>>) src(%dma_wait3A_32 : memref<2048x128xi32, #tpu.memory_space<vmem_shared>>) dst(%arg6 : memref<128x128xi32, #tpu.memory_space<vmem>>)
      %gt3A = arith.constant 0 : i32
      %gt3A_33 = arith.cmpi sgt, %add3A_22, %gt3A : i32
      %convert_element_type3A_34 = arith.extui %gt3A_33 : i1 to i32
      %cond3A_35 = arith.constant 0 : i32
      %cond3A_36 = arith.cmpi ne, %convert_element_type3A_34, %cond3A_35 : i32
      scf.if %cond3A_36 {
        %sub3A = arith.constant 2 : i32
        %sub3A_76 = arith.subi %add3A_26, %sub3A : i32
        %mul3A_77 = arith.constant 128 : i32
        %mul3A_78 = arith.muli %sub3A_76, %mul3A_77 : i32
        %add3A_79 = arith.addi %mul3A_2, %mul3A_78 : i32
        %dma_wait3A_80 = arith.constant 0 : i32
        %dma_wait3A_81 = tpu.memref_slice %arg4[%add3A_79, %dma_wait3A_80] : memref<32768x128xi32, #tpu.memory_space<hbm>> -> memref<128x128xi32, #tpu.memory_space<hbm>>
        %dma_wait3A_82 = arith.constant 0 : i32
        %dma_wait3A_83 = tpu.memref_slice %arg4[%add3A_79, %dma_wait3A_82] : memref<32768x128xi32, #tpu.memory_space<hbm>> -> memref<128x128xi32, #tpu.memory_space<hbm>>
        tpu.wait_dma2 semaphore(%arg12 : memref<!tpu.dma_semaphore, #tpu.memory_space<semaphore_mem>>) src(%arg7 : memref<128x128xi32, #tpu.memory_space<vmem>>) dst(%dma_wait3A_83 : memref<128x128xi32, #tpu.memory_space<hbm>>)
      } else {
      }
      %mul3A_37 = arith.constant 128 : i32
      %mul3A_38 = arith.muli %add3A_26, %mul3A_37 : i32
      %dma_start3A_39 = tpu.memref_slice %arg5[%mul3A_38] : memref<1024xi32, #tpu.memory_space<vmem>> -> memref<128xi32, #tpu.memory_space<vmem>>
      %dma_start3A_40 = arith.constant 0 : i32
      %dma_start3A_41 = arith.constant 0 : i32
      %dma_start3A_42 = tpu.memref_slice %arg8[%dma_start3A_40, %dma_start3A_41] : memref<2048x128xi32, #tpu.memory_space<vmem_shared>> -> memref<2048x128xi32, #tpu.memory_space<vmem_shared>>
      tpu.enqueue_indirect_dma source(%dma_start3A_42 : memref<2048x128xi32, #tpu.memory_space<vmem_shared>>) target(%arg7 : memref<128x128xi32, #tpu.memory_space<vmem>>) offsets(%dma_start3A_39 : memref<128xi32, #tpu.memory_space<vmem>>) semaphore(%arg10 : memref<!tpu.dma_semaphore, #tpu.memory_space<semaphore_mem>>)
      %mul3A_43 = arith.constant 128 : i32
      %mul3A_44 = arith.muli %mul3A_24, %mul3A_43 : i32
      %add3A_45 = arith.addi %mul3A_2, %mul3A_44 : i32
      %dma_start3A_46 = arith.constant 0 : i32
      %dma_start3A_47 = tpu.memref_slice %arg4[%add3A_45, %dma_start3A_46] : memref<32768x128xi32, #tpu.memory_space<hbm>> -> memref<128x128xi32, #tpu.memory_space<hbm>>
      %dma_start3A_48 = arith.constant 0 : i32
      %dma_start3A_49 = tpu.memref_slice %arg4[%add3A_45, %dma_start3A_48] : memref<32768x128xi32, #tpu.memory_space<hbm>> -> memref<128x128xi32, #tpu.memory_space<hbm>>
      tpu.enqueue_dma source(%arg6 : memref<128x128xi32, #tpu.memory_space<vmem>>) target(%dma_start3A_49 : memref<128x128xi32, #tpu.memory_space<hbm>>) target_semaphore(%arg11 : memref<!tpu.dma_semaphore, #tpu.memory_space<semaphore_mem>>)
      %mul3A_50 = arith.constant 128 : i32
      %mul3A_51 = arith.muli %add3A_26, %mul3A_50 : i32
      %dma_wait3A_52 = tpu.memref_slice %arg5[%mul3A_51] : memref<1024xi32, #tpu.memory_space<vmem>> -> memref<128xi32, #tpu.memory_space<vmem>>
      %dma_wait3A_53 = arith.constant 0 : i32
      %dma_wait3A_54 = arith.constant 0 : i32
      %dma_wait3A_55 = tpu.memref_slice %arg8[%dma_wait3A_53, %dma_wait3A_54] : memref<2048x128xi32, #tpu.memory_space<vmem_shared>> -> memref<2048x128xi32, #tpu.memory_space<vmem_shared>>
      tpu.wait_indirect_dma semaphore(%arg10 : memref<!tpu.dma_semaphore, #tpu.memory_space<semaphore_mem>>) src(%dma_wait3A_55 : memref<2048x128xi32, #tpu.memory_space<vmem_shared>>) dst(%arg7 : memref<128x128xi32, #tpu.memory_space<vmem>>)
      %mul3A_56 = arith.constant 128 : i32
      %mul3A_57 = arith.muli %mul3A_24, %mul3A_56 : i32
      %add3A_58 = arith.addi %mul3A_2, %mul3A_57 : i32
      %dma_wait3A_59 = arith.constant 0 : i32
      %dma_wait3A_60 = tpu.memref_slice %arg4[%add3A_58, %dma_wait3A_59] : memref<32768x128xi32, #tpu.memory_space<hbm>> -> memref<128x128xi32, #tpu.memory_space<hbm>>
      %dma_wait3A_61 = arith.constant 0 : i32
      %dma_wait3A_62 = tpu.memref_slice %arg4[%add3A_58, %dma_wait3A_61] : memref<32768x128xi32, #tpu.memory_space<hbm>> -> memref<128x128xi32, #tpu.memory_space<hbm>>
      tpu.wait_dma2 semaphore(%arg11 : memref<!tpu.dma_semaphore, #tpu.memory_space<semaphore_mem>>) src(%arg6 : memref<128x128xi32, #tpu.memory_space<vmem>>) dst(%dma_wait3A_62 : memref<128x128xi32, #tpu.memory_space<hbm>>)
      %add3A_63 = arith.constant 1 : i32
      %add3A_64 = arith.addi %add3A_26, %add3A_63 : i32
      %lt3A = arith.constant 8 : i32
      %lt3A_65 = arith.cmpi slt, %add3A_64, %lt3A : i32
      %convert_element_type3A_66 = arith.extui %lt3A_65 : i1 to i32
      %cond3A_67 = arith.constant 0 : i32
      %cond3A_68 = arith.cmpi ne, %convert_element_type3A_66, %cond3A_67 : i32
      scf.if %cond3A_68 {
        %add3A_76 = arith.constant 1 : i32
        %add3A_77 = arith.addi %add3A_26, %add3A_76 : i32
        %mul3A_78 = arith.constant 128 : i32
        %mul3A_79 = arith.muli %add3A_77, %mul3A_78 : i32
        %dma_start3A_80 = tpu.memref_slice %arg5[%mul3A_79] : memref<1024xi32, #tpu.memory_space<vmem>> -> memref<128xi32, #tpu.memory_space<vmem>>
        %dma_start3A_81 = arith.constant 0 : i32
        %dma_start3A_82 = arith.constant 0 : i32
        %dma_start3A_83 = tpu.memref_slice %arg8[%dma_start3A_81, %dma_start3A_82] : memref<2048x128xi32, #tpu.memory_space<vmem_shared>> -> memref<2048x128xi32, #tpu.memory_space<vmem_shared>>
        tpu.enqueue_indirect_dma source(%dma_start3A_83 : memref<2048x128xi32, #tpu.memory_space<vmem_shared>>) target(%arg6 : memref<128x128xi32, #tpu.memory_space<vmem>>) offsets(%dma_start3A_80 : memref<128xi32, #tpu.memory_space<vmem>>) semaphore(%arg9 : memref<!tpu.dma_semaphore, #tpu.memory_space<semaphore_mem>>)
      } else {
      }
      %mul3A_69 = arith.constant 128 : i32
      %mul3A_70 = arith.muli %add3A_26, %mul3A_69 : i32
      %add3A_71 = arith.addi %mul3A_2, %mul3A_70 : i32
      %dma_start3A_72 = arith.constant 0 : i32
      %dma_start3A_73 = tpu.memref_slice %arg4[%add3A_71, %dma_start3A_72] : memref<32768x128xi32, #tpu.memory_space<hbm>> -> memref<128x128xi32, #tpu.memory_space<hbm>>
      %dma_start3A_74 = arith.constant 0 : i32
      %dma_start3A_75 = tpu.memref_slice %arg4[%add3A_71, %dma_start3A_74] : memref<32768x128xi32, #tpu.memory_space<hbm>> -> memref<128x128xi32, #tpu.memory_space<hbm>>
      tpu.enqueue_dma source(%arg7 : memref<128x128xi32, #tpu.memory_space<vmem>>) target(%dma_start3A_75 : memref<128x128xi32, #tpu.memory_space<hbm>>) target_semaphore(%arg12 : memref<!tpu.dma_semaphore, #tpu.memory_space<semaphore_mem>>)
    }
    %scan3A_12 = arith.constant 4 : i32
    %add3A_13 = arith.constant 896 : i32
    %add3A_14 = arith.addi %mul3A_2, %add3A_13 : i32
    %dma_wait3A = arith.constant 0 : i32
    %dma_wait3A_15 = tpu.memref_slice %arg4[%add3A_14, %dma_wait3A] : memref<32768x128xi32, #tpu.memory_space<hbm>> -> memref<128x128xi32, #tpu.memory_space<hbm>>
    %dma_wait3A_16 = arith.constant 0 : i32
    %dma_wait3A_17 = tpu.memref_slice %arg4[%add3A_14, %dma_wait3A_16] : memref<32768x128xi32, #tpu.memory_space<hbm>> -> memref<128x128xi32, #tpu.memory_space<hbm>>
    tpu.wait_dma2 semaphore(%arg12 : memref<!tpu.dma_semaphore, #tpu.memory_space<semaphore_mem>>) src(%arg7 : memref<128x128xi32, #tpu.memory_space<vmem>>) dst(%dma_wait3A_17 : memref<128x128xi32, #tpu.memory_space<hbm>>)
    return
  }
}

#map = affine_map<(d0, d1) -> (0, 0)>
#map1 = affine_map<(d0, d1) -> (0)>
module attributes {stable_mosaic.version = 14 : i64} {
  func.func @gk(%arg0: i32, %arg1: i32, %arg2: memref<2048x128xi32, #tpu.memory_space<hbm>>, %arg3: memref<40960xi32, #tpu.memory_space<hbm>>, %arg4: memref<40960x128xi32, #tpu.memory_space<hbm>>, %arg5: memref<1280xi32, #tpu.memory_space<vmem>>, %arg6: memref<128x128xi32, #tpu.memory_space<vmem>>, %arg7: memref<128x128xi32, #tpu.memory_space<vmem>>, %arg8: memref<2048x128xi32, #tpu.memory_space<vmem_shared>>, %arg9: memref<!tpu.dma_semaphore, #tpu.memory_space<semaphore_mem>>, %arg10: memref<!tpu.dma_semaphore, #tpu.memory_space<semaphore_mem>>, %arg11: memref<!tpu.dma_semaphore, #tpu.memory_space<semaphore_mem>>, %arg12: memref<!tpu.dma_semaphore, #tpu.memory_space<semaphore_mem>>) attributes {dimension_semantics = [#tpu.dimension_semantics<core_parallel>, #tpu.dimension_semantics<subcore_parallel>], iteration_bounds = array<i64: 2, 16>, scalar_prefetch = 0 : i64, scratch_operands = 8 : i64, tpu.core_type = #tpu.core_type<sc_vector_subcore>, window_params = [{transform_indices = #map}, {transform_indices = #map1}, {transform_indices = #map}]} {
    %mul3A = arith.constant 2 : i32
    %mul3A_0 = arith.muli %arg1, %mul3A : i32
    %add3A = arith.addi %mul3A_0, %arg0 : i32
    %mul3A_1 = arith.constant 1280 : i32
    %mul3A_2 = arith.muli %add3A, %mul3A_1 : i32
    %eq3A = arith.constant 0 : i32
    %eq3A_3 = arith.cmpi eq, %arg1, %eq3A : i32
    %convert_element_type3A = arith.extui %eq3A_3 : i1 to i32
    %cond3A = arith.constant 0 : i32
    %cond3A_4 = arith.cmpi ne, %convert_element_type3A, %cond3A : i32
    scf.if %cond3A_4 {
      "tpu.region"() ({
        %run_scoped3A = tpu.sem_alloc : memref<!tpu.dma_semaphore, #tpu.memory_space<semaphore_mem>>
        tpu.enqueue_dma source(%arg2 : memref<2048x128xi32, #tpu.memory_space<hbm>>) target(%arg8 : memref<2048x128xi32, #tpu.memory_space<vmem_shared>>) target_semaphore(%run_scoped3A : memref<!tpu.dma_semaphore, #tpu.memory_space<semaphore_mem>>)
        tpu.wait_dma2 semaphore(%run_scoped3A : memref<!tpu.dma_semaphore, #tpu.memory_space<semaphore_mem>>) src(%arg2 : memref<2048x128xi32, #tpu.memory_space<hbm>>) dst(%arg8 : memref<2048x128xi32, #tpu.memory_space<vmem_shared>>)
        tpu.yield
      }) : () -> ()
    } else {
    }
    "tpu.region"() ({
      %run_scoped3A = tpu.sem_alloc : memref<!tpu.dma_semaphore, #tpu.memory_space<semaphore_mem>>
      %dma_start3A_18 = tpu.memref_slice %arg3[%mul3A_2] : memref<40960xi32, #tpu.memory_space<hbm>> -> memref<1280xi32, #tpu.memory_space<hbm>>
      %dma_start3A_19 = tpu.memref_slice %arg3[%mul3A_2] : memref<40960xi32, #tpu.memory_space<hbm>> -> memref<1280xi32, #tpu.memory_space<hbm>>
      tpu.enqueue_dma source(%dma_start3A_19 : memref<1280xi32, #tpu.memory_space<hbm>>) target(%arg5 : memref<1280xi32, #tpu.memory_space<vmem>>) target_semaphore(%run_scoped3A : memref<!tpu.dma_semaphore, #tpu.memory_space<semaphore_mem>>)
      %dma_wait3A_20 = tpu.memref_slice %arg3[%mul3A_2] : memref<40960xi32, #tpu.memory_space<hbm>> -> memref<1280xi32, #tpu.memory_space<hbm>>
      %dma_wait3A_21 = tpu.memref_slice %arg3[%mul3A_2] : memref<40960xi32, #tpu.memory_space<hbm>> -> memref<1280xi32, #tpu.memory_space<hbm>>
      tpu.wait_dma2 semaphore(%run_scoped3A : memref<!tpu.dma_semaphore, #tpu.memory_space<semaphore_mem>>) src(%dma_wait3A_21 : memref<1280xi32, #tpu.memory_space<hbm>>) dst(%arg5 : memref<1280xi32, #tpu.memory_space<vmem>>)
      tpu.yield
    }) : () -> ()
    %barrier3A = arith.constant 0 : index
    tpu.barrier barrier_id(%barrier3A)
    %dma_start3A = arith.constant 0 : i32
    %dma_start3A_5 = tpu.memref_slice %arg5[%dma_start3A] : memref<1280xi32, #tpu.memory_space<vmem>> -> memref<128xi32, #tpu.memory_space<vmem>>
    %dma_start3A_6 = arith.constant 0 : i32
    %dma_start3A_7 = arith.constant 0 : i32
    %dma_start3A_8 = tpu.memref_slice %arg8[%dma_start3A_6, %dma_start3A_7] : memref<2048x128xi32, #tpu.memory_space<vmem_shared>> -> memref<2048x128xi32, #tpu.memory_space<vmem_shared>>
    tpu.enqueue_indirect_dma source(%dma_start3A_8 : memref<2048x128xi32, #tpu.memory_space<vmem_shared>>) target(%arg6 : memref<128x128xi32, #tpu.memory_space<vmem>>) offsets(%dma_start3A_5 : memref<128xi32, #tpu.memory_space<vmem>>) semaphore(%arg9 : memref<!tpu.dma_semaphore, #tpu.memory_space<semaphore_mem>>)
    %scan3A = arith.constant 0 : i32
    %scan3A_9 = arith.constant 5 : i32
    %scan3A_10 = arith.addi %scan3A, %scan3A_9 : i32
    %scan3A_11 = arith.constant 1 : i32
    scf.for %scan3A_18 = %scan3A to %scan3A_10 step %scan3A_11  : i32 {
      %mul3A_19 = arith.constant 1 : i32
      %mul3A_20 = arith.muli %scan3A_18, %mul3A_19 : i32
      %add3A_21 = arith.constant 0 : i32
      %add3A_22 = arith.addi %add3A_21, %mul3A_20 : i32
      %mul3A_23 = arith.constant 2 : i32
      %mul3A_24 = arith.muli %mul3A_23, %add3A_22 : i32
      %add3A_25 = arith.constant 1 : i32
      %add3A_26 = arith.addi %mul3A_24, %add3A_25 : i32
      %mul3A_27 = arith.constant 128 : i32
      %mul3A_28 = arith.muli %mul3A_24, %mul3A_27 : i32
      %dma_wait3A_29 = tpu.memref_slice %arg5[%mul3A_28] : memref<1280xi32, #tpu.memory_space<vmem>> -> memref<128xi32, #tpu.memory_space<vmem>>
      %dma_wait3A_30 = arith.constant 0 : i32
      %dma_wait3A_31 = arith.constant 0 : i32
      %dma_wait3A_32 = tpu.memref_slice %arg8[%dma_wait3A_30, %dma_wait3A_31] : memref<2048x128xi32, #tpu.memory_space<vmem_shared>> -> memref<2048x128xi32, #tpu.memory_space<vmem_shared>>
      tpu.wait_indirect_dma semaphore(%arg9 : memref<!tpu.dma_semaphore, #tpu.memory_space<semaphore_mem>>) src(%dma_wait3A_32 : memref<2048x128xi32, #tpu.memory_space<vmem_shared>>) dst(%arg6 : memref<128x128xi32, #tpu.memory_space<vmem>>)
      %gt3A = arith.constant 0 : i32
      %gt3A_33 = arith.cmpi sgt, %add3A_22, %gt3A : i32
      %convert_element_type3A_34 = arith.extui %gt3A_33 : i1 to i32
      %cond3A_35 = arith.constant 0 : i32
      %cond3A_36 = arith.cmpi ne, %convert_element_type3A_34, %cond3A_35 : i32
      scf.if %cond3A_36 {
        %sub3A = arith.constant 2 : i32
        %sub3A_76 = arith.subi %add3A_26, %sub3A : i32
        %mul3A_77 = arith.constant 128 : i32
        %mul3A_78 = arith.muli %sub3A_76, %mul3A_77 : i32
        %add3A_79 = arith.addi %mul3A_2, %mul3A_78 : i32
        %dma_wait3A_80 = arith.constant 0 : i32
        %dma_wait3A_81 = tpu.memref_slice %arg4[%add3A_79, %dma_wait3A_80] : memref<40960x128xi32, #tpu.memory_space<hbm>> -> memref<128x128xi32, #tpu.memory_space<hbm>>
        %dma_wait3A_82 = arith.constant 0 : i32
        %dma_wait3A_83 = tpu.memref_slice %arg4[%add3A_79, %dma_wait3A_82] : memref<40960x128xi32, #tpu.memory_space<hbm>> -> memref<128x128xi32, #tpu.memory_space<hbm>>
        tpu.wait_dma2 semaphore(%arg12 : memref<!tpu.dma_semaphore, #tpu.memory_space<semaphore_mem>>) src(%arg7 : memref<128x128xi32, #tpu.memory_space<vmem>>) dst(%dma_wait3A_83 : memref<128x128xi32, #tpu.memory_space<hbm>>)
      } else {
      }
      %mul3A_37 = arith.constant 128 : i32
      %mul3A_38 = arith.muli %add3A_26, %mul3A_37 : i32
      %dma_start3A_39 = tpu.memref_slice %arg5[%mul3A_38] : memref<1280xi32, #tpu.memory_space<vmem>> -> memref<128xi32, #tpu.memory_space<vmem>>
      %dma_start3A_40 = arith.constant 0 : i32
      %dma_start3A_41 = arith.constant 0 : i32
      %dma_start3A_42 = tpu.memref_slice %arg8[%dma_start3A_40, %dma_start3A_41] : memref<2048x128xi32, #tpu.memory_space<vmem_shared>> -> memref<2048x128xi32, #tpu.memory_space<vmem_shared>>
      tpu.enqueue_indirect_dma source(%dma_start3A_42 : memref<2048x128xi32, #tpu.memory_space<vmem_shared>>) target(%arg7 : memref<128x128xi32, #tpu.memory_space<vmem>>) offsets(%dma_start3A_39 : memref<128xi32, #tpu.memory_space<vmem>>) semaphore(%arg10 : memref<!tpu.dma_semaphore, #tpu.memory_space<semaphore_mem>>)
      %mul3A_43 = arith.constant 128 : i32
      %mul3A_44 = arith.muli %mul3A_24, %mul3A_43 : i32
      %add3A_45 = arith.addi %mul3A_2, %mul3A_44 : i32
      %dma_start3A_46 = arith.constant 0 : i32
      %dma_start3A_47 = tpu.memref_slice %arg4[%add3A_45, %dma_start3A_46] : memref<40960x128xi32, #tpu.memory_space<hbm>> -> memref<128x128xi32, #tpu.memory_space<hbm>>
      %dma_start3A_48 = arith.constant 0 : i32
      %dma_start3A_49 = tpu.memref_slice %arg4[%add3A_45, %dma_start3A_48] : memref<40960x128xi32, #tpu.memory_space<hbm>> -> memref<128x128xi32, #tpu.memory_space<hbm>>
      tpu.enqueue_dma source(%arg6 : memref<128x128xi32, #tpu.memory_space<vmem>>) target(%dma_start3A_49 : memref<128x128xi32, #tpu.memory_space<hbm>>) target_semaphore(%arg11 : memref<!tpu.dma_semaphore, #tpu.memory_space<semaphore_mem>>)
      %mul3A_50 = arith.constant 128 : i32
      %mul3A_51 = arith.muli %add3A_26, %mul3A_50 : i32
      %dma_wait3A_52 = tpu.memref_slice %arg5[%mul3A_51] : memref<1280xi32, #tpu.memory_space<vmem>> -> memref<128xi32, #tpu.memory_space<vmem>>
      %dma_wait3A_53 = arith.constant 0 : i32
      %dma_wait3A_54 = arith.constant 0 : i32
      %dma_wait3A_55 = tpu.memref_slice %arg8[%dma_wait3A_53, %dma_wait3A_54] : memref<2048x128xi32, #tpu.memory_space<vmem_shared>> -> memref<2048x128xi32, #tpu.memory_space<vmem_shared>>
      tpu.wait_indirect_dma semaphore(%arg10 : memref<!tpu.dma_semaphore, #tpu.memory_space<semaphore_mem>>) src(%dma_wait3A_55 : memref<2048x128xi32, #tpu.memory_space<vmem_shared>>) dst(%arg7 : memref<128x128xi32, #tpu.memory_space<vmem>>)
      %mul3A_56 = arith.constant 128 : i32
      %mul3A_57 = arith.muli %mul3A_24, %mul3A_56 : i32
      %add3A_58 = arith.addi %mul3A_2, %mul3A_57 : i32
      %dma_wait3A_59 = arith.constant 0 : i32
      %dma_wait3A_60 = tpu.memref_slice %arg4[%add3A_58, %dma_wait3A_59] : memref<40960x128xi32, #tpu.memory_space<hbm>> -> memref<128x128xi32, #tpu.memory_space<hbm>>
      %dma_wait3A_61 = arith.constant 0 : i32
      %dma_wait3A_62 = tpu.memref_slice %arg4[%add3A_58, %dma_wait3A_61] : memref<40960x128xi32, #tpu.memory_space<hbm>> -> memref<128x128xi32, #tpu.memory_space<hbm>>
      tpu.wait_dma2 semaphore(%arg11 : memref<!tpu.dma_semaphore, #tpu.memory_space<semaphore_mem>>) src(%arg6 : memref<128x128xi32, #tpu.memory_space<vmem>>) dst(%dma_wait3A_62 : memref<128x128xi32, #tpu.memory_space<hbm>>)
      %add3A_63 = arith.constant 1 : i32
      %add3A_64 = arith.addi %add3A_26, %add3A_63 : i32
      %lt3A = arith.constant 10 : i32
      %lt3A_65 = arith.cmpi slt, %add3A_64, %lt3A : i32
      %convert_element_type3A_66 = arith.extui %lt3A_65 : i1 to i32
      %cond3A_67 = arith.constant 0 : i32
      %cond3A_68 = arith.cmpi ne, %convert_element_type3A_66, %cond3A_67 : i32
      scf.if %cond3A_68 {
        %add3A_76 = arith.constant 1 : i32
        %add3A_77 = arith.addi %add3A_26, %add3A_76 : i32
        %mul3A_78 = arith.constant 128 : i32
        %mul3A_79 = arith.muli %add3A_77, %mul3A_78 : i32
        %dma_start3A_80 = tpu.memref_slice %arg5[%mul3A_79] : memref<1280xi32, #tpu.memory_space<vmem>> -> memref<128xi32, #tpu.memory_space<vmem>>
        %dma_start3A_81 = arith.constant 0 : i32
        %dma_start3A_82 = arith.constant 0 : i32
        %dma_start3A_83 = tpu.memref_slice %arg8[%dma_start3A_81, %dma_start3A_82] : memref<2048x128xi32, #tpu.memory_space<vmem_shared>> -> memref<2048x128xi32, #tpu.memory_space<vmem_shared>>
        tpu.enqueue_indirect_dma source(%dma_start3A_83 : memref<2048x128xi32, #tpu.memory_space<vmem_shared>>) target(%arg6 : memref<128x128xi32, #tpu.memory_space<vmem>>) offsets(%dma_start3A_80 : memref<128xi32, #tpu.memory_space<vmem>>) semaphore(%arg9 : memref<!tpu.dma_semaphore, #tpu.memory_space<semaphore_mem>>)
      } else {
      }
      %mul3A_69 = arith.constant 128 : i32
      %mul3A_70 = arith.muli %add3A_26, %mul3A_69 : i32
      %add3A_71 = arith.addi %mul3A_2, %mul3A_70 : i32
      %dma_start3A_72 = arith.constant 0 : i32
      %dma_start3A_73 = tpu.memref_slice %arg4[%add3A_71, %dma_start3A_72] : memref<40960x128xi32, #tpu.memory_space<hbm>> -> memref<128x128xi32, #tpu.memory_space<hbm>>
      %dma_start3A_74 = arith.constant 0 : i32
      %dma_start3A_75 = tpu.memref_slice %arg4[%add3A_71, %dma_start3A_74] : memref<40960x128xi32, #tpu.memory_space<hbm>> -> memref<128x128xi32, #tpu.memory_space<hbm>>
      tpu.enqueue_dma source(%arg7 : memref<128x128xi32, #tpu.memory_space<vmem>>) target(%dma_start3A_75 : memref<128x128xi32, #tpu.memory_space<hbm>>) target_semaphore(%arg12 : memref<!tpu.dma_semaphore, #tpu.memory_space<semaphore_mem>>)
    }
    %scan3A_12 = arith.constant 5 : i32
    %add3A_13 = arith.constant 1152 : i32
    %add3A_14 = arith.addi %mul3A_2, %add3A_13 : i32
    %dma_wait3A = arith.constant 0 : i32
    %dma_wait3A_15 = tpu.memref_slice %arg4[%add3A_14, %dma_wait3A] : memref<40960x128xi32, #tpu.memory_space<hbm>> -> memref<128x128xi32, #tpu.memory_space<hbm>>
    %dma_wait3A_16 = arith.constant 0 : i32
    %dma_wait3A_17 = tpu.memref_slice %arg4[%add3A_14, %dma_wait3A_16] : memref<40960x128xi32, #tpu.memory_space<hbm>> -> memref<128x128xi32, #tpu.memory_space<hbm>>
    tpu.wait_dma2 semaphore(%arg12 : memref<!tpu.dma_semaphore, #tpu.memory_space<semaphore_mem>>) src(%arg7 : memref<128x128xi32, #tpu.memory_space<vmem>>) dst(%dma_wait3A_17 : memref<128x128xi32, #tpu.memory_space<hbm>>)
    return
  }
}

module attributes {stable_mosaic.version = 14 : i64} {
  func.func @_seg_mean_body(%arg0: i32, %arg1: memref<1x1x2048xi32, #tpu.memory_space<vmem>>, %arg2: memref<2048x256xf32, #tpu.memory_space<vmem>>, %arg3: memref<2048x256xf32, #tpu.memory_space<vmem>>, %arg4: memref<2048x256xf32, #tpu.memory_space<vmem>>, %arg5: memref<2048x128xf32, #tpu.memory_space<vmem>>) attributes {dimension_semantics = [#tpu.dimension_semantics<arbitrary>], iteration_bounds = array<i64: 8>, scalar_prefetch = 0 : i64, scratch_operands = 2 : i64, tpu.core_type = #tpu.core_type<tc>, window_params = [{transform_indices = @transform_0, window_bounds = array<i64: 1, 1, 2048>}, {transform_indices = @transform_1, window_bounds = array<i64: 2048, 256>}, {pipeline_mode = #tpu.pipeline_mode<synchronous>, transform_indices = @transform_2, window_bounds = array<i64: 2048, 256>}]} {
    %eq3A = arith.constant 0 : i32
    %eq3A_0 = arith.cmpi eq, %arg0, %eq3A : i32
    %convert_element_type3A = arith.extui %eq3A_0 : i1 to i32
    %cond3A = arith.constant 0 : i32
    %cond3A_1 = arith.cmpi ne, %convert_element_type3A, %cond3A : i32
    scf.if %cond3A_1 {
      %broadcast_in_dim3A_84 = arith.constant 0.000000e+00 : f32
      %broadcast_in_dim3A_85 = vector.broadcast %broadcast_in_dim3A_84 : f32 to vector<2048x256xf32>
      %swap3A = arith.constant 0 : index
      %swap3A_86 = arith.constant 0 : index
      %swap3A_87 = vector.load %arg4[%swap3A, %swap3A_86] : memref<2048x256xf32, #tpu.memory_space<vmem>>, vector<2048x256xf32>
      tpu.vector_store %arg4[%swap3A, %swap3A_86], %broadcast_in_dim3A_85 {strides = array<i32>} : memref<2048x256xf32, #tpu.memory_space<vmem>>, vector<2048x256xf32>,
      %broadcast_in_dim3A_88 = arith.constant 0.000000e+00 : f32
      %broadcast_in_dim3A_89 = vector.broadcast %broadcast_in_dim3A_88 : f32 to vector<2048x128xf32>
      %swap3A_90 = arith.constant 0 : index
      %swap3A_91 = arith.constant 0 : index
      %swap3A_92 = vector.load %arg5[%swap3A_90, %swap3A_91] : memref<2048x128xf32, #tpu.memory_space<vmem>>, vector<2048x128xf32>
      tpu.vector_store %arg5[%swap3A_90, %swap3A_91], %broadcast_in_dim3A_89 {strides = array<i32>} : memref<2048x128xf32, #tpu.memory_space<vmem>>, vector<2048x128xf32>,
    } else {
    }
    %get3A = arith.constant 0 : index
    %get3A_2 = arith.constant 0 : index
    %get3A_3 = arith.constant 0 : index
    %get3A_4 = vector.load %arg1[%get3A, %get3A_2, %get3A_3] : memref<1x1x2048xi32, #tpu.memory_space<vmem>>, vector<1x1x2048xi32>
    %reshape3A = vector.shape_cast %get3A_4 : vector<1x1x2048xi32> to vector<1x2048xi32>
    %reduce_min3A = vector.shape_cast %reshape3A : vector<1x2048xi32> to vector<1x1x2048xi32>
    %reduce_min3A_5 = arith.constant dense<2147483647> : vector<1xi32>
    %reduce_min3A_6 = vector.multi_reduction <minsi>, %reduce_min3A, %reduce_min3A_5 [1, 2] : vector<1x1x2048xi32> to vector<1xi32>
    %reduce_min3A_7 = vector.shape_cast %reduce_min3A_6 : vector<1xi32> to vector<1x1x1xi32>
    %reduce_min3A_8 = vector.extract %reduce_min3A_7[0, 0, 0] : i32 from vector<1x1x1xi32>
    %reduce_max3A = vector.shape_cast %reshape3A : vector<1x2048xi32> to vector<1x1x2048xi32>
    %reduce_max3A_9 = arith.constant dense<-2147483648> : vector<1xi32>
    %reduce_max3A_10 = vector.multi_reduction <maxsi>, %reduce_max3A, %reduce_max3A_9 [1, 2] : vector<1x1x2048xi32> to vector<1xi32>
    %reduce_max3A_11 = vector.shape_cast %reduce_max3A_10 : vector<1xi32> to vector<1x1x1xi32>
    %reduce_max3A_12 = vector.extract %reduce_max3A_11[0, 0, 0] : i32 from vector<1x1x1xi32>
    %get3A_13 = arith.constant 0 : index
    %get3A_14 = arith.constant 0 : index
    %get3A_15 = vector.load %arg2[%get3A_13, %get3A_14] : memref<2048x256xf32, #tpu.memory_space<vmem>>, vector<2048x256xf32>
    %convert_element_type3A_16 = arith.truncf %get3A_15 : vector<2048x256xf32> to vector<2048x256xbf16>
    %broadcast_in_dim3A = arith.constant 1.000000e+00 : bf16
    %broadcast_in_dim3A_17 = vector.broadcast %broadcast_in_dim3A : bf16 to vector<2048x128xbf16>
    %ge3A = arith.constant 0 : i32
    %ge3A_18 = arith.cmpi sge, %reduce_max3A_12, %ge3A : i32
    %lt3A = arith.constant 256 : i32
    %lt3A_19 = arith.cmpi slt, %reduce_min3A_8, %lt3A : i32
    %and3A = arith.andi %ge3A_18, %lt3A_19 : i1
    %convert_element_type3A_20 = arith.extui %and3A : i1 to i32
    %cond3A_21 = arith.constant 0 : i32
    %cond3A_22 = arith.cmpi ne, %convert_element_type3A_20, %cond3A_21 : i32
    scf.if %cond3A_22 {
      %iota3A = tpu.iota {dimensions = array<i32: 0>} : vector<256x2048xi32>
      %add3A = arith.constant 0 : i32
      %add3A_84 = vector.broadcast %add3A : i32 to vector<256x2048xi32>
      %add3A_85 = arith.addi %iota3A, %add3A_84 : vector<256x2048xi32>
      %eq3A_86 = vector.broadcast %reshape3A : vector<1x2048xi32> to vector<256x2048xi32>
      %eq3A_87 = arith.cmpi eq, %add3A_85, %eq3A_86 : vector<256x2048xi32>
      %convert_element_type3A_88 = arith.extui %eq3A_87 : vector<256x2048xi1> to vector<256x2048xi32>
      %convert_element_type3A_89 = arith.sitofp %convert_element_type3A_88 : vector<256x2048xi32> to vector<256x2048xf32>
      %convert_element_type3A_90 = arith.truncf %convert_element_type3A_89 : vector<256x2048xf32> to vector<256x2048xbf16>
      %get3A_91 = arith.constant 0 : index
      %get3A_92 = arith.constant 0 : index
      %get3A_93 = vector.load %arg4[%get3A_91, %get3A_92] : memref<2048x256xf32, #tpu.memory_space<vmem>>, vector<256x256xf32>
      %dot_general3A = arith.constant dense<0.000000e+00> : vector<256x256xf32>
      %dot_general3A_94 = tpu.matmul %convert_element_type3A_90, %convert_element_type3A_16, %dot_general3A {dimension_numbers = #tpu.dot_dimension_numbers<[1], [0], [0], [1], [0, 0, 1, 1], [], []>, transpose_lhs_hint = false} : vector<256x2048xbf16>, vector<2048x256xbf16>, vector<256x256xf32> -> vector<256x256xf32>
      %add3A_95 = arith.addf %get3A_93, %dot_general3A_94 : vector<256x256xf32>
      %swap3A = arith.constant 0 : index
      %swap3A_96 = arith.constant 0 : index
      %swap3A_97 = vector.load %arg4[%swap3A, %swap3A_96] : memref<2048x256xf32, #tpu.memory_space<vmem>>, vector<256x256xf32>
      tpu.vector_store %arg4[%swap3A, %swap3A_96], %add3A_95 {strides = array<i32>} : memref<2048x256xf32, #tpu.memory_space<vmem>>, vector<256x256xf32>,
      %get3A_98 = arith.constant 0 : index
      %get3A_99 = arith.constant 0 : index
      %get3A_100 = vector.load %arg5[%get3A_98, %get3A_99] : memref<2048x128xf32, #tpu.memory_space<vmem>>, vector<256x128xf32>
      %dot_general3A_101 = arith.constant dense<0.000000e+00> : vector<256x128xf32>
      %dot_general3A_102 = tpu.matmul %convert_element_type3A_90, %broadcast_in_dim3A_17, %dot_general3A_101 {dimension_numbers = #tpu.dot_dimension_numbers<[1], [0], [0], [1], [0, 0, 1, 1], [], []>, transpose_lhs_hint = false} : vector<256x2048xbf16>, vector<2048x128xbf16>, vector<256x128xf32> -> vector<256x128xf32>
      %add3A_103 = arith.addf %get3A_100, %dot_general3A_102 : vector<256x128xf32>
      %swap3A_104 = arith.constant 0 : index
      %swap3A_105 = arith.constant 0 : index
      %swap3A_106 = vector.load %arg5[%swap3A_104, %swap3A_105] : memref<2048x128xf32, #tpu.memory_space<vmem>>, vector<256x128xf32>
      tpu.vector_store %arg5[%swap3A_104, %swap3A_105], %add3A_103 {strides = array<i32>} : memref<2048x128xf32, #tpu.memory_space<vmem>>, vector<256x128xf32>,
    } else {
    }
    %ge3A_23 = arith.constant 256 : i32
    %ge3A_24 = arith.cmpi sge, %reduce_max3A_12, %ge3A_23 : i32
    %lt3A_25 = arith.constant 512 : i32
    %lt3A_26 = arith.cmpi slt, %reduce_min3A_8, %lt3A_25 : i32
    %and3A_27 = arith.andi %ge3A_24, %lt3A_26 : i1
    %convert_element_type3A_28 = arith.extui %and3A_27 : i1 to i32
    %cond3A_29 = arith.constant 0 : i32
    %cond3A_30 = arith.cmpi ne, %convert_element_type3A_28, %cond3A_29 : i32
    scf.if %cond3A_30 {
      %iota3A = tpu.iota {dimensions = array<i32: 0>} : vector<256x2048xi32>
      %add3A = arith.constant 256 : i32
      %add3A_84 = vector.broadcast %add3A : i32 to vector<256x2048xi32>
      %add3A_85 = arith.addi %iota3A, %add3A_84 : vector<256x2048xi32>
      %eq3A_86 = vector.broadcast %reshape3A : vector<1x2048xi32> to vector<256x2048xi32>
      %eq3A_87 = arith.cmpi eq, %add3A_85, %eq3A_86 : vector<256x2048xi32>
      %convert_element_type3A_88 = arith.extui %eq3A_87 : vector<256x2048xi1> to vector<256x2048xi32>
      %convert_element_type3A_89 = arith.sitofp %convert_element_type3A_88 : vector<256x2048xi32> to vector<256x2048xf32>
      %convert_element_type3A_90 = arith.truncf %convert_element_type3A_89 : vector<256x2048xf32> to vector<256x2048xbf16>
      %get3A_91 = arith.constant 256 : index
      %get3A_92 = arith.constant 0 : index
      %get3A_93 = vector.load %arg4[%get3A_91, %get3A_92] : memref<2048x256xf32, #tpu.memory_space<vmem>>, vector<256x256xf32>
      %dot_general3A = arith.constant dense<0.000000e+00> : vector<256x256xf32>
      %dot_general3A_94 = tpu.matmul %convert_element_type3A_90, %convert_element_type3A_16, %dot_general3A {dimension_numbers = #tpu.dot_dimension_numbers<[1], [0], [0], [1], [0, 0, 1, 1], [], []>, transpose_lhs_hint = false} : vector<256x2048xbf16>, vector<2048x256xbf16>, vector<256x256xf32> -> vector<256x256xf32>
      %add3A_95 = arith.addf %get3A_93, %dot_general3A_94 : vector<256x256xf32>
      %swap3A = arith.constant 256 : index
      %swap3A_96 = arith.constant 0 : index
      %swap3A_97 = vector.load %arg4[%swap3A, %swap3A_96] : memref<2048x256xf32, #tpu.memory_space<vmem>>, vector<256x256xf32>
      tpu.vector_store %arg4[%swap3A, %swap3A_96], %add3A_95 {strides = array<i32>} : memref<2048x256xf32, #tpu.memory_space<vmem>>, vector<256x256xf32>,
      %get3A_98 = arith.constant 256 : index
      %get3A_99 = arith.constant 0 : index
      %get3A_100 = vector.load %arg5[%get3A_98, %get3A_99] : memref<2048x128xf32, #tpu.memory_space<vmem>>, vector<256x128xf32>
      %dot_general3A_101 = arith.constant dense<0.000000e+00> : vector<256x128xf32>
      %dot_general3A_102 = tpu.matmul %convert_element_type3A_90, %broadcast_in_dim3A_17, %dot_general3A_101 {dimension_numbers = #tpu.dot_dimension_numbers<[1], [0], [0], [1], [0, 0, 1, 1], [], []>, transpose_lhs_hint = false} : vector<256x2048xbf16>, vector<2048x128xbf16>, vector<256x128xf32> -> vector<256x128xf32>
      %add3A_103 = arith.addf %get3A_100, %dot_general3A_102 : vector<256x128xf32>
      %swap3A_104 = arith.constant 256 : index
      %swap3A_105 = arith.constant 0 : index
      %swap3A_106 = vector.load %arg5[%swap3A_104, %swap3A_105] : memref<2048x128xf32, #tpu.memory_space<vmem>>, vector<256x128xf32>
      tpu.vector_store %arg5[%swap3A_104, %swap3A_105], %add3A_103 {strides = array<i32>} : memref<2048x128xf32, #tpu.memory_space<vmem>>, vector<256x128xf32>,
    } else {
    }
    %ge3A_31 = arith.constant 512 : i32
    %ge3A_32 = arith.cmpi sge, %reduce_max3A_12, %ge3A_31 : i32
    %lt3A_33 = arith.constant 768 : i32
    %lt3A_34 = arith.cmpi slt, %reduce_min3A_8, %lt3A_33 : i32
    %and3A_35 = arith.andi %ge3A_32, %lt3A_34 : i1
    %convert_element_type3A_36 = arith.extui %and3A_35 : i1 to i32
    %cond3A_37 = arith.constant 0 : i32
    %cond3A_38 = arith.cmpi ne, %convert_element_type3A_36, %cond3A_37 : i32
    scf.if %cond3A_38 {
      %iota3A = tpu.iota {dimensions = array<i32: 0>} : vector<256x2048xi32>
      %add3A = arith.constant 512 : i32
      %add3A_84 = vector.broadcast %add3A : i32 to vector<256x2048xi32>
      %add3A_85 = arith.addi %iota3A, %add3A_84 : vector<256x2048xi32>
      %eq3A_86 = vector.broadcast %reshape3A : vector<1x2048xi32> to vector<256x2048xi32>
      %eq3A_87 = arith.cmpi eq, %add3A_85, %eq3A_86 : vector<256x2048xi32>
      %convert_element_type3A_88 = arith.extui %eq3A_87 : vector<256x2048xi1> to vector<256x2048xi32>
      %convert_element_type3A_89 = arith.sitofp %convert_element_type3A_88 : vector<256x2048xi32> to vector<256x2048xf32>
      %convert_element_type3A_90 = arith.truncf %convert_element_type3A_89 : vector<256x2048xf32> to vector<256x2048xbf16>
      %get3A_91 = arith.constant 512 : index
      %get3A_92 = arith.constant 0 : index
      %get3A_93 = vector.load %arg4[%get3A_91, %get3A_92] : memref<2048x256xf32, #tpu.memory_space<vmem>>, vector<256x256xf32>
      %dot_general3A = arith.constant dense<0.000000e+00> : vector<256x256xf32>
      %dot_general3A_94 = tpu.matmul %convert_element_type3A_90, %convert_element_type3A_16, %dot_general3A {dimension_numbers = #tpu.dot_dimension_numbers<[1], [0], [0], [1], [0, 0, 1, 1], [], []>, transpose_lhs_hint = false} : vector<256x2048xbf16>, vector<2048x256xbf16>, vector<256x256xf32> -> vector<256x256xf32>
      %add3A_95 = arith.addf %get3A_93, %dot_general3A_94 : vector<256x256xf32>
      %swap3A = arith.constant 512 : index
      %swap3A_96 = arith.constant 0 : index
      %swap3A_97 = vector.load %arg4[%swap3A, %swap3A_96] : memref<2048x256xf32, #tpu.memory_space<vmem>>, vector<256x256xf32>
      tpu.vector_store %arg4[%swap3A, %swap3A_96], %add3A_95 {strides = array<i32>} : memref<2048x256xf32, #tpu.memory_space<vmem>>, vector<256x256xf32>,
      %get3A_98 = arith.constant 512 : index
      %get3A_99 = arith.constant 0 : index
      %get3A_100 = vector.load %arg5[%get3A_98, %get3A_99] : memref<2048x128xf32, #tpu.memory_space<vmem>>, vector<256x128xf32>
      %dot_general3A_101 = arith.constant dense<0.000000e+00> : vector<256x128xf32>
      %dot_general3A_102 = tpu.matmul %convert_element_type3A_90, %broadcast_in_dim3A_17, %dot_general3A_101 {dimension_numbers = #tpu.dot_dimension_numbers<[1], [0], [0], [1], [0, 0, 1, 1], [], []>, transpose_lhs_hint = false} : vector<256x2048xbf16>, vector<2048x128xbf16>, vector<256x128xf32> -> vector<256x128xf32>
      %add3A_103 = arith.addf %get3A_100, %dot_general3A_102 : vector<256x128xf32>
      %swap3A_104 = arith.constant 512 : index
      %swap3A_105 = arith.constant 0 : index
      %swap3A_106 = vector.load %arg5[%swap3A_104, %swap3A_105] : memref<2048x128xf32, #tpu.memory_space<vmem>>, vector<256x128xf32>
      tpu.vector_store %arg5[%swap3A_104, %swap3A_105], %add3A_103 {strides = array<i32>} : memref<2048x128xf32, #tpu.memory_space<vmem>>, vector<256x128xf32>,
    } else {
    }
    %ge3A_39 = arith.constant 768 : i32
    %ge3A_40 = arith.cmpi sge, %reduce_max3A_12, %ge3A_39 : i32
    %lt3A_41 = arith.constant 1024 : i32
    %lt3A_42 = arith.cmpi slt, %reduce_min3A_8, %lt3A_41 : i32
    %and3A_43 = arith.andi %ge3A_40, %lt3A_42 : i1
    %convert_element_type3A_44 = arith.extui %and3A_43 : i1 to i32
    %cond3A_45 = arith.constant 0 : i32
    %cond3A_46 = arith.cmpi ne, %convert_element_type3A_44, %cond3A_45 : i32
    scf.if %cond3A_46 {
      %iota3A = tpu.iota {dimensions = array<i32: 0>} : vector<256x2048xi32>
      %add3A = arith.constant 768 : i32
      %add3A_84 = vector.broadcast %add3A : i32 to vector<256x2048xi32>
      %add3A_85 = arith.addi %iota3A, %add3A_84 : vector<256x2048xi32>
      %eq3A_86 = vector.broadcast %reshape3A : vector<1x2048xi32> to vector<256x2048xi32>
      %eq3A_87 = arith.cmpi eq, %add3A_85, %eq3A_86 : vector<256x2048xi32>
      %convert_element_type3A_88 = arith.extui %eq3A_87 : vector<256x2048xi1> to vector<256x2048xi32>
      %convert_element_type3A_89 = arith.sitofp %convert_element_type3A_88 : vector<256x2048xi32> to vector<256x2048xf32>
      %convert_element_type3A_90 = arith.truncf %convert_element_type3A_89 : vector<256x2048xf32> to vector<256x2048xbf16>
      %get3A_91 = arith.constant 768 : index
      %get3A_92 = arith.constant 0 : index
      %get3A_93 = vector.load %arg4[%get3A_91, %get3A_92] : memref<2048x256xf32, #tpu.memory_space<vmem>>, vector<256x256xf32>
      %dot_general3A = arith.constant dense<0.000000e+00> : vector<256x256xf32>
      %dot_general3A_94 = tpu.matmul %convert_element_type3A_90, %convert_element_type3A_16, %dot_general3A {dimension_numbers = #tpu.dot_dimension_numbers<[1], [0], [0], [1], [0, 0, 1, 1], [], []>, transpose_lhs_hint = false} : vector<256x2048xbf16>, vector<2048x256xbf16>, vector<256x256xf32> -> vector<256x256xf32>
      %add3A_95 = arith.addf %get3A_93, %dot_general3A_94 : vector<256x256xf32>
      %swap3A = arith.constant 768 : index
      %swap3A_96 = arith.constant 0 : index
      %swap3A_97 = vector.load %arg4[%swap3A, %swap3A_96] : memref<2048x256xf32, #tpu.memory_space<vmem>>, vector<256x256xf32>
      tpu.vector_store %arg4[%swap3A, %swap3A_96], %add3A_95 {strides = array<i32>} : memref<2048x256xf32, #tpu.memory_space<vmem>>, vector<256x256xf32>,
      %get3A_98 = arith.constant 768 : index
      %get3A_99 = arith.constant 0 : index
      %get3A_100 = vector.load %arg5[%get3A_98, %get3A_99] : memref<2048x128xf32, #tpu.memory_space<vmem>>, vector<256x128xf32>
      %dot_general3A_101 = arith.constant dense<0.000000e+00> : vector<256x128xf32>
      %dot_general3A_102 = tpu.matmul %convert_element_type3A_90, %broadcast_in_dim3A_17, %dot_general3A_101 {dimension_numbers = #tpu.dot_dimension_numbers<[1], [0], [0], [1], [0, 0, 1, 1], [], []>, transpose_lhs_hint = false} : vector<256x2048xbf16>, vector<2048x128xbf16>, vector<256x128xf32> -> vector<256x128xf32>
      %add3A_103 = arith.addf %get3A_100, %dot_general3A_102 : vector<256x128xf32>
      %swap3A_104 = arith.constant 768 : index
      %swap3A_105 = arith.constant 0 : index
      %swap3A_106 = vector.load %arg5[%swap3A_104, %swap3A_105] : memref<2048x128xf32, #tpu.memory_space<vmem>>, vector<256x128xf32>
      tpu.vector_store %arg5[%swap3A_104, %swap3A_105], %add3A_103 {strides = array<i32>} : memref<2048x128xf32, #tpu.memory_space<vmem>>, vector<256x128xf32>,
    } else {
    }
    %ge3A_47 = arith.constant 1024 : i32
    %ge3A_48 = arith.cmpi sge, %reduce_max3A_12, %ge3A_47 : i32
    %lt3A_49 = arith.constant 1280 : i32
    %lt3A_50 = arith.cmpi slt, %reduce_min3A_8, %lt3A_49 : i32
    %and3A_51 = arith.andi %ge3A_48, %lt3A_50 : i1
    %convert_element_type3A_52 = arith.extui %and3A_51 : i1 to i32
    %cond3A_53 = arith.constant 0 : i32
    %cond3A_54 = arith.cmpi ne, %convert_element_type3A_52, %cond3A_53 : i32
    scf.if %cond3A_54 {
      %iota3A = tpu.iota {dimensions = array<i32: 0>} : vector<256x2048xi32>
      %add3A = arith.constant 1024 : i32
      %add3A_84 = vector.broadcast %add3A : i32 to vector<256x2048xi32>
      %add3A_85 = arith.addi %iota3A, %add3A_84 : vector<256x2048xi32>
      %eq3A_86 = vector.broadcast %reshape3A : vector<1x2048xi32> to vector<256x2048xi32>
      %eq3A_87 = arith.cmpi eq, %add3A_85, %eq3A_86 : vector<256x2048xi32>
      %convert_element_type3A_88 = arith.extui %eq3A_87 : vector<256x2048xi1> to vector<256x2048xi32>
      %convert_element_type3A_89 = arith.sitofp %convert_element_type3A_88 : vector<256x2048xi32> to vector<256x2048xf32>
      %convert_element_type3A_90 = arith.truncf %convert_element_type3A_89 : vector<256x2048xf32> to vector<256x2048xbf16>
      %get3A_91 = arith.constant 1024 : index
      %get3A_92 = arith.constant 0 : index
      %get3A_93 = vector.load %arg4[%get3A_91, %get3A_92] : memref<2048x256xf32, #tpu.memory_space<vmem>>, vector<256x256xf32>
      %dot_general3A = arith.constant dense<0.000000e+00> : vector<256x256xf32>
      %dot_general3A_94 = tpu.matmul %convert_element_type3A_90, %convert_element_type3A_16, %dot_general3A {dimension_numbers = #tpu.dot_dimension_numbers<[1], [0], [0], [1], [0, 0, 1, 1], [], []>, transpose_lhs_hint = false} : vector<256x2048xbf16>, vector<2048x256xbf16>, vector<256x256xf32> -> vector<256x256xf32>
      %add3A_95 = arith.addf %get3A_93, %dot_general3A_94 : vector<256x256xf32>
      %swap3A = arith.constant 1024 : index
      %swap3A_96 = arith.constant 0 : index
      %swap3A_97 = vector.load %arg4[%swap3A, %swap3A_96] : memref<2048x256xf32, #tpu.memory_space<vmem>>, vector<256x256xf32>
      tpu.vector_store %arg4[%swap3A, %swap3A_96], %add3A_95 {strides = array<i32>} : memref<2048x256xf32, #tpu.memory_space<vmem>>, vector<256x256xf32>,
      %get3A_98 = arith.constant 1024 : index
      %get3A_99 = arith.constant 0 : index
      %get3A_100 = vector.load %arg5[%get3A_98, %get3A_99] : memref<2048x128xf32, #tpu.memory_space<vmem>>, vector<256x128xf32>
      %dot_general3A_101 = arith.constant dense<0.000000e+00> : vector<256x128xf32>
      %dot_general3A_102 = tpu.matmul %convert_element_type3A_90, %broadcast_in_dim3A_17, %dot_general3A_101 {dimension_numbers = #tpu.dot_dimension_numbers<[1], [0], [0], [1], [0, 0, 1, 1], [], []>, transpose_lhs_hint = false} : vector<256x2048xbf16>, vector<2048x128xbf16>, vector<256x128xf32> -> vector<256x128xf32>
      %add3A_103 = arith.addf %get3A_100, %dot_general3A_102 : vector<256x128xf32>
      %swap3A_104 = arith.constant 1024 : index
      %swap3A_105 = arith.constant 0 : index
      %swap3A_106 = vector.load %arg5[%swap3A_104, %swap3A_105] : memref<2048x128xf32, #tpu.memory_space<vmem>>, vector<256x128xf32>
      tpu.vector_store %arg5[%swap3A_104, %swap3A_105], %add3A_103 {strides = array<i32>} : memref<2048x128xf32, #tpu.memory_space<vmem>>, vector<256x128xf32>,
    } else {
    }
    %ge3A_55 = arith.constant 1280 : i32
    %ge3A_56 = arith.cmpi sge, %reduce_max3A_12, %ge3A_55 : i32
    %lt3A_57 = arith.constant 1536 : i32
    %lt3A_58 = arith.cmpi slt, %reduce_min3A_8, %lt3A_57 : i32
    %and3A_59 = arith.andi %ge3A_56, %lt3A_58 : i1
    %convert_element_type3A_60 = arith.extui %and3A_59 : i1 to i32
    %cond3A_61 = arith.constant 0 : i32
    %cond3A_62 = arith.cmpi ne, %convert_element_type3A_60, %cond3A_61 : i32
    scf.if %cond3A_62 {
      %iota3A = tpu.iota {dimensions = array<i32: 0>} : vector<256x2048xi32>
      %add3A = arith.constant 1280 : i32
      %add3A_84 = vector.broadcast %add3A : i32 to vector<256x2048xi32>
      %add3A_85 = arith.addi %iota3A, %add3A_84 : vector<256x2048xi32>
      %eq3A_86 = vector.broadcast %reshape3A : vector<1x2048xi32> to vector<256x2048xi32>
      %eq3A_87 = arith.cmpi eq, %add3A_85, %eq3A_86 : vector<256x2048xi32>
      %convert_element_type3A_88 = arith.extui %eq3A_87 : vector<256x2048xi1> to vector<256x2048xi32>
      %convert_element_type3A_89 = arith.sitofp %convert_element_type3A_88 : vector<256x2048xi32> to vector<256x2048xf32>
      %convert_element_type3A_90 = arith.truncf %convert_element_type3A_89 : vector<256x2048xf32> to vector<256x2048xbf16>
      %get3A_91 = arith.constant 1280 : index
      %get3A_92 = arith.constant 0 : index
      %get3A_93 = vector.load %arg4[%get3A_91, %get3A_92] : memref<2048x256xf32, #tpu.memory_space<vmem>>, vector<256x256xf32>
      %dot_general3A = arith.constant dense<0.000000e+00> : vector<256x256xf32>
      %dot_general3A_94 = tpu.matmul %convert_element_type3A_90, %convert_element_type3A_16, %dot_general3A {dimension_numbers = #tpu.dot_dimension_numbers<[1], [0], [0], [1], [0, 0, 1, 1], [], []>, transpose_lhs_hint = false} : vector<256x2048xbf16>, vector<2048x256xbf16>, vector<256x256xf32> -> vector<256x256xf32>
      %add3A_95 = arith.addf %get3A_93, %dot_general3A_94 : vector<256x256xf32>
      %swap3A = arith.constant 1280 : index
      %swap3A_96 = arith.constant 0 : index
      %swap3A_97 = vector.load %arg4[%swap3A, %swap3A_96] : memref<2048x256xf32, #tpu.memory_space<vmem>>, vector<256x256xf32>
      tpu.vector_store %arg4[%swap3A, %swap3A_96], %add3A_95 {strides = array<i32>} : memref<2048x256xf32, #tpu.memory_space<vmem>>, vector<256x256xf32>,
      %get3A_98 = arith.constant 1280 : index
      %get3A_99 = arith.constant 0 : index
      %get3A_100 = vector.load %arg5[%get3A_98, %get3A_99] : memref<2048x128xf32, #tpu.memory_space<vmem>>, vector<256x128xf32>
      %dot_general3A_101 = arith.constant dense<0.000000e+00> : vector<256x128xf32>
      %dot_general3A_102 = tpu.matmul %convert_element_type3A_90, %broadcast_in_dim3A_17, %dot_general3A_101 {dimension_numbers = #tpu.dot_dimension_numbers<[1], [0], [0], [1], [0, 0, 1, 1], [], []>, transpose_lhs_hint = false} : vector<256x2048xbf16>, vector<2048x128xbf16>, vector<256x128xf32> -> vector<256x128xf32>
      %add3A_103 = arith.addf %get3A_100, %dot_general3A_102 : vector<256x128xf32>
      %swap3A_104 = arith.constant 1280 : index
      %swap3A_105 = arith.constant 0 : index
      %swap3A_106 = vector.load %arg5[%swap3A_104, %swap3A_105] : memref<2048x128xf32, #tpu.memory_space<vmem>>, vector<256x128xf32>
      tpu.vector_store %arg5[%swap3A_104, %swap3A_105], %add3A_103 {strides = array<i32>} : memref<2048x128xf32, #tpu.memory_space<vmem>>, vector<256x128xf32>,
    } else {
    }
    %ge3A_63 = arith.constant 1536 : i32
    %ge3A_64 = arith.cmpi sge, %reduce_max3A_12, %ge3A_63 : i32
    %lt3A_65 = arith.constant 1792 : i32
    %lt3A_66 = arith.cmpi slt, %reduce_min3A_8, %lt3A_65 : i32
    %and3A_67 = arith.andi %ge3A_64, %lt3A_66 : i1
    %convert_element_type3A_68 = arith.extui %and3A_67 : i1 to i32
    %cond3A_69 = arith.constant 0 : i32
    %cond3A_70 = arith.cmpi ne, %convert_element_type3A_68, %cond3A_69 : i32
    scf.if %cond3A_70 {
      %iota3A = tpu.iota {dimensions = array<i32: 0>} : vector<256x2048xi32>
      %add3A = arith.constant 1536 : i32
      %add3A_84 = vector.broadcast %add3A : i32 to vector<256x2048xi32>
      %add3A_85 = arith.addi %iota3A, %add3A_84 : vector<256x2048xi32>
      %eq3A_86 = vector.broadcast %reshape3A : vector<1x2048xi32> to vector<256x2048xi32>
      %eq3A_87 = arith.cmpi eq, %add3A_85, %eq3A_86 : vector<256x2048xi32>
      %convert_element_type3A_88 = arith.extui %eq3A_87 : vector<256x2048xi1> to vector<256x2048xi32>
      %convert_element_type3A_89 = arith.sitofp %convert_element_type3A_88 : vector<256x2048xi32> to vector<256x2048xf32>
      %convert_element_type3A_90 = arith.truncf %convert_element_type3A_89 : vector<256x2048xf32> to vector<256x2048xbf16>
      %get3A_91 = arith.constant 1536 : index
      %get3A_92 = arith.constant 0 : index
      %get3A_93 = vector.load %arg4[%get3A_91, %get3A_92] : memref<2048x256xf32, #tpu.memory_space<vmem>>, vector<256x256xf32>
      %dot_general3A = arith.constant dense<0.000000e+00> : vector<256x256xf32>
      %dot_general3A_94 = tpu.matmul %convert_element_type3A_90, %convert_element_type3A_16, %dot_general3A {dimension_numbers = #tpu.dot_dimension_numbers<[1], [0], [0], [1], [0, 0, 1, 1], [], []>, transpose_lhs_hint = false} : vector<256x2048xbf16>, vector<2048x256xbf16>, vector<256x256xf32> -> vector<256x256xf32>
      %add3A_95 = arith.addf %get3A_93, %dot_general3A_94 : vector<256x256xf32>
      %swap3A = arith.constant 1536 : index
      %swap3A_96 = arith.constant 0 : index
      %swap3A_97 = vector.load %arg4[%swap3A, %swap3A_96] : memref<2048x256xf32, #tpu.memory_space<vmem>>, vector<256x256xf32>
      tpu.vector_store %arg4[%swap3A, %swap3A_96], %add3A_95 {strides = array<i32>} : memref<2048x256xf32, #tpu.memory_space<vmem>>, vector<256x256xf32>,
      %get3A_98 = arith.constant 1536 : index
      %get3A_99 = arith.constant 0 : index
      %get3A_100 = vector.load %arg5[%get3A_98, %get3A_99] : memref<2048x128xf32, #tpu.memory_space<vmem>>, vector<256x128xf32>
      %dot_general3A_101 = arith.constant dense<0.000000e+00> : vector<256x128xf32>
      %dot_general3A_102 = tpu.matmul %convert_element_type3A_90, %broadcast_in_dim3A_17, %dot_general3A_101 {dimension_numbers = #tpu.dot_dimension_numbers<[1], [0], [0], [1], [0, 0, 1, 1], [], []>, transpose_lhs_hint = false} : vector<256x2048xbf16>, vector<2048x128xbf16>, vector<256x128xf32> -> vector<256x128xf32>
      %add3A_103 = arith.addf %get3A_100, %dot_general3A_102 : vector<256x128xf32>
      %swap3A_104 = arith.constant 1536 : index
      %swap3A_105 = arith.constant 0 : index
      %swap3A_106 = vector.load %arg5[%swap3A_104, %swap3A_105] : memref<2048x128xf32, #tpu.memory_space<vmem>>, vector<256x128xf32>
      tpu.vector_store %arg5[%swap3A_104, %swap3A_105], %add3A_103 {strides = array<i32>} : memref<2048x128xf32, #tpu.memory_space<vmem>>, vector<256x128xf32>,
    } else {
    }
    %ge3A_71 = arith.constant 1792 : i32
    %ge3A_72 = arith.cmpi sge, %reduce_max3A_12, %ge3A_71 : i32
    %lt3A_73 = arith.constant 2048 : i32
    %lt3A_74 = arith.cmpi slt, %reduce_min3A_8, %lt3A_73 : i32
    %and3A_75 = arith.andi %ge3A_72, %lt3A_74 : i1
    %convert_element_type3A_76 = arith.extui %and3A_75 : i1 to i32
    %cond3A_77 = arith.constant 0 : i32
    %cond3A_78 = arith.cmpi ne, %convert_element_type3A_76, %cond3A_77 : i32
    scf.if %cond3A_78 {
      %iota3A = tpu.iota {dimensions = array<i32: 0>} : vector<256x2048xi32>
      %add3A = arith.constant 1792 : i32
      %add3A_84 = vector.broadcast %add3A : i32 to vector<256x2048xi32>
      %add3A_85 = arith.addi %iota3A, %add3A_84 : vector<256x2048xi32>
      %eq3A_86 = vector.broadcast %reshape3A : vector<1x2048xi32> to vector<256x2048xi32>
      %eq3A_87 = arith.cmpi eq, %add3A_85, %eq3A_86 : vector<256x2048xi32>
      %convert_element_type3A_88 = arith.extui %eq3A_87 : vector<256x2048xi1> to vector<256x2048xi32>
      %convert_element_type3A_89 = arith.sitofp %convert_element_type3A_88 : vector<256x2048xi32> to vector<256x2048xf32>
      %convert_element_type3A_90 = arith.truncf %convert_element_type3A_89 : vector<256x2048xf32> to vector<256x2048xbf16>
      %get3A_91 = arith.constant 1792 : index
      %get3A_92 = arith.constant 0 : index
      %get3A_93 = vector.load %arg4[%get3A_91, %get3A_92] : memref<2048x256xf32, #tpu.memory_space<vmem>>, vector<256x256xf32>
      %dot_general3A = arith.constant dense<0.000000e+00> : vector<256x256xf32>
      %dot_general3A_94 = tpu.matmul %convert_element_type3A_90, %convert_element_type3A_16, %dot_general3A {dimension_numbers = #tpu.dot_dimension_numbers<[1], [0], [0], [1], [0, 0, 1, 1], [], []>, transpose_lhs_hint = false} : vector<256x2048xbf16>, vector<2048x256xbf16>, vector<256x256xf32> -> vector<256x256xf32>
      %add3A_95 = arith.addf %get3A_93, %dot_general3A_94 : vector<256x256xf32>
      %swap3A = arith.constant 1792 : index
      %swap3A_96 = arith.constant 0 : index
      %swap3A_97 = vector.load %arg4[%swap3A, %swap3A_96] : memref<2048x256xf32, #tpu.memory_space<vmem>>, vector<256x256xf32>
      tpu.vector_store %arg4[%swap3A, %swap3A_96], %add3A_95 {strides = array<i32>} : memref<2048x256xf32, #tpu.memory_space<vmem>>, vector<256x256xf32>,
      %get3A_98 = arith.constant 1792 : index
      %get3A_99 = arith.constant 0 : index
      %get3A_100 = vector.load %arg5[%get3A_98, %get3A_99] : memref<2048x128xf32, #tpu.memory_space<vmem>>, vector<256x128xf32>
      %dot_general3A_101 = arith.constant dense<0.000000e+00> : vector<256x128xf32>
      %dot_general3A_102 = tpu.matmul %convert_element_type3A_90, %broadcast_in_dim3A_17, %dot_general3A_101 {dimension_numbers = #tpu.dot_dimension_numbers<[1], [0], [0], [1], [0, 0, 1, 1], [], []>, transpose_lhs_hint = false} : vector<256x2048xbf16>, vector<2048x128xbf16>, vector<256x128xf32> -> vector<256x128xf32>
      %add3A_103 = arith.addf %get3A_100, %dot_general3A_102 : vector<256x128xf32>
      %swap3A_104 = arith.constant 1792 : index
      %swap3A_105 = arith.constant 0 : index
      %swap3A_106 = vector.load %arg5[%swap3A_104, %swap3A_105] : memref<2048x128xf32, #tpu.memory_space<vmem>>, vector<256x128xf32>
      tpu.vector_store %arg5[%swap3A_104, %swap3A_105], %add3A_103 {strides = array<i32>} : memref<2048x128xf32, #tpu.memory_space<vmem>>, vector<256x128xf32>,
    } else {
    }
    %eq3A_79 = arith.constant 7 : i32
    %eq3A_80 = arith.cmpi eq, %arg0, %eq3A_79 : i32
    %convert_element_type3A_81 = arith.extui %eq3A_80 : i1 to i32
    %cond3A_82 = arith.constant 0 : i32
    %cond3A_83 = arith.cmpi ne, %convert_element_type3A_81, %cond3A_82 : i32
    scf.if %cond3A_83 {
      %get3A_84 = arith.constant 0 : index
      %get3A_85 = arith.constant 0 : index
      %get3A_86 = vector.load %arg4[%get3A_84, %get3A_85] : memref<2048x256xf32, #tpu.memory_space<vmem>>, vector<2048x256xf32>
      %get3A_87 = arith.constant 0 : index
      %get3A_88 = arith.constant 0 : index
      %get3A_89 = vector.load %arg5[%get3A_87, %get3A_88] : memref<2048x128xf32, #tpu.memory_space<vmem>>, vector<2048x1xf32>
      %max3A = arith.constant 1.000000e+00 : f32
      %max3A_90 = vector.broadcast %max3A : f32 to vector<2048x1xf32>
      %max3A_91 = arith.maximumf %get3A_89, %max3A_90 : vector<2048x1xf32>
      %div3A = vector.broadcast %max3A_91 : vector<2048x1xf32> to vector<2048x256xf32>
      %div3A_92 = arith.divf %get3A_86, %div3A : vector<2048x256xf32>
      %swap3A = arith.constant 0 : index
      %swap3A_93 = arith.constant 0 : index
      %swap3A_94 = vector.load %arg3[%swap3A, %swap3A_93] : memref<2048x256xf32, #tpu.memory_space<vmem>>, vector<2048x256xf32>
      tpu.vector_store %arg3[%swap3A, %swap3A_93], %div3A_92 {strides = array<i32>} : memref<2048x256xf32, #tpu.memory_space<vmem>>, vector<2048x256xf32>,
    } else {
    }
    return
  }
  func.func @transform_0(%arg0: i32) -> (i32, i32, i32) {
    %c0_i32 = arith.constant 0 : i32
    %c0_i32_0 = arith.constant 0 : i32
    %c0_i32_1 = arith.constant 0 : i32
    return %arg0, %c0_i32, %c0_i32_0 : i32, i32, i32
  }
  func.func @transform_1(%arg0: i32) -> (i32, i32) {
    %c0_i32 = arith.constant 0 : i32
    %c0_i32_0 = arith.constant 0 : i32
    return %arg0, %c0_i32 : i32, i32
  }
  func.func @transform_2(%arg0: i32) -> (i32, i32) {
    %c0_i32 = arith.constant 0 : i32
    %c0_i32_0 = arith.constant 0 : i32
    %c0_i32_1 = arith.constant 0 : i32
    return %c0_i32, %c0_i32_0 : i32, i32
  }
}

module attributes {stable_mosaic.version = 14 : i64} {
  func.func @_mlp_body(%arg0: i32, %arg1: memref<2048x768xf32, #tpu.memory_space<vmem>>, %arg2: memref<2048x128xi32, #tpu.memory_space<vmem>>, %arg3: memref<2048x128xi32, #tpu.memory_space<vmem>>, %arg4: memref<1280x1024xbf16, #tpu.memory_space<vmem>>, %arg5: memref<1x1024xf32, #tpu.memory_space<vmem>>, %arg6: memref<1024x8xbf16, #tpu.memory_space<vmem>>, %arg7: memref<1x8xf32, #tpu.memory_space<vmem>>, %arg8: memref<2048x8xf32, #tpu.memory_space<vmem>>) attributes {dimension_semantics = [#tpu.dimension_semantics<arbitrary>], iteration_bounds = array<i64: 10>, scalar_prefetch = 0 : i64, scratch_operands = 0 : i64, tpu.core_type = #tpu.core_type<tc>, window_params = [{transform_indices = @transform_0, window_bounds = array<i64: 2048, 768>}, {transform_indices = @transform_1, window_bounds = array<i64: 2048, 128>}, {transform_indices = @transform_2, window_bounds = array<i64: 2048, 128>}, {pipeline_mode = #tpu.pipeline_mode<synchronous>, transform_indices = @transform_3, window_bounds = array<i64: 1280, 1024>}, {pipeline_mode = #tpu.pipeline_mode<synchronous>, transform_indices = @transform_4, window_bounds = array<i64: 1, 1024>}, {pipeline_mode = #tpu.pipeline_mode<synchronous>, transform_indices = @transform_5, window_bounds = array<i64: 1024, 8>}, {pipeline_mode = #tpu.pipeline_mode<synchronous>, transform_indices = @transform_6, window_bounds = array<i64: 1, 8>}, {transform_indices = @transform_7, window_bounds = array<i64: 2048, 8>}]} {
    %get3A = arith.constant 0 : index
    %get3A_0 = arith.constant 0 : index
    %get3A_1 = vector.load %arg2[%get3A, %get3A_0] : memref<2048x128xi32, #tpu.memory_space<vmem>>, vector<2048x128xi32>
    %shift_left3A = arith.constant 16 : i32
    %shift_left3A_2 = vector.broadcast %shift_left3A : i32 to vector<2048x128xi32>
    %shift_left3A_3 = arith.shli %get3A_1, %shift_left3A_2 : vector<2048x128xi32>
    %bitcast3A = tpu.bitcast %shift_left3A_3 : vector<2048x128xi32> -> vector<2048x128xf32>
    %convert_element_type3A = arith.truncf %bitcast3A : vector<2048x128xf32> to vector<2048x128xbf16>
    %and3A = arith.constant -65536 : i32
    %and3A_4 = vector.broadcast %and3A : i32 to vector<2048x128xi32>
    %and3A_5 = arith.andi %get3A_1, %and3A_4 : vector<2048x128xi32>
    %bitcast3A_6 = tpu.bitcast %and3A_5 : vector<2048x128xi32> -> vector<2048x128xf32>
    %convert_element_type3A_7 = arith.truncf %bitcast3A_6 : vector<2048x128xf32> to vector<2048x128xbf16>
    %get3A_8 = arith.constant 0 : index
    %get3A_9 = arith.constant 0 : index
    %get3A_10 = vector.load %arg3[%get3A_8, %get3A_9] : memref<2048x128xi32, #tpu.memory_space<vmem>>, vector<2048x128xi32>
    %shift_left3A_11 = arith.constant 16 : i32
    %shift_left3A_12 = vector.broadcast %shift_left3A_11 : i32 to vector<2048x128xi32>
    %shift_left3A_13 = arith.shli %get3A_10, %shift_left3A_12 : vector<2048x128xi32>
    %bitcast3A_14 = tpu.bitcast %shift_left3A_13 : vector<2048x128xi32> -> vector<2048x128xf32>
    %convert_element_type3A_15 = arith.truncf %bitcast3A_14 : vector<2048x128xf32> to vector<2048x128xbf16>
    %and3A_16 = arith.constant -65536 : i32
    %and3A_17 = vector.broadcast %and3A_16 : i32 to vector<2048x128xi32>
    %and3A_18 = arith.andi %get3A_10, %and3A_17 : vector<2048x128xi32>
    %bitcast3A_19 = tpu.bitcast %and3A_18 : vector<2048x128xi32> -> vector<2048x128xf32>
    %convert_element_type3A_20 = arith.truncf %bitcast3A_19 : vector<2048x128xf32> to vector<2048x128xbf16>
    %get3A_21 = arith.constant 0 : index
    %get3A_22 = arith.constant 0 : index
    %get3A_23 = vector.load %arg1[%get3A_21, %get3A_22] : memref<2048x768xf32, #tpu.memory_space<vmem>>, vector<2048x768xf32>
    %convert_element_type3A_24 = arith.truncf %get3A_23 : vector<2048x768xf32> to vector<2048x768xbf16>
    %concatenate3A = tpu.concatenate %convert_element_type3A_24, %convert_element_type3A, %convert_element_type3A_7, %convert_element_type3A_15, %convert_element_type3A_20 in 1 : vector<2048x768xbf16>, vector<2048x128xbf16>, vector<2048x128xbf16>, vector<2048x128xbf16>, vector<2048x128xbf16> -> vector<2048x1280xbf16>
    %get3A_25 = arith.constant 0 : index
    %get3A_26 = arith.constant 0 : index
    %get3A_27 = vector.load %arg4[%get3A_25, %get3A_26] : memref<1280x1024xbf16, #tpu.memory_space<vmem>>, vector<1280x1024xbf16>
    %dot_general3A = arith.constant dense<0.000000e+00> : vector<2048x1024xf32>
    %dot_general3A_28 = tpu.matmul %concatenate3A, %get3A_27, %dot_general3A {dimension_numbers = #tpu.dot_dimension_numbers<[1], [0], [0], [1], [0, 0, 1, 1], [], []>, transpose_lhs_hint = false} : vector<2048x1280xbf16>, vector<1280x1024xbf16>, vector<2048x1024xf32> -> vector<2048x1024xf32>
    %get3A_29 = arith.constant 0 : index
    %get3A_30 = arith.constant 0 : index
    %get3A_31 = vector.load %arg5[%get3A_29, %get3A_30] : memref<1x1024xf32, #tpu.memory_space<vmem>>, vector<1x1024xf32>
    %add3A = vector.broadcast %get3A_31 : vector<1x1024xf32> to vector<2048x1024xf32>
    %add3A_32 = arith.addf %dot_general3A_28, %add3A : vector<2048x1024xf32>
    %tanh3A = math.tanh %add3A_32 : vector<2048x1024xf32>
    %convert_element_type3A_33 = arith.truncf %tanh3A : vector<2048x1024xf32> to vector<2048x1024xbf16>
    %get3A_34 = arith.constant 0 : index
    %get3A_35 = arith.constant 0 : index
    %get3A_36 = vector.load %arg6[%get3A_34, %get3A_35] : memref<1024x8xbf16, #tpu.memory_space<vmem>>, vector<1024x8xbf16>
    %dot_general3A_37 = arith.constant dense<0.000000e+00> : vector<2048x8xf32>
    %dot_general3A_38 = tpu.matmul %convert_element_type3A_33, %get3A_36, %dot_general3A_37 {dimension_numbers = #tpu.dot_dimension_numbers<[1], [0], [0], [1], [0, 0, 1, 1], [], []>, transpose_lhs_hint = false} : vector<2048x1024xbf16>, vector<1024x8xbf16>, vector<2048x8xf32> -> vector<2048x8xf32>
    %get3A_39 = arith.constant 0 : index
    %get3A_40 = arith.constant 0 : index
    %get3A_41 = vector.load %arg7[%get3A_39, %get3A_40] : memref<1x8xf32, #tpu.memory_space<vmem>>, vector<1x8xf32>
    %add3A_42 = vector.broadcast %get3A_41 : vector<1x8xf32> to vector<2048x8xf32>
    %add3A_43 = arith.addf %dot_general3A_38, %add3A_42 : vector<2048x8xf32>
    %swap3A = arith.constant 0 : index
    %swap3A_44 = arith.constant 0 : index
    %swap3A_45 = vector.load %arg8[%swap3A, %swap3A_44] : memref<2048x8xf32, #tpu.memory_space<vmem>>, vector<2048x8xf32>
    tpu.vector_store %arg8[%swap3A, %swap3A_44], %add3A_43 {strides = array<i32>} : memref<2048x8xf32, #tpu.memory_space<vmem>>, vector<2048x8xf32>,
    return
  }
  func.func @transform_0(%arg0: i32) -> (i32, i32) {
    %add3A = arith.constant 12 : i32
    %add3A_0 = arith.addi %arg0, %add3A : i32
    %c0_i32 = arith.constant 0 : i32
    %c0_i32_1 = arith.constant 0 : i32
    return %add3A_0, %c0_i32 : i32, i32
  }
  func.func @transform_1(%arg0: i32) -> (i32, i32) {
    %c0_i32 = arith.constant 0 : i32
    %c0_i32_0 = arith.constant 0 : i32
    return %arg0, %c0_i32 : i32, i32
  }
  func.func @transform_2(%arg0: i32) -> (i32, i32) {
    %add3A = arith.constant 10 : i32
    %add3A_0 = arith.addi %arg0, %add3A : i32
    %c0_i32 = arith.constant 0 : i32
    %c0_i32_1 = arith.constant 0 : i32
    return %add3A_0, %c0_i32 : i32, i32
  }
  func.func @transform_3(%arg0: i32) -> (i32, i32) {
    %c0_i32 = arith.constant 0 : i32
    %c0_i32_0 = arith.constant 0 : i32
    %c0_i32_1 = arith.constant 0 : i32
    return %c0_i32, %c0_i32_0 : i32, i32
  }
  func.func @transform_4(%arg0: i32) -> (i32, i32) {
    %c0_i32 = arith.constant 0 : i32
    %c0_i32_0 = arith.constant 0 : i32
    %c0_i32_1 = arith.constant 0 : i32
    return %c0_i32, %c0_i32_0 : i32, i32
  }
  func.func @transform_5(%arg0: i32) -> (i32, i32) {
    %c0_i32 = arith.constant 0 : i32
    %c0_i32_0 = arith.constant 0 : i32
    %c0_i32_1 = arith.constant 0 : i32
    return %c0_i32, %c0_i32_0 : i32, i32
  }
  func.func @transform_6(%arg0: i32) -> (i32, i32) {
    %c0_i32 = arith.constant 0 : i32
    %c0_i32_0 = arith.constant 0 : i32
    %c0_i32_1 = arith.constant 0 : i32
    return %c0_i32, %c0_i32_0 : i32, i32
  }
  func.func @transform_7(%arg0: i32) -> (i32, i32) {
    %c0_i32 = arith.constant 0 : i32
    %c0_i32_0 = arith.constant 0 : i32
    return %arg0, %c0_i32 : i32, i32
  }
}

module attributes {stable_mosaic.version = 14 : i64} {
  func.func @_mlp_body(%arg0: i32, %arg1: memref<2048x768xf32, #tpu.memory_space<vmem>>, %arg2: memref<2048x128xi32, #tpu.memory_space<vmem>>, %arg3: memref<2048x128xi32, #tpu.memory_space<vmem>>, %arg4: memref<1280x1024xbf16, #tpu.memory_space<vmem>>, %arg5: memref<1x1024xf32, #tpu.memory_space<vmem>>, %arg6: memref<1024x8xbf16, #tpu.memory_space<vmem>>, %arg7: memref<1x8xf32, #tpu.memory_space<vmem>>, %arg8: memref<2048x8xf32, #tpu.memory_space<vmem>>) attributes {dimension_semantics = [#tpu.dimension_semantics<arbitrary>], iteration_bounds = array<i64: 10>, scalar_prefetch = 0 : i64, scratch_operands = 0 : i64, tpu.core_type = #tpu.core_type<tc>, window_params = [{transform_indices = @transform_0, window_bounds = array<i64: 2048, 768>}, {transform_indices = @transform_1, window_bounds = array<i64: 2048, 128>}, {transform_indices = @transform_2, window_bounds = array<i64: 2048, 128>}, {pipeline_mode = #tpu.pipeline_mode<synchronous>, transform_indices = @transform_3, window_bounds = array<i64: 1280, 1024>}, {pipeline_mode = #tpu.pipeline_mode<synchronous>, transform_indices = @transform_4, window_bounds = array<i64: 1, 1024>}, {pipeline_mode = #tpu.pipeline_mode<synchronous>, transform_indices = @transform_5, window_bounds = array<i64: 1024, 8>}, {pipeline_mode = #tpu.pipeline_mode<synchronous>, transform_indices = @transform_6, window_bounds = array<i64: 1, 8>}, {transform_indices = @transform_7, window_bounds = array<i64: 2048, 8>}]} {
    %get3A = arith.constant 0 : index
    %get3A_0 = arith.constant 0 : index
    %get3A_1 = vector.load %arg2[%get3A, %get3A_0] : memref<2048x128xi32, #tpu.memory_space<vmem>>, vector<2048x128xi32>
    %shift_left3A = arith.constant 16 : i32
    %shift_left3A_2 = vector.broadcast %shift_left3A : i32 to vector<2048x128xi32>
    %shift_left3A_3 = arith.shli %get3A_1, %shift_left3A_2 : vector<2048x128xi32>
    %bitcast3A = tpu.bitcast %shift_left3A_3 : vector<2048x128xi32> -> vector<2048x128xf32>
    %convert_element_type3A = arith.truncf %bitcast3A : vector<2048x128xf32> to vector<2048x128xbf16>
    %and3A = arith.constant -65536 : i32
    %and3A_4 = vector.broadcast %and3A : i32 to vector<2048x128xi32>
    %and3A_5 = arith.andi %get3A_1, %and3A_4 : vector<2048x128xi32>
    %bitcast3A_6 = tpu.bitcast %and3A_5 : vector<2048x128xi32> -> vector<2048x128xf32>
    %convert_element_type3A_7 = arith.truncf %bitcast3A_6 : vector<2048x128xf32> to vector<2048x128xbf16>
    %get3A_8 = arith.constant 0 : index
    %get3A_9 = arith.constant 0 : index
    %get3A_10 = vector.load %arg3[%get3A_8, %get3A_9] : memref<2048x128xi32, #tpu.memory_space<vmem>>, vector<2048x128xi32>
    %shift_left3A_11 = arith.constant 16 : i32
    %shift_left3A_12 = vector.broadcast %shift_left3A_11 : i32 to vector<2048x128xi32>
    %shift_left3A_13 = arith.shli %get3A_10, %shift_left3A_12 : vector<2048x128xi32>
    %bitcast3A_14 = tpu.bitcast %shift_left3A_13 : vector<2048x128xi32> -> vector<2048x128xf32>
    %convert_element_type3A_15 = arith.truncf %bitcast3A_14 : vector<2048x128xf32> to vector<2048x128xbf16>
    %and3A_16 = arith.constant -65536 : i32
    %and3A_17 = vector.broadcast %and3A_16 : i32 to vector<2048x128xi32>
    %and3A_18 = arith.andi %get3A_10, %and3A_17 : vector<2048x128xi32>
    %bitcast3A_19 = tpu.bitcast %and3A_18 : vector<2048x128xi32> -> vector<2048x128xf32>
    %convert_element_type3A_20 = arith.truncf %bitcast3A_19 : vector<2048x128xf32> to vector<2048x128xbf16>
    %get3A_21 = arith.constant 0 : index
    %get3A_22 = arith.constant 0 : index
    %get3A_23 = vector.load %arg1[%get3A_21, %get3A_22] : memref<2048x768xf32, #tpu.memory_space<vmem>>, vector<2048x768xf32>
    %convert_element_type3A_24 = arith.truncf %get3A_23 : vector<2048x768xf32> to vector<2048x768xbf16>
    %concatenate3A = tpu.concatenate %convert_element_type3A_24, %convert_element_type3A, %convert_element_type3A_7, %convert_element_type3A_15, %convert_element_type3A_20 in 1 : vector<2048x768xbf16>, vector<2048x128xbf16>, vector<2048x128xbf16>, vector<2048x128xbf16>, vector<2048x128xbf16> -> vector<2048x1280xbf16>
    %get3A_25 = arith.constant 0 : index
    %get3A_26 = arith.constant 0 : index
    %get3A_27 = vector.load %arg4[%get3A_25, %get3A_26] : memref<1280x1024xbf16, #tpu.memory_space<vmem>>, vector<1280x1024xbf16>
    %dot_general3A = arith.constant dense<0.000000e+00> : vector<2048x1024xf32>
    %dot_general3A_28 = tpu.matmul %concatenate3A, %get3A_27, %dot_general3A {dimension_numbers = #tpu.dot_dimension_numbers<[1], [0], [0], [1], [0, 0, 1, 1], [], []>, transpose_lhs_hint = false} : vector<2048x1280xbf16>, vector<1280x1024xbf16>, vector<2048x1024xf32> -> vector<2048x1024xf32>
    %get3A_29 = arith.constant 0 : index
    %get3A_30 = arith.constant 0 : index
    %get3A_31 = vector.load %arg5[%get3A_29, %get3A_30] : memref<1x1024xf32, #tpu.memory_space<vmem>>, vector<1x1024xf32>
    %add3A = vector.broadcast %get3A_31 : vector<1x1024xf32> to vector<2048x1024xf32>
    %add3A_32 = arith.addf %dot_general3A_28, %add3A : vector<2048x1024xf32>
    %tanh3A = math.tanh %add3A_32 : vector<2048x1024xf32>
    %convert_element_type3A_33 = arith.truncf %tanh3A : vector<2048x1024xf32> to vector<2048x1024xbf16>
    %get3A_34 = arith.constant 0 : index
    %get3A_35 = arith.constant 0 : index
    %get3A_36 = vector.load %arg6[%get3A_34, %get3A_35] : memref<1024x8xbf16, #tpu.memory_space<vmem>>, vector<1024x8xbf16>
    %dot_general3A_37 = arith.constant dense<0.000000e+00> : vector<2048x8xf32>
    %dot_general3A_38 = tpu.matmul %convert_element_type3A_33, %get3A_36, %dot_general3A_37 {dimension_numbers = #tpu.dot_dimension_numbers<[1], [0], [0], [1], [0, 0, 1, 1], [], []>, transpose_lhs_hint = false} : vector<2048x1024xbf16>, vector<1024x8xbf16>, vector<2048x8xf32> -> vector<2048x8xf32>
    %get3A_39 = arith.constant 0 : index
    %get3A_40 = arith.constant 0 : index
    %get3A_41 = vector.load %arg7[%get3A_39, %get3A_40] : memref<1x8xf32, #tpu.memory_space<vmem>>, vector<1x8xf32>
    %add3A_42 = vector.broadcast %get3A_41 : vector<1x8xf32> to vector<2048x8xf32>
    %add3A_43 = arith.addf %dot_general3A_38, %add3A_42 : vector<2048x8xf32>
    %swap3A = arith.constant 0 : index
    %swap3A_44 = arith.constant 0 : index
    %swap3A_45 = vector.load %arg8[%swap3A, %swap3A_44] : memref<2048x8xf32, #tpu.memory_space<vmem>>, vector<2048x8xf32>
    tpu.vector_store %arg8[%swap3A, %swap3A_44], %add3A_43 {strides = array<i32>} : memref<2048x8xf32, #tpu.memory_space<vmem>>, vector<2048x8xf32>,
    return
  }
  func.func @transform_0(%arg0: i32) -> (i32, i32) {
    %add3A = arith.constant 22 : i32
    %add3A_0 = arith.addi %arg0, %add3A : i32
    %c0_i32 = arith.constant 0 : i32
    %c0_i32_1 = arith.constant 0 : i32
    return %add3A_0, %c0_i32 : i32, i32
  }
  func.func @transform_1(%arg0: i32) -> (i32, i32) {
    %c0_i32 = arith.constant 0 : i32
    %c0_i32_0 = arith.constant 0 : i32
    return %arg0, %c0_i32 : i32, i32
  }
  func.func @transform_2(%arg0: i32) -> (i32, i32) {
    %add3A = arith.constant 10 : i32
    %add3A_0 = arith.addi %arg0, %add3A : i32
    %c0_i32 = arith.constant 0 : i32
    %c0_i32_1 = arith.constant 0 : i32
    return %add3A_0, %c0_i32 : i32, i32
  }
  func.func @transform_3(%arg0: i32) -> (i32, i32) {
    %c0_i32 = arith.constant 0 : i32
    %c0_i32_0 = arith.constant 0 : i32
    %c0_i32_1 = arith.constant 0 : i32
    return %c0_i32, %c0_i32_0 : i32, i32
  }
  func.func @transform_4(%arg0: i32) -> (i32, i32) {
    %c0_i32 = arith.constant 0 : i32
    %c0_i32_0 = arith.constant 0 : i32
    %c0_i32_1 = arith.constant 0 : i32
    return %c0_i32, %c0_i32_0 : i32, i32
  }
  func.func @transform_5(%arg0: i32) -> (i32, i32) {
    %c0_i32 = arith.constant 0 : i32
    %c0_i32_0 = arith.constant 0 : i32
    %c0_i32_1 = arith.constant 0 : i32
    return %c0_i32, %c0_i32_0 : i32, i32
  }
  func.func @transform_6(%arg0: i32) -> (i32, i32) {
    %c0_i32 = arith.constant 0 : i32
    %c0_i32_0 = arith.constant 0 : i32
    %c0_i32_1 = arith.constant 0 : i32
    return %c0_i32, %c0_i32_0 : i32, i32
  }
  func.func @transform_7(%arg0: i32) -> (i32, i32) {
    %c0_i32 = arith.constant 0 : i32
    %c0_i32_0 = arith.constant 0 : i32
    return %arg0, %c0_i32 : i32, i32
  }
}

module attributes {stable_mosaic.version = 14 : i64} {
  func.func @_mlp_body(%arg0: i32, %arg1: memref<2048x768xf32, #tpu.memory_space<vmem>>, %arg2: memref<2048x128xi32, #tpu.memory_space<vmem>>, %arg3: memref<2048x128xi32, #tpu.memory_space<vmem>>, %arg4: memref<1280x1024xbf16, #tpu.memory_space<vmem>>, %arg5: memref<1x1024xf32, #tpu.memory_space<vmem>>, %arg6: memref<1024x8xbf16, #tpu.memory_space<vmem>>, %arg7: memref<1x8xf32, #tpu.memory_space<vmem>>, %arg8: memref<2048x8xf32, #tpu.memory_space<vmem>>) attributes {dimension_semantics = [#tpu.dimension_semantics<arbitrary>], iteration_bounds = array<i64: 8>, scalar_prefetch = 0 : i64, scratch_operands = 0 : i64, tpu.core_type = #tpu.core_type<tc>, window_params = [{transform_indices = @transform_0, window_bounds = array<i64: 2048, 768>}, {transform_indices = @transform_1, window_bounds = array<i64: 2048, 128>}, {transform_indices = @transform_2, window_bounds = array<i64: 2048, 128>}, {pipeline_mode = #tpu.pipeline_mode<synchronous>, transform_indices = @transform_3, window_bounds = array<i64: 1280, 1024>}, {pipeline_mode = #tpu.pipeline_mode<synchronous>, transform_indices = @transform_4, window_bounds = array<i64: 1, 1024>}, {pipeline_mode = #tpu.pipeline_mode<synchronous>, transform_indices = @transform_5, window_bounds = array<i64: 1024, 8>}, {pipeline_mode = #tpu.pipeline_mode<synchronous>, transform_indices = @transform_6, window_bounds = array<i64: 1, 8>}, {transform_indices = @transform_7, window_bounds = array<i64: 2048, 8>}]} {
    %get3A = arith.constant 0 : index
    %get3A_0 = arith.constant 0 : index
    %get3A_1 = vector.load %arg2[%get3A, %get3A_0] : memref<2048x128xi32, #tpu.memory_space<vmem>>, vector<2048x128xi32>
    %shift_left3A = arith.constant 16 : i32
    %shift_left3A_2 = vector.broadcast %shift_left3A : i32 to vector<2048x128xi32>
    %shift_left3A_3 = arith.shli %get3A_1, %shift_left3A_2 : vector<2048x128xi32>
    %bitcast3A = tpu.bitcast %shift_left3A_3 : vector<2048x128xi32> -> vector<2048x128xf32>
    %convert_element_type3A = arith.truncf %bitcast3A : vector<2048x128xf32> to vector<2048x128xbf16>
    %and3A = arith.constant -65536 : i32
    %and3A_4 = vector.broadcast %and3A : i32 to vector<2048x128xi32>
    %and3A_5 = arith.andi %get3A_1, %and3A_4 : vector<2048x128xi32>
    %bitcast3A_6 = tpu.bitcast %and3A_5 : vector<2048x128xi32> -> vector<2048x128xf32>
    %convert_element_type3A_7 = arith.truncf %bitcast3A_6 : vector<2048x128xf32> to vector<2048x128xbf16>
    %get3A_8 = arith.constant 0 : index
    %get3A_9 = arith.constant 0 : index
    %get3A_10 = vector.load %arg3[%get3A_8, %get3A_9] : memref<2048x128xi32, #tpu.memory_space<vmem>>, vector<2048x128xi32>
    %shift_left3A_11 = arith.constant 16 : i32
    %shift_left3A_12 = vector.broadcast %shift_left3A_11 : i32 to vector<2048x128xi32>
    %shift_left3A_13 = arith.shli %get3A_10, %shift_left3A_12 : vector<2048x128xi32>
    %bitcast3A_14 = tpu.bitcast %shift_left3A_13 : vector<2048x128xi32> -> vector<2048x128xf32>
    %convert_element_type3A_15 = arith.truncf %bitcast3A_14 : vector<2048x128xf32> to vector<2048x128xbf16>
    %and3A_16 = arith.constant -65536 : i32
    %and3A_17 = vector.broadcast %and3A_16 : i32 to vector<2048x128xi32>
    %and3A_18 = arith.andi %get3A_10, %and3A_17 : vector<2048x128xi32>
    %bitcast3A_19 = tpu.bitcast %and3A_18 : vector<2048x128xi32> -> vector<2048x128xf32>
    %convert_element_type3A_20 = arith.truncf %bitcast3A_19 : vector<2048x128xf32> to vector<2048x128xbf16>
    %get3A_21 = arith.constant 0 : index
    %get3A_22 = arith.constant 0 : index
    %get3A_23 = vector.load %arg1[%get3A_21, %get3A_22] : memref<2048x768xf32, #tpu.memory_space<vmem>>, vector<2048x768xf32>
    %convert_element_type3A_24 = arith.truncf %get3A_23 : vector<2048x768xf32> to vector<2048x768xbf16>
    %concatenate3A = tpu.concatenate %convert_element_type3A_24, %convert_element_type3A, %convert_element_type3A_7, %convert_element_type3A_15, %convert_element_type3A_20 in 1 : vector<2048x768xbf16>, vector<2048x128xbf16>, vector<2048x128xbf16>, vector<2048x128xbf16>, vector<2048x128xbf16> -> vector<2048x1280xbf16>
    %get3A_25 = arith.constant 0 : index
    %get3A_26 = arith.constant 0 : index
    %get3A_27 = vector.load %arg4[%get3A_25, %get3A_26] : memref<1280x1024xbf16, #tpu.memory_space<vmem>>, vector<1280x1024xbf16>
    %dot_general3A = arith.constant dense<0.000000e+00> : vector<2048x1024xf32>
    %dot_general3A_28 = tpu.matmul %concatenate3A, %get3A_27, %dot_general3A {dimension_numbers = #tpu.dot_dimension_numbers<[1], [0], [0], [1], [0, 0, 1, 1], [], []>, transpose_lhs_hint = false} : vector<2048x1280xbf16>, vector<1280x1024xbf16>, vector<2048x1024xf32> -> vector<2048x1024xf32>
    %get3A_29 = arith.constant 0 : index
    %get3A_30 = arith.constant 0 : index
    %get3A_31 = vector.load %arg5[%get3A_29, %get3A_30] : memref<1x1024xf32, #tpu.memory_space<vmem>>, vector<1x1024xf32>
    %add3A = vector.broadcast %get3A_31 : vector<1x1024xf32> to vector<2048x1024xf32>
    %add3A_32 = arith.addf %dot_general3A_28, %add3A : vector<2048x1024xf32>
    %tanh3A = math.tanh %add3A_32 : vector<2048x1024xf32>
    %convert_element_type3A_33 = arith.truncf %tanh3A : vector<2048x1024xf32> to vector<2048x1024xbf16>
    %get3A_34 = arith.constant 0 : index
    %get3A_35 = arith.constant 0 : index
    %get3A_36 = vector.load %arg6[%get3A_34, %get3A_35] : memref<1024x8xbf16, #tpu.memory_space<vmem>>, vector<1024x8xbf16>
    %dot_general3A_37 = arith.constant dense<0.000000e+00> : vector<2048x8xf32>
    %dot_general3A_38 = tpu.matmul %convert_element_type3A_33, %get3A_36, %dot_general3A_37 {dimension_numbers = #tpu.dot_dimension_numbers<[1], [0], [0], [1], [0, 0, 1, 1], [], []>, transpose_lhs_hint = false} : vector<2048x1024xbf16>, vector<1024x8xbf16>, vector<2048x8xf32> -> vector<2048x8xf32>
    %get3A_39 = arith.constant 0 : index
    %get3A_40 = arith.constant 0 : index
    %get3A_41 = vector.load %arg7[%get3A_39, %get3A_40] : memref<1x8xf32, #tpu.memory_space<vmem>>, vector<1x8xf32>
    %add3A_42 = vector.broadcast %get3A_41 : vector<1x8xf32> to vector<2048x8xf32>
    %add3A_43 = arith.addf %dot_general3A_38, %add3A_42 : vector<2048x8xf32>
    %swap3A = arith.constant 0 : index
    %swap3A_44 = arith.constant 0 : index
    %swap3A_45 = vector.load %arg8[%swap3A, %swap3A_44] : memref<2048x8xf32, #tpu.memory_space<vmem>>, vector<2048x8xf32>
    tpu.vector_store %arg8[%swap3A, %swap3A_44], %add3A_43 {strides = array<i32>} : memref<2048x8xf32, #tpu.memory_space<vmem>>, vector<2048x8xf32>,
    return
  }
  func.func @transform_0(%arg0: i32) -> (i32, i32) {
    %add3A = arith.constant 4 : i32
    %add3A_0 = arith.addi %arg0, %add3A : i32
    %c0_i32 = arith.constant 0 : i32
    %c0_i32_1 = arith.constant 0 : i32
    return %add3A_0, %c0_i32 : i32, i32
  }
  func.func @transform_1(%arg0: i32) -> (i32, i32) {
    %c0_i32 = arith.constant 0 : i32
    %c0_i32_0 = arith.constant 0 : i32
    return %arg0, %c0_i32 : i32, i32
  }
  func.func @transform_2(%arg0: i32) -> (i32, i32) {
    %add3A = arith.constant 8 : i32
    %add3A_0 = arith.addi %arg0, %add3A : i32
    %c0_i32 = arith.constant 0 : i32
    %c0_i32_1 = arith.constant 0 : i32
    return %add3A_0, %c0_i32 : i32, i32
  }
  func.func @transform_3(%arg0: i32) -> (i32, i32) {
    %c0_i32 = arith.constant 0 : i32
    %c0_i32_0 = arith.constant 0 : i32
    %c0_i32_1 = arith.constant 0 : i32
    return %c0_i32, %c0_i32_0 : i32, i32
  }
  func.func @transform_4(%arg0: i32) -> (i32, i32) {
    %c0_i32 = arith.constant 0 : i32
    %c0_i32_0 = arith.constant 0 : i32
    %c0_i32_1 = arith.constant 0 : i32
    return %c0_i32, %c0_i32_0 : i32, i32
  }
  func.func @transform_5(%arg0: i32) -> (i32, i32) {
    %c0_i32 = arith.constant 0 : i32
    %c0_i32_0 = arith.constant 0 : i32
    %c0_i32_1 = arith.constant 0 : i32
    return %c0_i32, %c0_i32_0 : i32, i32
  }
  func.func @transform_6(%arg0: i32) -> (i32, i32) {
    %c0_i32 = arith.constant 0 : i32
    %c0_i32_0 = arith.constant 0 : i32
    %c0_i32_1 = arith.constant 0 : i32
    return %c0_i32, %c0_i32_0 : i32, i32
  }
  func.func @transform_7(%arg0: i32) -> (i32, i32) {
    %c0_i32 = arith.constant 0 : i32
    %c0_i32_0 = arith.constant 0 : i32
    return %arg0, %c0_i32 : i32, i32
  }
}

module attributes {stable_mosaic.version = 14 : i64} {
  func.func @_mlp_body(%arg0: i32, %arg1: memref<2048x768xf32, #tpu.memory_space<vmem>>, %arg2: memref<2048x128xi32, #tpu.memory_space<vmem>>, %arg3: memref<2048x128xi32, #tpu.memory_space<vmem>>, %arg4: memref<1280x1024xbf16, #tpu.memory_space<vmem>>, %arg5: memref<1x1024xf32, #tpu.memory_space<vmem>>, %arg6: memref<1024x8xbf16, #tpu.memory_space<vmem>>, %arg7: memref<1x8xf32, #tpu.memory_space<vmem>>, %arg8: memref<2048x8xf32, #tpu.memory_space<vmem>>) attributes {dimension_semantics = [#tpu.dimension_semantics<arbitrary>], iteration_bounds = array<i64: 4>, scalar_prefetch = 0 : i64, scratch_operands = 0 : i64, tpu.core_type = #tpu.core_type<tc>, window_params = [{transform_indices = @transform_0, window_bounds = array<i64: 2048, 768>}, {transform_indices = @transform_1, window_bounds = array<i64: 2048, 128>}, {transform_indices = @transform_2, window_bounds = array<i64: 2048, 128>}, {pipeline_mode = #tpu.pipeline_mode<synchronous>, transform_indices = @transform_3, window_bounds = array<i64: 1280, 1024>}, {pipeline_mode = #tpu.pipeline_mode<synchronous>, transform_indices = @transform_4, window_bounds = array<i64: 1, 1024>}, {pipeline_mode = #tpu.pipeline_mode<synchronous>, transform_indices = @transform_5, window_bounds = array<i64: 1024, 8>}, {pipeline_mode = #tpu.pipeline_mode<synchronous>, transform_indices = @transform_6, window_bounds = array<i64: 1, 8>}, {transform_indices = @transform_7, window_bounds = array<i64: 2048, 8>}]} {
    %get3A = arith.constant 0 : index
    %get3A_0 = arith.constant 0 : index
    %get3A_1 = vector.load %arg2[%get3A, %get3A_0] : memref<2048x128xi32, #tpu.memory_space<vmem>>, vector<2048x128xi32>
    %shift_left3A = arith.constant 16 : i32
    %shift_left3A_2 = vector.broadcast %shift_left3A : i32 to vector<2048x128xi32>
    %shift_left3A_3 = arith.shli %get3A_1, %shift_left3A_2 : vector<2048x128xi32>
    %bitcast3A = tpu.bitcast %shift_left3A_3 : vector<2048x128xi32> -> vector<2048x128xf32>
    %convert_element_type3A = arith.truncf %bitcast3A : vector<2048x128xf32> to vector<2048x128xbf16>
    %and3A = arith.constant -65536 : i32
    %and3A_4 = vector.broadcast %and3A : i32 to vector<2048x128xi32>
    %and3A_5 = arith.andi %get3A_1, %and3A_4 : vector<2048x128xi32>
    %bitcast3A_6 = tpu.bitcast %and3A_5 : vector<2048x128xi32> -> vector<2048x128xf32>
    %convert_element_type3A_7 = arith.truncf %bitcast3A_6 : vector<2048x128xf32> to vector<2048x128xbf16>
    %get3A_8 = arith.constant 0 : index
    %get3A_9 = arith.constant 0 : index
    %get3A_10 = vector.load %arg3[%get3A_8, %get3A_9] : memref<2048x128xi32, #tpu.memory_space<vmem>>, vector<2048x128xi32>
    %shift_left3A_11 = arith.constant 16 : i32
    %shift_left3A_12 = vector.broadcast %shift_left3A_11 : i32 to vector<2048x128xi32>
    %shift_left3A_13 = arith.shli %get3A_10, %shift_left3A_12 : vector<2048x128xi32>
    %bitcast3A_14 = tpu.bitcast %shift_left3A_13 : vector<2048x128xi32> -> vector<2048x128xf32>
    %convert_element_type3A_15 = arith.truncf %bitcast3A_14 : vector<2048x128xf32> to vector<2048x128xbf16>
    %and3A_16 = arith.constant -65536 : i32
    %and3A_17 = vector.broadcast %and3A_16 : i32 to vector<2048x128xi32>
    %and3A_18 = arith.andi %get3A_10, %and3A_17 : vector<2048x128xi32>
    %bitcast3A_19 = tpu.bitcast %and3A_18 : vector<2048x128xi32> -> vector<2048x128xf32>
    %convert_element_type3A_20 = arith.truncf %bitcast3A_19 : vector<2048x128xf32> to vector<2048x128xbf16>
    %get3A_21 = arith.constant 0 : index
    %get3A_22 = arith.constant 0 : index
    %get3A_23 = vector.load %arg1[%get3A_21, %get3A_22] : memref<2048x768xf32, #tpu.memory_space<vmem>>, vector<2048x768xf32>
    %convert_element_type3A_24 = arith.truncf %get3A_23 : vector<2048x768xf32> to vector<2048x768xbf16>
    %concatenate3A = tpu.concatenate %convert_element_type3A_24, %convert_element_type3A, %convert_element_type3A_7, %convert_element_type3A_15, %convert_element_type3A_20 in 1 : vector<2048x768xbf16>, vector<2048x128xbf16>, vector<2048x128xbf16>, vector<2048x128xbf16>, vector<2048x128xbf16> -> vector<2048x1280xbf16>
    %get3A_25 = arith.constant 0 : index
    %get3A_26 = arith.constant 0 : index
    %get3A_27 = vector.load %arg4[%get3A_25, %get3A_26] : memref<1280x1024xbf16, #tpu.memory_space<vmem>>, vector<1280x1024xbf16>
    %dot_general3A = arith.constant dense<0.000000e+00> : vector<2048x1024xf32>
    %dot_general3A_28 = tpu.matmul %concatenate3A, %get3A_27, %dot_general3A {dimension_numbers = #tpu.dot_dimension_numbers<[1], [0], [0], [1], [0, 0, 1, 1], [], []>, transpose_lhs_hint = false} : vector<2048x1280xbf16>, vector<1280x1024xbf16>, vector<2048x1024xf32> -> vector<2048x1024xf32>
    %get3A_29 = arith.constant 0 : index
    %get3A_30 = arith.constant 0 : index
    %get3A_31 = vector.load %arg5[%get3A_29, %get3A_30] : memref<1x1024xf32, #tpu.memory_space<vmem>>, vector<1x1024xf32>
    %add3A = vector.broadcast %get3A_31 : vector<1x1024xf32> to vector<2048x1024xf32>
    %add3A_32 = arith.addf %dot_general3A_28, %add3A : vector<2048x1024xf32>
    %tanh3A = math.tanh %add3A_32 : vector<2048x1024xf32>
    %convert_element_type3A_33 = arith.truncf %tanh3A : vector<2048x1024xf32> to vector<2048x1024xbf16>
    %get3A_34 = arith.constant 0 : index
    %get3A_35 = arith.constant 0 : index
    %get3A_36 = vector.load %arg6[%get3A_34, %get3A_35] : memref<1024x8xbf16, #tpu.memory_space<vmem>>, vector<1024x8xbf16>
    %dot_general3A_37 = arith.constant dense<0.000000e+00> : vector<2048x8xf32>
    %dot_general3A_38 = tpu.matmul %convert_element_type3A_33, %get3A_36, %dot_general3A_37 {dimension_numbers = #tpu.dot_dimension_numbers<[1], [0], [0], [1], [0, 0, 1, 1], [], []>, transpose_lhs_hint = false} : vector<2048x1024xbf16>, vector<1024x8xbf16>, vector<2048x8xf32> -> vector<2048x8xf32>
    %get3A_39 = arith.constant 0 : index
    %get3A_40 = arith.constant 0 : index
    %get3A_41 = vector.load %arg7[%get3A_39, %get3A_40] : memref<1x8xf32, #tpu.memory_space<vmem>>, vector<1x8xf32>
    %add3A_42 = vector.broadcast %get3A_41 : vector<1x8xf32> to vector<2048x8xf32>
    %add3A_43 = arith.addf %dot_general3A_38, %add3A_42 : vector<2048x8xf32>
    %swap3A = arith.constant 0 : index
    %swap3A_44 = arith.constant 0 : index
    %swap3A_45 = vector.load %arg8[%swap3A, %swap3A_44] : memref<2048x8xf32, #tpu.memory_space<vmem>>, vector<2048x8xf32>
    tpu.vector_store %arg8[%swap3A, %swap3A_44], %add3A_43 {strides = array<i32>} : memref<2048x8xf32, #tpu.memory_space<vmem>>, vector<2048x8xf32>,
    return
  }
  func.func @transform_0(%arg0: i32) -> (i32, i32) {
    %add3A = arith.constant 0 : i32
    %add3A_0 = arith.addi %arg0, %add3A : i32
    %c0_i32 = arith.constant 0 : i32
    %c0_i32_1 = arith.constant 0 : i32
    return %add3A_0, %c0_i32 : i32, i32
  }
  func.func @transform_1(%arg0: i32) -> (i32, i32) {
    %c0_i32 = arith.constant 0 : i32
    %c0_i32_0 = arith.constant 0 : i32
    return %arg0, %c0_i32 : i32, i32
  }
  func.func @transform_2(%arg0: i32) -> (i32, i32) {
    %add3A = arith.constant 4 : i32
    %add3A_0 = arith.addi %arg0, %add3A : i32
    %c0_i32 = arith.constant 0 : i32
    %c0_i32_1 = arith.constant 0 : i32
    return %add3A_0, %c0_i32 : i32, i32
  }
  func.func @transform_3(%arg0: i32) -> (i32, i32) {
    %c0_i32 = arith.constant 0 : i32
    %c0_i32_0 = arith.constant 0 : i32
    %c0_i32_1 = arith.constant 0 : i32
    return %c0_i32, %c0_i32_0 : i32, i32
  }
  func.func @transform_4(%arg0: i32) -> (i32, i32) {
    %c0_i32 = arith.constant 0 : i32
    %c0_i32_0 = arith.constant 0 : i32
    %c0_i32_1 = arith.constant 0 : i32
    return %c0_i32, %c0_i32_0 : i32, i32
  }
  func.func @transform_5(%arg0: i32) -> (i32, i32) {
    %c0_i32 = arith.constant 0 : i32
    %c0_i32_0 = arith.constant 0 : i32
    %c0_i32_1 = arith.constant 0 : i32
    return %c0_i32, %c0_i32_0 : i32, i32
  }
  func.func @transform_6(%arg0: i32) -> (i32, i32) {
    %c0_i32 = arith.constant 0 : i32
    %c0_i32_0 = arith.constant 0 : i32
    %c0_i32_1 = arith.constant 0 : i32
    return %c0_i32, %c0_i32_0 : i32, i32
  }
  func.func @transform_7(%arg0: i32) -> (i32, i32) {
    %c0_i32 = arith.constant 0 : i32
    %c0_i32_0 = arith.constant 0 : i32
    return %arg0, %c0_i32 : i32, i32
  }
}

</mosaic_0001>

<sc_bundles>
// kernel: kernel.11.cloned.1.call-start
scs
__scs_entry_jumppad:
0x0: {  	(pc) =	sbr.rel $0x88, $3  }
0x1: {  	(tag) =	ssettag $0x0;
	lr =	simm.s32 $0x1  }
0x2: {  	[smem:$0x3F98] =	sst lr;
	_ =	strace $0xD0000000  }
0x3: {  	_ = 	snop  }
0x4: {  	_ = 	snop  }
0x5: {  	_ = 	snop  }
0x6: {  	_ = 	snop  }
0x7: {  	_ = 	snop  }
__scs_overlays_trampoline_lowered:
0x8: {  	[smem:$0x3FA7] =	sst s0  }
0x9: {  	[smem:$0x3FA8] =	sst s1  }
0xa: {  	[smem:$0x3FA9] =	sst s2  }
0xb: {  	[smem:$0x3FAA] =	sst s3  }
0xc: {  	[smem:$0x3FAB] =	sst s4  }
0xd: {  	[smem:$0x3FAC] =	sst s5  }
0xe: {  	[smem:$0x3FAD] =	sst s6  }
0xf: {  	[smem:$0x3FAE] =	sst s7  }
0x10: {  	[smem:$0x3FAF] =	sst s8  }
0x11: {  	[smem:$0x3FB0] =	sst s9;
	s0 =	simm.s32 @!p0 $0x0  }
0x12: {  	s1 =	sld [smem:$0x3F96];
	s0 =	simm.s32 @p0 $0x1  }
0x13: {  	[smem:$0x3FB1] =	sst s0;
	s0 =	simm.s32 @!p1 $0x0  }
0x14: {  	s2 =	sld [smem:$0x3F95];
	s0 =	simm.s32 @p1 $0x1  }
0x15: {  	[smem:$0x3FB2] =	sst s0;
	s0 =	simm.s32 @!p2 $0x0  }
0x16: {  	s3 =	sld [smem:$0x3FDB];
	s0 =	simm.s32 @p2 $0x1  }
0x17: {  	s4 =	simm.s32 $0x1BF5;
	[smem:$0x3FB4] =	sst s0  }
0x18: {  	s0 =	sld [smem:$0x3F97];
	_ =	swait.ge [sflag:s4], $0x0  }
0x19: {  	s7 =	sld [smem:$0x3F98]  }
0x1a: {  	s8 =	sadd.s32 $0xFFFFE003, lr  }
0x1b: {  	s9 =	sadd.s32 $0xFFFFFEF7, lr;
	s5 =	simm.s32 $0xFFFFFFFF;
	p2 =	slt.u32 s8, $0xFFFFF086  }
0x1c: {  	p1 =	slt.u32 s9, $0xF7A;
	s5 =	simm.s32 @!p2 $0x0  }
0x1d: {  	s5 =	simm.s32 @p1 $0x1;
	p0 =	seq.s32 s7, s2  }
0x1e: {  	s7 =	smul.u32 @!p0 $0xF7A, s2;
	p2 =	seq.s32 @!p0 s5, $0x0  }
0x1f: {  	s9 =	smul.u32 $0xF7A, s1;
	s8 =	simm.s32 @!p0 $0x1BF5;
	p2 =	por !p2, p0  }
0x20: {  	[sflag:s8] =	ssyncset.s32 @!p0 $0xFFFFF086;
	s6 =	sadd.s32 @!p0 s3, s7;
	s7 =	simm.s32 @!p0 $0x108  }
0x21: {  	s3 =	sadd.s32 s3, s9;
	s6 =	sadd.s32 @!p0 $0x88, s6;
	s7 =	simm.s32 @p2 $0x1082  }
0x22: {  	[simem:s7], [sflag:s8] =	dma.local @!p0 [hbm:s6], $0xF7A  }
0x23: {  	s9 =	sor.u32 $0xD0000000, s2;
	s6 =	simm.s32 $0x108;
	_ =	swait.ge @!p0 [sflag:s8], $0x0  }
0x24: {  	s3 =	sadd.s32 $0x88, s3;
	s6 =	simm.s32 @!p1 $0x1082;
	[sflag:s4] =	ssyncset.s32 $0xFFFFF086  }
0x25: {  	[simem:s6], [sflag:s4] =	dma.local [hbm:s3], $0xF7A  }
0x26: {  	[smem:$0x3F98] =	sst s1;
	(tag) =	ssettag s2;
	_ =	strace s9  }
0x27: {  	s1 =	sld [smem:$0x3FA8]  }
0x28: {  	s2 =	sld [smem:$0x3FA9]  }
0x29: {  	s4 =	sld [smem:$0x3FAB]  }
0x2a: {  	p0 =	seq.s32 s5, $0x0;
	s5 =	sld [smem:$0x3FAC]  }
0x2b: {  	s6 =	sld [smem:$0x3FAD]  }
0x2c: {  	s7 =	sld [smem:$0x3FAE]  }
0x2d: {  	s3 =	simm.s32 $0x108;
	s8 =	sld [smem:$0x3FAF]  }
0x2e: {  	s3 =	simm.s32 @!p0 $0x1082;
	s9 =	sld [smem:$0x3FB0]  }
0x2f: {  	lr =	sadd.s32 s0, s3;
	s0 =	sld [smem:$0x3FA7]  }
0x30: {  	s3 =	sld [smem:$0x3FAA]  }
0x31: {  	[smem:$0x3FB3] =	sst s10  }
0x32: {  	s10 =	sld [smem:$0x3FB1];
	_ =	sdelay $0x3  }
0x33: {  	p0 =	seq.s32 s10, $0x1;
	s10 =	sld [smem:$0x3FB3];
	_ =	sdelay $0x3  }
0x34: {  	[smem:$0x3FB3] =	sst s10  }
0x35: {  	s10 =	sld [smem:$0x3FB2];
	_ =	sdelay $0x3  }
0x36: {  	p1 =	seq.s32 s10, $0x1;
	s10 =	sld [smem:$0x3FB3];
	_ =	sdelay $0x3  }
0x37: {  	[smem:$0x3FB3] =	sst s10  }
0x38: {  	s10 =	sld [smem:$0x3FB4]  }
0x39: {  	_ = 	snop;
	(pc) =	sbr.ind lr, $3  }
0x3a: {  	_ = 	snop  }
0x3b: {  	_ = 	snop  }
0x3c: {  	p2 =	seq.s32 s10, $0x1;
	s10 =	sld [smem:$0x3FB3]  }
0x3d: {  	_ =	shalt  }
0x3e: {  	_ =	shalt  }
0x3f: {  	_ =	shalt  }
0x40: {  	_ =	shalt  }
0x41: {  	_ =	shalt  }
0x42: {  	_ =	shalt  }
0x43: {  	_ =	shalt  }
0x44: {  	_ =	shalt  }
0x45: {  	_ =	shalt  }
0x46: {  	_ =	shalt  }
0x47: {  	_ =	shalt  }
0x48: {  	_ =	shalt  }
0x49: {  	_ =	shalt  }
0x4a: {  	_ =	shalt  }
0x4b: {  	_ =	shalt  }
0x4c: {  	_ =	shalt  }
0x4d: {  	_ =	shalt  }
0x4e: {  	_ =	shalt  }
0x4f: {  	_ =	shalt  }
0x50: {  	_ =	shalt  }
0x51: {  	_ =	shalt  }
0x52: {  	_ =	shalt  }
0x53: {  	_ =	shalt  }
0x54: {  	_ =	shalt  }
0x55: {  	_ =	shalt  }
0x56: {  	_ =	shalt  }
0x57: {  	_ =	shalt  }
0x58: {  	_ =	shalt  }
0x59: {  	_ =	shalt  }
0x5a: {  	_ =	shalt  }
0x5b: {  	_ =	shalt  }
0x5c: {  	_ =	shalt  }
0x5d: {  	_ =	shalt  }
0x5e: {  	_ =	shalt  }
0x5f: {  	_ =	shalt  }
0x60: {  	_ =	shalt  }
0x61: {  	_ =	shalt  }
0x62: {  	_ =	shalt  }
0x63: {  	_ =	shalt  }
0x64: {  	_ =	shalt  }
0x65: {  	_ =	shalt  }
0x66: {  	_ =	shalt  }
0x67: {  	_ =	shalt  }
0x68: {  	_ =	shalt  }
0x69: {  	_ =	shalt  }
0x6a: {  	_ =	shalt  }
0x6b: {  	_ =	shalt  }
0x6c: {  	_ =	shalt  }
0x6d: {  	_ =	shalt  }
0x6e: {  	_ =	shalt  }
0x6f: {  	_ =	shalt  }
0x70: {  	_ =	shalt  }
0x71: {  	_ =	shalt  }
0x72: {  	_ =	shalt  }
0x73: {  	_ =	shalt  }
0x74: {  	_ =	shalt  }
0x75: {  	_ =	shalt  }
0x76: {  	_ =	shalt  }
0x77: {  	_ =	shalt  }
0x78: {  	_ =	shalt  }
0x79: {  	_ =	shalt  }
0x7a: {  	_ =	shalt  }
0x7b: {  	_ =	shalt  }
0x7c: {  	_ =	shalt  }
0x7d: {  	_ =	shalt  }
0x7e: {  	_ =	shalt  }
0x7f: {  	_ =	shalt  }
0x80: {  	_ =	shalt  }
0x81: {  	_ =	shalt  }
0x82: {  	_ =	shalt  }
0x83: {  	_ =	shalt  }
0x84: {  	_ =	shalt  }
0x85: {  	_ =	shalt  }
0x86: {  	_ =	shalt  }
0x87: {  	_ =	shalt  }
.Lfunc_end0:
.L_simem_size_0:
called_computation_lowered:
.L_overlay_start_0:
0x88: {  	s2 =	sld [smem:$0x3FD9]  }
0x89: {  	s3 =	sld [smem:$0x3FFE];
	_ =	sdelay $0x1  }
0x8a: {  	s1 =	srdreg.scid  }
0x8b: {  	s0 =	sand.u32 $0x1, s1  }
0x8c: {  	s17 =	sshll.u32 s0, $0xA;
	s2 =	sadd.s32 s3, s2  }
0x8d: {  	s2 =	sadd.s32 s2, s17  }
0x8e: {  	[smem:$0x3FBF] =	sst s2  }
0x8f: {  	_ = 	snop  }
0x90: {  	s18 =	sld [smem:$0x3FD0];
	(tm) =	ssettm $0x1  }
0x91: {  	s19 =	sld [smem:$0x3FFB];
	_ =	sdelay $0x3  }
0x92: {  	_ =	strace s19  }
0x93: {  	s2 =	sld [smem:$0x3FFC];
	_ =	sdelay $0x3  }
0x94: {  	_ =	strace s2  }
0x95: {  	s2 =	sld [smem:$0x3FFD];
	_ =	sdelay $0x3  }
0x96: {  	_ =	strace s2  }
0x97: {  	_ =	strace $0x8FFFFFFF  }
0x98: {  	s20 =	sld [smem:$0x3FDB];
	_ =	sdelay $0x1  }
0x99: {  	s4 =	simm.s32 $_scs_section_size  }
0x9a: {  	s5 =	simm.s32 $_size__tile_overlayer_lowered;
	s6 =	simm.s32 $_tile_overlayer_lowered  }
0x9b: {  	s7 =	simm.s32 $0x1BFF;
	s21 =	sshll.u32 s6, $0x1;
	s4 =	sadd.s32 s4, s20  }
0x9c: {  	s22 =	simm.s32 $0x0;
	s5 =	sshll.u32 s5, $0x1;
	s6 =	sadd.s32 s21, s4  }
0x9d: {  	[timem:s22], [sflag:s7] =	dma.local [hbm:s6], s5  }
0x9e: {  	_ =	swait.ge [sflag:s7], s5  }
0x9f: {  	s5 =	ssub.s32 $0x0, s5;
	[sflag:s7] =	ssyncset.done $0x0  }
0xa0: {  	[sflag:s7] =	ssyncadd.s32 s5;
	_ =	sdelay $0x1  }
0xa1: {  	s23 =	simm.s32 $0x1B8B  }
0xa2: {  	_ =	swait.ge [sflag:s23], $0x1  }
0xa3: {  	[sflag:s23] =	ssyncset.done $0x0  }
0xa4: {  	[sflag:s23] =	ssyncadd.s32 $0xFFFFFFFF  }
0xa5: {  	s5 =	sld [smem:$0x0]  }
0xa6: {  	s6 =	sand.u32 $0xFFFFFFFE, s1  }
0xa7: {  	p0 =	sne.s32 s1, s6  }
0xa8: {  	s6 =	sshll.u32 @p0 s6, $0xE  }
0xa9: {  	s6 =	sadd.s32 @p0 $0x11B8D, s6;
	s7 =	sshll.u32 @p0 s5, $0x11  }
0xaa: {  	s6 =	sor.u32 @p0 s7, s6  }
0xab: {  	[sflag:s6] =	ssyncadd.remote.s32 @p0 $0x1;
	_ =	sdelay $0x1  }
0xac: {  	s6 =	simm.s32 @p0 $0x1B8D  }
0xad: {  	_ =	swait.eq @p0 [sflag:s6], $0x1  }
0xae: {  	[sflag:s6] =	ssyncadd.s32 @p0 $0xFFFFFFFF  }
0xaf: {  	s7 =	sshll.u32 @!p0 s1, $0xE  }
0xb0: {  	s7 =	sor.u32 @!p0 $0x4000, s7;
	s6 =	simm.s32 @!p0 $0x1B8D  }
0xb1: {  	s5 =	sshll.u32 @!p0 s5, $0x11;
	s7 =	sadd.s32 @!p0 $0x11B8D, s7;
	_ =	swait.eq @!p0 [sflag:s6], $0x1  }
0xb2: {  	s5 =	sor.u32 @!p0 s5, s7;
	[sflag:s6] =	ssyncadd.s32 @!p0 $0xFFFFFFFF  }
0xb3: {  	s25 =	simm.s32 $0x1B8E;
	s24 =	sld [smem:$0x3FFE];
	[sflag:s5] =	ssyncadd.remote.s32 @!p0 $0x1  }
0xb4: {  	s26 =	simm.s32 $execute0_lowered;
	[smem:$0x3FD2] =	sst s25  }
0xb5: {  	s6 =	sshll.u32 s26, $0x1;
	_ =	strace $0x8000004F;
	[dreg:$0x1] =	wrdreg $0xFFFFFFFF  }
0xb6: {  	s28 =	simm.s32 $_size_execute0_lowered;
	s4 =	sadd.s32 s4, s6;
	[dreg:$0x0] =	wrdreg $0x0  }
0xb7: {  	s6 =	sshll.u32 s28, $0x1;
	[dreg:$0x2] =	wrdreg s4  }
0xb8: {  	[dreg:$0x3] =	wrdreg s6  }
0xb9: {  	[dreg:$0x4] =	wrdreg $0xC0  }
0xba: {  	_ =	task [dreg:s22], $0x5FFFF  }
0xbb: {  	[dreg:$0x1] =	wrdreg $0xFFFFFFFF  }
0xbc: {  	[dreg:$0x0] =	wrdreg $0x60  }
0xbd: {  	[dreg:$0x2] =	wrdreg s18  }
0xbe: {  	[dreg:$0x3] =	wrdreg s24  }
0xbf: {  	[dreg:$0x4] =	wrdreg $0x82000  }
0xc0: {  	[dreg:$0x5] =	wrdreg $0x9  }
0xc1: {  	_ =	task.clear_ibuf [dreg:s22], $0x6FFFF;
	_ =	strace $0x9000004F  }
0xc2: {  	s29 =	simm.s32 $0x9;
	_ =	strace $0x80000051  }
0xc3: {  	_ =	swait.ge [sflag:s29], $0x1  }
0xc4: {  	[sflag:s29] =	ssyncadd.s32 $0xFFFFFFFF  }
0xc5: {  	_ =	strace $0x90000051  }
0xc6: {  	_ =	sfence  }
0xc7: {  	s30 =	sld [smem:$0x0];
	_ =	sdelay $0x2  }
0xc8: {  	s31 =	sshll.u32 s1, $0xD;
	s1 =	sshrl.u32 s1, $0x2  }
0xc9: {  	s4 =	sand.u32 $0x4000, s31;
	s1 =	sadd.s32 s1, s30  }
0xca: {  	s0 =	sor.u32 s4, s0;
	s1 =	sshll.u32 s1, $0x11  }
0xcb: {  	s0 =	sor.u32 s1, s0  }
0xcc: {  	s0 =	sadd.s32 $0x8F2B, s0  }
0xcd: {  	[sflag:s0] =	ssyncadd.remote.s32 $0x1  }
0xce: {  	_ =	sfence.sel $0xFFFF  }
0xcf: {  	[dreg:$0x0] =	wrdreg $0xFFFFFFFF;
	(pc) =	sbr.abs _section_cstart, $3  }
0xd0: {  	[dreg:$0x1] =	wrdreg $0xFFFFFFFF  }
0xd1: {  	_ =	task.clear_ibuf [dreg:s22], $0x2FFFF;
	_ =	strace $0x9FFFFFFF  }
0xd2: {  	(tm) =	ssettm $0x7FFFFFFF  }
0xd3: {  	_ =	shalt  }
tec
execute0_lowered:
.L_overlay_start_1:
0x0: {  	(tag) =	ssettag $0x1  }
0x1: {  	s8 =	rddreg [dreg:$0x0]  }
0x2: {  	s3 =	rddreg [dreg:$0x1]  }
0x3: {  	s2 =	rddreg [dreg:$0x2]  }
0x4: {  	s0 =	rddreg [dreg:$0x3];
	s4 =	srdreg.scid;
	s1 =	simm.s32 $0x0  }
0x5: {  	s5 =	stileid.u32;
	s18 =	simm.s32 $0x5;
	s4 =	sand.u32 $0x1, s4  }
0x6: {  	s10 =	simm.s32 $0x200;
	s7 =	sshll.u32 s4, $0x9;
	s4 =	ssub.s32 $0x2, s4  }
0x7: {  	s13 =	simm.s32 $0x1;
	s11 =	simm.s32 $0x2;
	s9 =	sshrl.u32 s4, $0x1  }
0x8: {  	s16 =	simm.s32 $0x100;
	s15 =	simm.s32 $0x180;
	s4 =	ssub.s32 s4, s9  }
0x9: {  	p1 =	por $0x0, $0x0;
	[smem:$0x7FF] =	sst s1;
	s31 =	smax.u32 s4, $0x1  }
0xa: {  	s6 =	sshll.u32 s5, $0xA;
	p0 =	sne.s32 s5, $0x0;
	s22 =	sadd.s32 $0xFFFFFFFF, s31  }
0xb: {  	s5 =	simm.s32 $0x4200;
	s6 =	sor.u32 s7, s6;
	p2 =	sne.s32 s22, $0x0  }
.Ltmp0:
0xc: {  	_ =	strace $0x80000050;
	s7 =	sshrl.u32 s6, $0x3;
	(pc) =	sbr.rel @!p2 .LBB2_3-.Ltmp0, $4  }
0xd: {  	s19 =	sshrl.u32 @!p0 s2, $0x3;
	s6 =	sshll.u32 s6, $0x4;
	s7 =	sadd.s32 s7, s3  }
0xe: {  	s9 =	simm.s32 $0x80;
	s3 =	sadd.s32 s6, s3;
	s17 =	sadd.s32 $0x1C7600, s7  }
0xf: {  	s6 =	simm.s32 $0x4;
	s14 =	sadd.s32 $0x1C7E00, s3;
	s12 =	sadd.s32 $0x1C8600, s3  }
0x10: {  	s4 =	sadd.s32 $0x1C8E00, s3;
	s3 =	sadd.s32 $0x1C9600, s3;
	s7 =	simm.s32 $0x3  }
0x11: {  	s20 =	simm.s32 @!p0 $0x1C05;
	s21 =	simm.s32 @!p0 $0x5  }
0x12: {  	[spmem:s19], [sflag:s20] =	dma.local @!p0 [hbm:s8], $0x8000  }
0x13: {  	_ =	swait.ge @!p0 [sflag:s21], $0x8000  }
0x14: {  	[sflag:s21] =	ssyncset.done @!p0 $0x0  }
0x15: {  	[sflag:s21] =	ssyncadd.s32 @!p0 $0xFFFF8000  }
0x16: {  	[tilespmem:s1], [sflag:$0x5] =	stream.linear.gather [hbm4b:s17+s1], $0x200, $0x38;
	[tilespmem:$0xC200] =	vst v63  }
0x17: {  	_ =	swait.ge [sflag:s18], $0x200  }
0x18: {  	[sflag:s18] =	ssyncset.done $0x0  }
0x19: {  	[sflag:s18] =	ssyncadd.s32 $0xFFFFFE00  }
0x1a: {  	[bflag:$0x0] =	sbarrier.arrive $0xFFFF  }
0x1b: {  	[tilespmem:s10], [sflag:$0x1] =	stream.indirect.gather [spmem:s2], $0x80, s1, s9, $0xb8;
	[tilespmem:$0xC200] =	vst v63  }
0x1c: {  	_ =	swait.ge [sflag:s13], $0x4000  }
0x1d: {  	[sflag:s13] =	ssyncset.done $0x0  }
0x1e: {  	[sflag:s13] =	ssyncadd.s32 $0xFFFFC000  }
0x1f: {  	[tilespmem:s5], [sflag:$0x2] =	stream.indirect.gather [spmem:s2], $0x80, s9, s9, $0xb8;
	[tilespmem:$0xC200] =	vst v63  }
0x20: {  	_ = 	snop  }
0x21: {  	[hbm4b:s14+s1] =	stream.linear.scatter [tilespmem:s10], [sflag:$0x3], $0x4000, $0x38;
	[tilespmem:$0xC200] =	vst v63  }
0x22: {  	_ =	swait.ge [sflag:s11], $0x4000  }
0x23: {  	[sflag:s11] =	ssyncset.done $0x0  }
0x24: {  	[sflag:s11] =	ssyncadd.s32 $0xFFFFC000  }
0x25: {  	_ =	swait.ge [sflag:s7], $0x4000  }
0x26: {  	[sflag:s7] =	ssyncset.done $0x0  }
0x27: {  	[sflag:s7] =	ssyncadd.s32 $0xFFFFC000  }
0x28: {  	[tilespmem:s10], [sflag:$0x1] =	stream.indirect.gather [spmem:s2], $0x80, s16, s9, $0xb8;
	[tilespmem:$0xC200] =	vst v63  }
0x29: {  	_ = 	snop  }
0x2a: {  	[hbm4b:s12+s1] =	stream.linear.scatter [tilespmem:s5], [sflag:$0x4], $0x4000, $0x38;
	[tilespmem:$0xC200] =	vst v63  }
0x2b: {  	_ =	swait.ge [sflag:s13], $0x4000  }
0x2c: {  	[sflag:s13] =	ssyncset.done $0x0  }
0x2d: {  	[sflag:s13] =	ssyncadd.s32 $0xFFFFC000  }
0x2e: {  	_ =	swait.ge [sflag:s6], $0x4000  }
0x2f: {  	[sflag:s6] =	ssyncset.done $0x0  }
0x30: {  	[sflag:s6] =	ssyncadd.s32 $0xFFFFC000  }
0x31: {  	[tilespmem:s5], [sflag:$0x2] =	stream.indirect.gather [spmem:s2], $0x80, s15, s9, $0xb8;
	[tilespmem:$0xC200] =	vst v63  }
0x32: {  	_ = 	snop  }
0x33: {  	[hbm4b:s4+s1] =	stream.linear.scatter [tilespmem:s10], [sflag:$0x3], $0x4000, $0x38;
	[tilespmem:$0xC200] =	vst v63  }
0x34: {  	_ =	swait.ge [sflag:s11], $0x4000  }
0x35: {  	[sflag:s11] =	ssyncset.done $0x0  }
0x36: {  	s22 =	sadd.s32 $0xFFFFFFFF, s22;
	[sflag:s11] =	ssyncadd.s32 $0xFFFFC000  }
0x37: {  	p2 =	sne.s32 s22, $0x0;
	_ =	swait.ge [sflag:s7], $0x4000  }
.Ltmp1:
0x38: {  	[sflag:s7] =	ssyncset.done $0x0;
	(pc) =	sbr.rel @!p2 .LBB2_3-.Ltmp1, $4  }
0x39: {  	[sflag:s7] =	ssyncadd.s32 $0xFFFFC000  }
0x3a: {  	[hbm4b:s3+s1] =	stream.linear.scatter [tilespmem:s5], [sflag:$0x4], $0x4000, $0x38;
	[tilespmem:$0xC200] =	vst v63  }
0x3b: {  	_ =	swait.ge [sflag:s6], $0x4000  }
0x3c: {  	p1 =	por $0x1, $0x1;
	[sflag:s6] =	ssyncset.done $0x0  }
.LBB2_2:
0x3d: {  	[sflag:s6] =	ssyncadd.s32 $0xFFFFC000  }
0x3e: {  	[spmem:s19], [sflag:s20] =	dma.local @!p0 [hbm:s8], $0x8000  }
0x3f: {  	s22 =	sadd.s32 $0xFFFFFFFF, s22;
	_ =	swait.ge @!p0 [sflag:s21], $0x8000  }
0x40: {  	p2 =	sne.s32 s22, $0x0;
	[sflag:s21] =	ssyncset.done @!p0 $0x0  }
0x41: {  	[sflag:s21] =	ssyncadd.s32 @!p0 $0xFFFF8000  }
0x42: {  	[tilespmem:s1], [sflag:$0x5] =	stream.linear.gather [hbm4b:s17+s1], $0x200, $0x38;
	[tilespmem:$0xC200] =	vst v63  }
0x43: {  	_ =	swait.ge [sflag:s18], $0x200  }
0x44: {  	[sflag:s18] =	ssyncset.done $0x0  }
0x45: {  	[sflag:s18] =	ssyncadd.s32 $0xFFFFFE00  }
0x46: {  	[bflag:$0x0] =	sbarrier.arrive $0xFFFF  }
0x47: {  	[tilespmem:s10], [sflag:$0x1] =	stream.indirect.gather [spmem:s2], $0x80, s1, s9, $0xb8;
	[tilespmem:$0xC200] =	vst v63  }
0x48: {  	_ =	swait.ge [sflag:s13], $0x4000  }
0x49: {  	[sflag:s13] =	ssyncset.done $0x0  }
0x4a: {  	[sflag:s13] =	ssyncadd.s32 $0xFFFFC000  }
0x4b: {  	[tilespmem:s5], [sflag:$0x2] =	stream.indirect.gather [spmem:s2], $0x80, s9, s9, $0xb8;
	[tilespmem:$0xC200] =	vst v63  }
0x4c: {  	_ = 	snop  }
0x4d: {  	[hbm4b:s14+s1] =	stream.linear.scatter [tilespmem:s10], [sflag:$0x3], $0x4000, $0x38;
	[tilespmem:$0xC200] =	vst v63  }
0x4e: {  	_ =	swait.ge [sflag:s11], $0x4000  }
0x4f: {  	[sflag:s11] =	ssyncset.done $0x0  }
0x50: {  	[sflag:s11] =	ssyncadd.s32 $0xFFFFC000  }
0x51: {  	_ =	swait.ge [sflag:s7], $0x4000  }
0x52: {  	[sflag:s7] =	ssyncset.done $0x0  }
0x53: {  	[sflag:s7] =	ssyncadd.s32 $0xFFFFC000  }
0x54: {  	[tilespmem:s10], [sflag:$0x1] =	stream.indirect.gather [spmem:s2], $0x80, s16, s9, $0xb8;
	[tilespmem:$0xC200] =	vst v63  }
0x55: {  	_ = 	snop  }
0x56: {  	[hbm4b:s12+s1] =	stream.linear.scatter [tilespmem:s5], [sflag:$0x4], $0x4000, $0x38;
	[tilespmem:$0xC200] =	vst v63  }
0x57: {  	_ =	swait.ge [sflag:s13], $0x4000  }
0x58: {  	[sflag:s13] =	ssyncset.done $0x0  }
0x59: {  	[sflag:s13] =	ssyncadd.s32 $0xFFFFC000  }
0x5a: {  	_ =	swait.ge [sflag:s6], $0x4000  }
0x5b: {  	[sflag:s6] =	ssyncset.done $0x0  }
0x5c: {  	[sflag:s6] =	ssyncadd.s32 $0xFFFFC000  }
0x5d: {  	[tilespmem:s5], [sflag:$0x2] =	stream.indirect.gather [spmem:s2], $0x80, s15, s9, $0xb8;
	[tilespmem:$0xC200] =	vst v63  }
0x5e: {  	_ = 	snop  }
0x5f: {  	[hbm4b:s4+s1] =	stream.linear.scatter [tilespmem:s10], [sflag:$0x3], $0x4000, $0x38;
	[tilespmem:$0xC200] =	vst v63  }
0x60: {  	_ =	swait.ge [sflag:s11], $0x4000  }
0x61: {  	[sflag:s11] =	ssyncset.done $0x0  }
0x62: {  	[sflag:s11] =	ssyncadd.s32 $0xFFFFC000  }
0x63: {  	_ =	swait.ge [sflag:s7], $0x4000  }
.Ltmp2:
0x64: {  	[sflag:s7] =	ssyncset.done $0x0;
	(pc) =	sbr.rel @p2 .LBB2_2-.Ltmp2, $4  }
0x65: {  	[sflag:s7] =	ssyncadd.s32 $0xFFFFC000  }
0x66: {  	[hbm4b:s3+s1] =	stream.linear.scatter [tilespmem:s5], [sflag:$0x4], $0x4000, $0x38;
	[tilespmem:$0xC200] =	vst v63  }
0x67: {  	_ =	swait.ge [sflag:s6], $0x4000  }
0x68: {  	[sflag:s6] =	ssyncset.done $0x0  }
.LBB2_3:
0x69: {  	s20 =	simm.s32 @!p0 $0x1C05;
	s21 =	simm.s32 @!p0 $0x5;
	[sflag:s6] =	ssyncadd.s32 @p1 $0xFFFFC000  }
0x6a: {  	[spmem:s19], [sflag:s20] =	dma.local @!p0 [hbm:s8], $0x8000  }
0x6b: {  	_ =	swait.ge @!p0 [sflag:s21], $0x8000  }
0x6c: {  	[sflag:s21] =	ssyncset.done @!p0 $0x0  }
0x6d: {  	[sflag:s21] =	ssyncadd.s32 @!p0 $0xFFFF8000  }
0x6e: {  	[tilespmem:s1], [sflag:$0x5] =	stream.linear.gather [hbm4b:s17+s1], $0x200, $0x38;
	[tilespmem:$0xC200] =	vst v63  }
0x6f: {  	_ =	swait.ge [sflag:s18], $0x200  }
0x70: {  	[sflag:s18] =	ssyncset.done $0x0  }
0x71: {  	[sflag:s18] =	ssyncadd.s32 $0xFFFFFE00  }
0x72: {  	[bflag:$0x0] =	sbarrier.arrive $0xFFFF  }
0x73: {  	[tilespmem:s10], [sflag:$0x1] =	stream.indirect.gather [spmem:s2], $0x80, s1, s9, $0xb8;
	[tilespmem:$0xC200] =	vst v63  }
0x74: {  	_ =	swait.ge [sflag:s13], $0x4000  }
0x75: {  	[sflag:s13] =	ssyncset.done $0x0  }
0x76: {  	[sflag:s13] =	ssyncadd.s32 $0xFFFFC000  }
0x77: {  	[tilespmem:s5], [sflag:$0x2] =	stream.indirect.gather [spmem:s2], $0x80, s9, s9, $0xb8;
	[tilespmem:$0xC200] =	vst v63  }
0x78: {  	_ = 	snop  }
0x79: {  	[hbm4b:s14+s1] =	stream.linear.scatter [tilespmem:s10], [sflag:$0x3], $0x4000, $0x38;
	[tilespmem:$0xC200] =	vst v63  }
0x7a: {  	_ =	swait.ge [sflag:s11], $0x4000  }
0x7b: {  	[sflag:s11] =	ssyncset.done $0x0  }
0x7c: {  	[sflag:s11] =	ssyncadd.s32 $0xFFFFC000  }
0x7d: {  	_ =	swait.ge [sflag:s7], $0x4000  }
0x7e: {  	[sflag:s7] =	ssyncset.done $0x0  }
0x7f: {  	[sflag:s7] =	ssyncadd.s32 $0xFFFFC000  }
0x80: {  	[tilespmem:s10], [sflag:$0x1] =	stream.indirect.gather [spmem:s2], $0x80, s16, s9, $0xb8;
	[tilespmem:$0xC200] =	vst v63  }
0x81: {  	_ = 	snop  }
0x82: {  	[hbm4b:s12+s1] =	stream.linear.scatter [tilespmem:s5], [sflag:$0x4], $0x4000, $0x38;
	[tilespmem:$0xC200] =	vst v63  }
0x83: {  	_ =	swait.ge [sflag:s13], $0x4000  }
0x84: {  	[sflag:s13] =	ssyncset.done $0x0  }
0x85: {  	[sflag:s13] =	ssyncadd.s32 $0xFFFFC000  }
0x86: {  	_ =	swait.ge [sflag:s6], $0x4000  }
0x87: {  	[sflag:s6] =	ssyncset.done $0x0  }
0x88: {  	[sflag:s6] =	ssyncadd.s32 $0xFFFFC000  }
0x89: {  	[tilespmem:s5], [sflag:$0x2] =	stream.indirect.gather [spmem:s2], $0x80, s15, s9, $0xb8;
	[tilespmem:$0xC200] =	vst v63  }
0x8a: {  	_ = 	snop  }
0x8b: {  	[hbm4b:s4+s1] =	stream.linear.scatter [tilespmem:s10], [sflag:$0x3], $0x4000, $0x38;
	[tilespmem:$0xC200] =	vst v63  }
0x8c: {  	_ =	swait.ge [sflag:s11], $0x4000  }
0x8d: {  	[sflag:s11] =	ssyncset.done $0x0  }
0x8e: {  	[sflag:s11] =	ssyncadd.s32 $0xFFFFC000  }
0x8f: {  	_ =	swait.ge [sflag:s7], $0x4000  }
0x90: {  	[sflag:s7] =	ssyncset.done $0x0  }
0x91: {  	[sflag:s7] =	ssyncadd.s32 $0xFFFFC000  }
0x92: {  	[hbm4b:s3+s1] =	stream.linear.scatter [tilespmem:s5], [sflag:$0x4], $0x4000, $0x38;
	[tilespmem:$0xC200] =	vst v63  }
0x93: {  	_ =	swait.ge [sflag:s6], $0x4000  }
0x94: {  	[sflag:s6] =	ssyncset.done $0x0  }
0x95: {  	[sflag:s6] =	ssyncadd.s32 $0xFFFFC000  }
0x96: {  	_ =	sfence.sel $0x180000  }
0x97: {  	[bflag:$0x0] =	sbarrier.arrive $0xFFFF  }
0x98: {  	_ =	strace $0x90000050  }
0x99: {  	s0 =	sadd.s32 @!p0 $0x100000, s0;
	[bflag:$0x2] =	sbarrier.arrive $0xFFFF  }
0x9a: {  	[sflag:s0] =	ssyncadd.tile.s32 @!p0 $0x1;
	_ =	shalt  }
.Lfunc_end2:
_tile_overlayer_lowered:
.L_overlay_start_2:
0x9b: {  	(tag) =	ssettag $0x2  }
0x9c: {  	s0 =	rddreg [dreg:$0x0];
	s2 =	stileid.u32  }
0x9d: {  	s1 =	rddreg [dreg:$0x1];
	p0 =	sne.s32 s2, $0x0  }
0x9e: {  	s3 =	rddreg [dreg:$0x2];
	[bflag:$0x3] =	sbarrier.arrive $0xFFFF;
	s2 =	simm.s32 @!p0 $0x1C05  }
0x9f: {  	[timem:s3], [sflag:s2] =	dma.local @!p0 [hbm:s0], s1  }
0xa0: {  	s0 =	simm.s32 @!p0 $0x5  }
0xa1: {  	_ =	swait.ge @!p0 [sflag:s0], s1  }
0xa2: {  	s1 =	ssub.s32 @!p0 $0x0, s1;
	[sflag:s0] =	ssyncset.done @!p0 $0x0  }
0xa3: {  	[sflag:s0] =	ssyncadd.s32 @!p0 s1  }
0xa4: {  	[bflag:$0x3] =	sbarrier.arrive $0xFFFF  }
0xa5: {  	_ =	shalt  }

// kernel: kernel.14.cloned.1.call-start
scs
__scs_entry_jumppad:
0x0: {  	(pc) =	sbr.rel $0x88, $3  }
0x1: {  	(tag) =	ssettag $0x0;
	lr =	simm.s32 $0x1  }
0x2: {  	[smem:$0x3F98] =	sst lr;
	_ =	strace $0xD0000000  }
0x3: {  	_ = 	snop  }
0x4: {  	_ = 	snop  }
0x5: {  	_ = 	snop  }
0x6: {  	_ = 	snop  }
0x7: {  	_ = 	snop  }
__scs_overlays_trampoline_lowered:
0x8: {  	[smem:$0x3FA7] =	sst s0  }
0x9: {  	[smem:$0x3FA8] =	sst s1  }
0xa: {  	[smem:$0x3FA9] =	sst s2  }
0xb: {  	[smem:$0x3FAA] =	sst s3  }
0xc: {  	[smem:$0x3FAB] =	sst s4  }
0xd: {  	[smem:$0x3FAC] =	sst s5  }
0xe: {  	[smem:$0x3FAD] =	sst s6  }
0xf: {  	[smem:$0x3FAE] =	sst s7  }
0x10: {  	[smem:$0x3FAF] =	sst s8  }
0x11: {  	[smem:$0x3FB0] =	sst s9;
	s0 =	simm.s32 @!p0 $0x0  }
0x12: {  	s1 =	sld [smem:$0x3F96];
	s0 =	simm.s32 @p0 $0x1  }
0x13: {  	[smem:$0x3FB1] =	sst s0;
	s0 =	simm.s32 @!p1 $0x0  }
0x14: {  	s2 =	sld [smem:$0x3F95];
	s0 =	simm.s32 @p1 $0x1  }
0x15: {  	[smem:$0x3FB2] =	sst s0;
	s0 =	simm.s32 @!p2 $0x0  }
0x16: {  	s3 =	sld [smem:$0x3FDB];
	s0 =	simm.s32 @p2 $0x1  }
0x17: {  	s4 =	simm.s32 $0x1BF5;
	[smem:$0x3FB4] =	sst s0  }
0x18: {  	s0 =	sld [smem:$0x3F97];
	_ =	swait.ge [sflag:s4], $0x0  }
0x19: {  	s7 =	sld [smem:$0x3F98]  }
0x1a: {  	s8 =	sadd.s32 $0xFFFFE003, lr  }
0x1b: {  	s9 =	sadd.s32 $0xFFFFFEF7, lr;
	s5 =	simm.s32 $0xFFFFFFFF;
	p2 =	slt.u32 s8, $0xFFFFF086  }
0x1c: {  	p1 =	slt.u32 s9, $0xF7A;
	s5 =	simm.s32 @!p2 $0x0  }
0x1d: {  	s5 =	simm.s32 @p1 $0x1;
	p0 =	seq.s32 s7, s2  }
0x1e: {  	s7 =	smul.u32 @!p0 $0xF7A, s2;
	p2 =	seq.s32 @!p0 s5, $0x0  }
0x1f: {  	s9 =	smul.u32 $0xF7A, s1;
	s8 =	simm.s32 @!p0 $0x1BF5;
	p2 =	por !p2, p0  }
0x20: {  	[sflag:s8] =	ssyncset.s32 @!p0 $0xFFFFF086;
	s6 =	sadd.s32 @!p0 s3, s7;
	s7 =	simm.s32 @!p0 $0x108  }
0x21: {  	s3 =	sadd.s32 s3, s9;
	s6 =	sadd.s32 @!p0 $0x88, s6;
	s7 =	simm.s32 @p2 $0x1082  }
0x22: {  	[simem:s7], [sflag:s8] =	dma.local @!p0 [hbm:s6], $0xF7A  }
0x23: {  	s9 =	sor.u32 $0xD0000000, s2;
	s6 =	simm.s32 $0x108;
	_ =	swait.ge @!p0 [sflag:s8], $0x0  }
0x24: {  	s3 =	sadd.s32 $0x88, s3;
	s6 =	simm.s32 @!p1 $0x1082;
	[sflag:s4] =	ssyncset.s32 $0xFFFFF086  }
0x25: {  	[simem:s6], [sflag:s4] =	dma.local [hbm:s3], $0xF7A  }
0x26: {  	[smem:$0x3F98] =	sst s1;
	(tag) =	ssettag s2;
	_ =	strace s9  }
0x27: {  	s1 =	sld [smem:$0x3FA8]  }
0x28: {  	s2 =	sld [smem:$0x3FA9]  }
0x29: {  	s4 =	sld [smem:$0x3FAB]  }
0x2a: {  	p0 =	seq.s32 s5, $0x0;
	s5 =	sld [smem:$0x3FAC]  }
0x2b: {  	s6 =	sld [smem:$0x3FAD]  }
0x2c: {  	s7 =	sld [smem:$0x3FAE]  }
0x2d: {  	s3 =	simm.s32 $0x108;
	s8 =	sld [smem:$0x3FAF]  }
0x2e: {  	s3 =	simm.s32 @!p0 $0x1082;
	s9 =	sld [smem:$0x3FB0]  }
0x2f: {  	lr =	sadd.s32 s0, s3;
	s0 =	sld [smem:$0x3FA7]  }
0x30: {  	s3 =	sld [smem:$0x3FAA]  }
0x31: {  	[smem:$0x3FB3] =	sst s10  }
0x32: {  	s10 =	sld [smem:$0x3FB1];
	_ =	sdelay $0x3  }
0x33: {  	p0 =	seq.s32 s10, $0x1;
	s10 =	sld [smem:$0x3FB3];
	_ =	sdelay $0x3  }
0x34: {  	[smem:$0x3FB3] =	sst s10  }
0x35: {  	s10 =	sld [smem:$0x3FB2];
	_ =	sdelay $0x3  }
0x36: {  	p1 =	seq.s32 s10, $0x1;
	s10 =	sld [smem:$0x3FB3];
	_ =	sdelay $0x3  }
0x37: {  	[smem:$0x3FB3] =	sst s10  }
0x38: {  	s10 =	sld [smem:$0x3FB4]  }
0x39: {  	_ = 	snop;
	(pc) =	sbr.ind lr, $3  }
0x3a: {  	_ = 	snop  }
0x3b: {  	_ = 	snop  }
0x3c: {  	p2 =	seq.s32 s10, $0x1;
	s10 =	sld [smem:$0x3FB3]  }
0x3d: {  	_ =	shalt  }
0x3e: {  	_ =	shalt  }
0x3f: {  	_ =	shalt  }
0x40: {  	_ =	shalt  }
0x41: {  	_ =	shalt  }
0x42: {  	_ =	shalt  }
0x43: {  	_ =	shalt  }
0x44: {  	_ =	shalt  }
0x45: {  	_ =	shalt  }
0x46: {  	_ =	shalt  }
0x47: {  	_ =	shalt  }
0x48: {  	_ =	shalt  }
0x49: {  	_ =	shalt  }
0x4a: {  	_ =	shalt  }
0x4b: {  	_ =	shalt  }
0x4c: {  	_ =	shalt  }
0x4d: {  	_ =	shalt  }
0x4e: {  	_ =	shalt  }
0x4f: {  	_ =	shalt  }
0x50: {  	_ =	shalt  }
0x51: {  	_ =	shalt  }
0x52: {  	_ =	shalt  }
0x53: {  	_ =	shalt  }
0x54: {  	_ =	shalt  }
0x55: {  	_ =	shalt  }
0x56: {  	_ =	shalt  }
0x57: {  	_ =	shalt  }
0x58: {  	_ =	shalt  }
0x59: {  	_ =	shalt  }
0x5a: {  	_ =	shalt  }
0x5b: {  	_ =	shalt  }
0x5c: {  	_ =	shalt  }
0x5d: {  	_ =	shalt  }
0x5e: {  	_ =	shalt  }
0x5f: {  	_ =	shalt  }
0x60: {  	_ =	shalt  }
0x61: {  	_ =	shalt  }
0x62: {  	_ =	shalt  }
0x63: {  	_ =	shalt  }
0x64: {  	_ =	shalt  }
0x65: {  	_ =	shalt  }
0x66: {  	_ =	shalt  }
0x67: {  	_ =	shalt  }
0x68: {  	_ =	shalt  }
0x69: {  	_ =	shalt  }
0x6a: {  	_ =	shalt  }
0x6b: {  	_ =	shalt  }
0x6c: {  	_ =	shalt  }
0x6d: {  	_ =	shalt  }
0x6e: {  	_ =	shalt  }
0x6f: {  	_ =	shalt  }
0x70: {  	_ =	shalt  }
0x71: {  	_ =	shalt  }
0x72: {  	_ =	shalt  }
0x73: {  	_ =	shalt  }
0x74: {  	_ =	shalt  }
0x75: {  	_ =	shalt  }
0x76: {  	_ =	shalt  }
0x77: {  	_ =	shalt  }
0x78: {  	_ =	shalt  }
0x79: {  	_ =	shalt  }
0x7a: {  	_ =	shalt  }
0x7b: {  	_ =	shalt  }
0x7c: {  	_ =	shalt  }
0x7d: {  	_ =	shalt  }
0x7e: {  	_ =	shalt  }
0x7f: {  	_ =	shalt  }
0x80: {  	_ =	shalt  }
0x81: {  	_ =	shalt  }
0x82: {  	_ =	shalt  }
0x83: {  	_ =	shalt  }
0x84: {  	_ =	shalt  }
0x85: {  	_ =	shalt  }
0x86: {  	_ =	shalt  }
0x87: {  	_ =	shalt  }
.Lfunc_end0:
.L_simem_size_0:
called_computation.1_lowered:
.L_overlay_start_0:
0x88: {  	s2 =	sld [smem:$0x3FD9]  }
0x89: {  	s3 =	sld [smem:$0x3FFE];
	_ =	sdelay $0x1  }
0x8a: {  	s1 =	srdreg.scid  }
0x8b: {  	s0 =	sand.u32 $0x1, s1  }
0x8c: {  	s17 =	sshll.u32 s0, $0xA;
	s2 =	sadd.s32 s3, s2  }
0x8d: {  	s2 =	sadd.s32 s2, s17  }
0x8e: {  	[smem:$0x3FBF] =	sst s2  }
0x8f: {  	_ = 	snop  }
0x90: {  	s18 =	sld [smem:$0x3FD0];
	(tm) =	ssettm $0x1  }
0x91: {  	s19 =	sld [smem:$0x3FFB];
	_ =	sdelay $0x3  }
0x92: {  	_ =	strace s19  }
0x93: {  	s2 =	sld [smem:$0x3FFC];
	_ =	sdelay $0x3  }
0x94: {  	_ =	strace s2  }
0x95: {  	s2 =	sld [smem:$0x3FFD];
	_ =	sdelay $0x3  }
0x96: {  	_ =	strace s2  }
0x97: {  	_ =	strace $0x8FFFFFFF  }
0x98: {  	s20 =	sld [smem:$0x3FDB];
	_ =	sdelay $0x1  }
0x99: {  	s4 =	simm.s32 $_scs_section_size  }
0x9a: {  	s5 =	simm.s32 $_size__tile_overlayer_lowered;
	s6 =	simm.s32 $_tile_overlayer_lowered  }
0x9b: {  	s7 =	simm.s32 $0x1BFF;
	s21 =	sshll.u32 s6, $0x1;
	s4 =	sadd.s32 s4, s20  }
0x9c: {  	s22 =	simm.s32 $0x0;
	s5 =	sshll.u32 s5, $0x1;
	s6 =	sadd.s32 s21, s4  }
0x9d: {  	[timem:s22], [sflag:s7] =	dma.local [hbm:s6], s5  }
0x9e: {  	_ =	swait.ge [sflag:s7], s5  }
0x9f: {  	s5 =	ssub.s32 $0x0, s5;
	[sflag:s7] =	ssyncset.done $0x0  }
0xa0: {  	[sflag:s7] =	ssyncadd.s32 s5;
	_ =	sdelay $0x1  }
0xa1: {  	s23 =	simm.s32 $0x1B8B  }
0xa2: {  	_ =	swait.ge [sflag:s23], $0x1  }
0xa3: {  	[sflag:s23] =	ssyncset.done $0x0  }
0xa4: {  	[sflag:s23] =	ssyncadd.s32 $0xFFFFFFFF  }
0xa5: {  	s5 =	sld [smem:$0x0]  }
0xa6: {  	s6 =	sand.u32 $0xFFFFFFFE, s1  }
0xa7: {  	p0 =	sne.s32 s1, s6  }
0xa8: {  	s6 =	sshll.u32 @p0 s6, $0xE  }
0xa9: {  	s6 =	sadd.s32 @p0 $0x11B8D, s6;
	s7 =	sshll.u32 @p0 s5, $0x11  }
0xaa: {  	s6 =	sor.u32 @p0 s7, s6  }
0xab: {  	[sflag:s6] =	ssyncadd.remote.s32 @p0 $0x1;
	_ =	sdelay $0x1  }
0xac: {  	s6 =	simm.s32 @p0 $0x1B8D  }
0xad: {  	_ =	swait.eq @p0 [sflag:s6], $0x1  }
0xae: {  	[sflag:s6] =	ssyncadd.s32 @p0 $0xFFFFFFFF  }
0xaf: {  	s7 =	sshll.u32 @!p0 s1, $0xE  }
0xb0: {  	s7 =	sor.u32 @!p0 $0x4000, s7;
	s6 =	simm.s32 @!p0 $0x1B8D  }
0xb1: {  	s5 =	sshll.u32 @!p0 s5, $0x11;
	s7 =	sadd.s32 @!p0 $0x11B8D, s7;
	_ =	swait.eq @!p0 [sflag:s6], $0x1  }
0xb2: {  	s5 =	sor.u32 @!p0 s5, s7;
	[sflag:s6] =	ssyncadd.s32 @!p0 $0xFFFFFFFF  }
0xb3: {  	s25 =	simm.s32 $0x1B8E;
	s24 =	sld [smem:$0x3FFE];
	[sflag:s5] =	ssyncadd.remote.s32 @!p0 $0x1  }
0xb4: {  	s26 =	simm.s32 $execute0_lowered;
	[smem:$0x3FD2] =	sst s25  }
0xb5: {  	s6 =	sshll.u32 s26, $0x1;
	_ =	strace $0x8000004C;
	[dreg:$0x1] =	wrdreg $0xFFFFFFFF  }
0xb6: {  	s28 =	simm.s32 $_size_execute0_lowered;
	s4 =	sadd.s32 s4, s6;
	[dreg:$0x0] =	wrdreg $0x0  }
0xb7: {  	s6 =	sshll.u32 s28, $0x1;
	[dreg:$0x2] =	wrdreg s4  }
0xb8: {  	[dreg:$0x3] =	wrdreg s6  }
0xb9: {  	[dreg:$0x4] =	wrdreg $0xC0  }
0xba: {  	_ =	task [dreg:s22], $0x5FFFF  }
0xbb: {  	[dreg:$0x1] =	wrdreg $0xFFFFFFFF  }
0xbc: {  	[dreg:$0x0] =	wrdreg $0x60  }
0xbd: {  	[dreg:$0x2] =	wrdreg s18  }
0xbe: {  	[dreg:$0x3] =	wrdreg s24  }
0xbf: {  	[dreg:$0x4] =	wrdreg $0x84000  }
0xc0: {  	[dreg:$0x5] =	wrdreg $0xA  }
0xc1: {  	_ =	task.clear_ibuf [dreg:s22], $0x6FFFF;
	_ =	strace $0x9000004C  }
0xc2: {  	s29 =	simm.s32 $0xA;
	_ =	strace $0x8000004E  }
0xc3: {  	_ =	swait.ge [sflag:s29], $0x1  }
0xc4: {  	[sflag:s29] =	ssyncadd.s32 $0xFFFFFFFF  }
0xc5: {  	_ =	strace $0x9000004E  }
0xc6: {  	_ =	sfence  }
0xc7: {  	s30 =	sld [smem:$0x0];
	_ =	sdelay $0x2  }
0xc8: {  	s31 =	sshll.u32 s1, $0xD;
	s1 =	sshrl.u32 s1, $0x2  }
0xc9: {  	s4 =	sand.u32 $0x4000, s31;
	s1 =	sadd.s32 s1, s30  }
0xca: {  	s0 =	sor.u32 s4, s0;
	s1 =	sshll.u32 s1, $0x11  }
0xcb: {  	s0 =	sor.u32 s1, s0  }
0xcc: {  	s0 =	sadd.s32 $0x8F2B, s0  }
0xcd: {  	[sflag:s0] =	ssyncadd.remote.s32 $0x1  }
0xce: {  	_ =	sfence.sel $0xFFFF  }
0xcf: {  	[dreg:$0x0] =	wrdreg $0xFFFFFFFF;
	(pc) =	sbr.abs _section_cstart, $3  }
0xd0: {  	[dreg:$0x1] =	wrdreg $0xFFFFFFFF  }
0xd1: {  	_ =	task.clear_ibuf [dreg:s22], $0x2FFFF;
	_ =	strace $0x9FFFFFFF  }
0xd2: {  	(tm) =	ssettm $0x7FFFFFFF  }
0xd3: {  	_ =	shalt  }
tec
execute0_lowered:
.L_overlay_start_1:
0x0: {  	(tag) =	ssettag $0x1  }
0x1: {  	s0 =	rddreg [dreg:$0x0]  }
0x2: {  	s11 =	rddreg [dreg:$0x1]  }
0x3: {  	s1 =	rddreg [dreg:$0x2]  }
0x4: {  	[dreg:$0x4] =	wrdreg s0  }
0x5: {  	s2 =	simm.s32 $0x0;
	s3 =	srdreg.scid;
	s0 =	rddreg [dreg:$0x3]  }
0x6: {  	s4 =	stileid.u32;
	[smem:$0x7FF] =	sst s2;
	s29 =	sand.u32 $0x1, s3  }
0x7: {  	s26 =	sshll.u32 s4, $0xB;
	p0 =	sne.s32 s4, $0x0;
	_ =	strace $0x8000004D  }
0x8: {  	s5 =	sshll.u32 s29, $0xA;
	s3 =	sshrl.u32 @!p0 s1, $0x3;
	s4 =	simm.s32 @!p0 $0x1C05  }
0x9: {  	s6 =	rddreg [dreg:$0x4];
	s12 =	sor.u32 s5, s26;
	s5 =	simm.s32 @!p0 $0x5  }
0xa: {  	[spmem:s3], [sflag:s4] =	dma.local @!p0 [hbm:s6], $0x8000  }
0xb: {  	s31 =	sshrl.u32 s12, $0x3;
	_ =	swait.ge @!p0 [sflag:s5], $0x8000  }
0xc: {  	s6 =	sadd.s32 s31, s11;
	[sflag:s5] =	ssyncset.done @!p0 $0x0  }
0xd: {  	s7 =	simm.s32 $0x5;
	s6 =	sadd.s32 $0x146600, s6;
	[sflag:s5] =	ssyncadd.s32 @!p0 $0xFFFF8000  }
0xe: {  	[tilespmem:s2], [sflag:$0x5] =	stream.linear.gather [hbm4b:s6+s2], $0x400, $0x38;
	[tilespmem:$0xC400] =	vst v63  }
0xf: {  	_ =	swait.ge [sflag:s7], $0x400  }
0x10: {  	[sflag:s7] =	ssyncset.done $0x0  }
0x11: {  	s8 =	simm.s32 $0x80;
	[sflag:s7] =	ssyncadd.s32 $0xFFFFFC00  }
0x12: {  	s9 =	simm.s32 $0x400;
	s10 =	simm.s32 $0x1;
	[bflag:$0x0] =	sbarrier.arrive $0xFFFF  }
0x13: {  	[tilespmem:s9], [sflag:$0x1] =	stream.indirect.gather [spmem:s1], $0x80, s2, s8, $0xb8;
	[tilespmem:$0xC400] =	vst v63  }
0x14: {  	_ =	swait.ge [sflag:s10], $0x4000  }
0x15: {  	s12 =	sshll.u32 s12, $0x4;
	[sflag:s10] =	ssyncset.done $0x0  }
0x16: {  	s30 =	sadd.s32 s12, s11;
	s11 =	simm.s32 $0x4400;
	[sflag:s10] =	ssyncadd.s32 $0xFFFFC000  }
0x17: {  	[tilespmem:s11], [sflag:$0x2] =	stream.indirect.gather [spmem:s1], $0x80, s8, s8, $0xb8;
	[tilespmem:$0xC400] =	vst v63  }
0x18: {  	s13 =	simm.s32 $0x2;
	s12 =	sadd.s32 $0x147600, s30  }
0x19: {  	[hbm4b:s12+s2] =	stream.linear.scatter [tilespmem:s9], [sflag:$0x3], $0x4000, $0x38;
	[tilespmem:$0xC400] =	vst v63  }
0x1a: {  	_ =	swait.ge [sflag:s13], $0x4000  }
0x1b: {  	[sflag:s13] =	ssyncset.done $0x0  }
0x1c: {  	s14 =	simm.s32 $0x3;
	[sflag:s13] =	ssyncadd.s32 $0xFFFFC000  }
0x1d: {  	_ =	swait.ge [sflag:s14], $0x4000  }
0x1e: {  	[sflag:s14] =	ssyncset.done $0x0  }
0x1f: {  	s15 =	simm.s32 $0x100;
	[sflag:s14] =	ssyncadd.s32 $0xFFFFC000  }
0x20: {  	[tilespmem:s9], [sflag:$0x1] =	stream.indirect.gather [spmem:s1], $0x80, s15, s8, $0xb8;
	[tilespmem:$0xC400] =	vst v63  }
0x21: {  	s16 =	sadd.s32 $0x147E00, s30  }
0x22: {  	[hbm4b:s16+s2] =	stream.linear.scatter [tilespmem:s11], [sflag:$0x4], $0x4000, $0x38;
	[tilespmem:$0xC400] =	vst v63  }
0x23: {  	_ =	swait.ge [sflag:s10], $0x4000  }
0x24: {  	[sflag:s10] =	ssyncset.done $0x0  }
0x25: {  	s17 =	simm.s32 $0x4;
	[sflag:s10] =	ssyncadd.s32 $0xFFFFC000  }
0x26: {  	_ =	swait.ge [sflag:s17], $0x4000  }
0x27: {  	[sflag:s17] =	ssyncset.done $0x0  }
0x28: {  	s18 =	simm.s32 $0x180;
	[sflag:s17] =	ssyncadd.s32 $0xFFFFC000  }
0x29: {  	[tilespmem:s11], [sflag:$0x2] =	stream.indirect.gather [spmem:s1], $0x80, s18, s8, $0xb8;
	[tilespmem:$0xC400] =	vst v63  }
0x2a: {  	s19 =	sadd.s32 $0x148600, s30  }
0x2b: {  	[hbm4b:s19+s2] =	stream.linear.scatter [tilespmem:s9], [sflag:$0x3], $0x4000, $0x38;
	[tilespmem:$0xC400] =	vst v63  }
0x2c: {  	_ =	swait.ge [sflag:s13], $0x4000  }
0x2d: {  	[sflag:s13] =	ssyncset.done $0x0  }
0x2e: {  	[sflag:s13] =	ssyncadd.s32 $0xFFFFC000  }
0x2f: {  	_ =	swait.ge [sflag:s14], $0x4000  }
0x30: {  	[sflag:s14] =	ssyncset.done $0x0  }
0x31: {  	s20 =	simm.s32 $0x200;
	[sflag:s14] =	ssyncadd.s32 $0xFFFFC000  }
0x32: {  	[tilespmem:s9], [sflag:$0x1] =	stream.indirect.gather [spmem:s1], $0x80, s20, s8, $0xb8;
	[tilespmem:$0xC400] =	vst v63  }
0x33: {  	s21 =	sadd.s32 $0x148E00, s30  }
0x34: {  	[hbm4b:s21+s2] =	stream.linear.scatter [tilespmem:s11], [sflag:$0x4], $0x4000, $0x38;
	[tilespmem:$0xC400] =	vst v63  }
0x35: {  	_ =	swait.ge [sflag:s10], $0x4000  }
0x36: {  	[sflag:s10] =	ssyncset.done $0x0  }
0x37: {  	[sflag:s10] =	ssyncadd.s32 $0xFFFFC000  }
0x38: {  	_ =	swait.ge [sflag:s17], $0x4000  }
0x39: {  	[sflag:s17] =	ssyncset.done $0x0  }
0x3a: {  	s22 =	simm.s32 $0x280;
	[sflag:s17] =	ssyncadd.s32 $0xFFFFC000  }
0x3b: {  	[tilespmem:s11], [sflag:$0x2] =	stream.indirect.gather [spmem:s1], $0x80, s22, s8, $0xb8;
	[tilespmem:$0xC400] =	vst v63  }
0x3c: {  	s23 =	sadd.s32 $0x149600, s30  }
0x3d: {  	[hbm4b:s23+s2] =	stream.linear.scatter [tilespmem:s9], [sflag:$0x3], $0x4000, $0x38;
	[tilespmem:$0xC400] =	vst v63  }
0x3e: {  	_ =	swait.ge [sflag:s13], $0x4000  }
0x3f: {  	[sflag:s13] =	ssyncset.done $0x0  }
0x40: {  	[sflag:s13] =	ssyncadd.s32 $0xFFFFC000  }
0x41: {  	_ =	swait.ge [sflag:s14], $0x4000  }
0x42: {  	[sflag:s14] =	ssyncset.done $0x0  }
0x43: {  	s24 =	simm.s32 $0x300;
	[sflag:s14] =	ssyncadd.s32 $0xFFFFC000  }
0x44: {  	[tilespmem:s9], [sflag:$0x1] =	stream.indirect.gather [spmem:s1], $0x80, s24, s8, $0xb8;
	[tilespmem:$0xC400] =	vst v63  }
0x45: {  	s25 =	sadd.s32 $0x149E00, s30  }
0x46: {  	[hbm4b:s25+s2] =	stream.linear.scatter [tilespmem:s11], [sflag:$0x4], $0x4000, $0x38;
	[tilespmem:$0xC400] =	vst v63  }
0x47: {  	_ =	swait.ge [sflag:s10], $0x4000  }
0x48: {  	[sflag:s10] =	ssyncset.done $0x0  }
0x49: {  	[sflag:s10] =	ssyncadd.s32 $0xFFFFC000  }
0x4a: {  	_ =	swait.ge [sflag:s17], $0x4000  }
0x4b: {  	s29 =	ssub.s32 $0x2, s29;
	[sflag:s17] =	ssyncset.done $0x0  }
0x4c: {  	s26 =	simm.s32 $0x380;
	s31 =	sshrl.u32 s29, $0x1;
	[sflag:s17] =	ssyncadd.s32 $0xFFFFC000  }
0x4d: {  	[tilespmem:s11], [sflag:$0x2] =	stream.indirect.gather [spmem:s1], $0x80, s26, s8, $0xb8;
	[tilespmem:$0xC400] =	vst v63  }
0x4e: {  	s28 =	sadd.s32 $0x14A600, s30;
	s29 =	ssub.s32 s29, s31  }
0x4f: {  	[hbm4b:s28+s2] =	stream.linear.scatter [tilespmem:s9], [sflag:$0x3], $0x4000, $0x38;
	[tilespmem:$0xC400] =	vst v63  }
0x50: {  	s31 =	smax.u32 s29, $0x1;
	_ =	swait.ge [sflag:s13], $0x4000  }
0x51: {  	s29 =	sadd.s32 $0x14AE00, s30;
	s30 =	sadd.s32 $0xFFFFFFFF, s31;
	[sflag:s13] =	ssyncset.done $0x0  }
0x52: {  	p1 =	sne.s32 s30, $0x0;
	[sflag:s13] =	ssyncadd.s32 $0xFFFFC000  }
.Ltmp0:
0x53: {  	_ =	swait.ge [sflag:s14], $0x4000;
	(pc) =	sbr.rel @!p1 .LBB2_2-.Ltmp0, $4  }
0x54: {  	[sflag:s14] =	ssyncset.done $0x0  }
0x55: {  	[sflag:s14] =	ssyncadd.s32 $0xFFFFC000  }
0x56: {  	[hbm4b:s29+s2] =	stream.linear.scatter [tilespmem:s11], [sflag:$0x4], $0x4000, $0x38;
	[tilespmem:$0xC400] =	vst v63  }
0x57: {  	_ =	swait.ge [sflag:s17], $0x4000  }
.LBB2_1:
0x58: {  	[sflag:s17] =	ssyncset.done $0x0  }
0x59: {  	s31 =	rddreg [dreg:$0x4];
	[sflag:s17] =	ssyncadd.s32 $0xFFFFC000  }
0x5a: {  	[spmem:s3], [sflag:s4] =	dma.local @!p0 [hbm:s31], $0x8000  }
0x5b: {  	_ =	swait.ge @!p0 [sflag:s5], $0x8000  }
0x5c: {  	[sflag:s5] =	ssyncset.done @!p0 $0x0  }
0x5d: {  	[sflag:s5] =	ssyncadd.s32 @!p0 $0xFFFF8000  }
0x5e: {  	[tilespmem:s2], [sflag:$0x5] =	stream.linear.gather [hbm4b:s6+s2], $0x400, $0x38;
	[tilespmem:$0xC400] =	vst v63  }
0x5f: {  	_ =	swait.ge [sflag:s7], $0x400  }
0x60: {  	[sflag:s7] =	ssyncset.done $0x0  }
0x61: {  	[sflag:s7] =	ssyncadd.s32 $0xFFFFFC00  }
0x62: {  	[bflag:$0x0] =	sbarrier.arrive $0xFFFF  }
0x63: {  	[tilespmem:s9], [sflag:$0x1] =	stream.indirect.gather [spmem:s1], $0x80, s2, s8, $0xb8;
	[tilespmem:$0xC400] =	vst v63  }
0x64: {  	_ =	swait.ge [sflag:s10], $0x4000  }
0x65: {  	[sflag:s10] =	ssyncset.done $0x0  }
0x66: {  	[sflag:s10] =	ssyncadd.s32 $0xFFFFC000  }
0x67: {  	[tilespmem:s11], [sflag:$0x2] =	stream.indirect.gather [spmem:s1], $0x80, s8, s8, $0xb8;
	[tilespmem:$0xC400] =	vst v63  }
0x68: {  	_ = 	snop  }
0x69: {  	[hbm4b:s12+s2] =	stream.linear.scatter [tilespmem:s9], [sflag:$0x3], $0x4000, $0x38;
	[tilespmem:$0xC400] =	vst v63  }
0x6a: {  	_ =	swait.ge [sflag:s13], $0x4000  }
0x6b: {  	[sflag:s13] =	ssyncset.done $0x0  }
0x6c: {  	[sflag:s13] =	ssyncadd.s32 $0xFFFFC000  }
0x6d: {  	_ =	swait.ge [sflag:s14], $0x4000  }
0x6e: {  	[sflag:s14] =	ssyncset.done $0x0  }
0x6f: {  	[sflag:s14] =	ssyncadd.s32 $0xFFFFC000  }
0x70: {  	[tilespmem:s9], [sflag:$0x1] =	stream.indirect.gather [spmem:s1], $0x80, s15, s8, $0xb8;
	[tilespmem:$0xC400] =	vst v63  }
0x71: {  	_ = 	snop  }
0x72: {  	[hbm4b:s16+s2] =	stream.linear.scatter [tilespmem:s11], [sflag:$0x4], $0x4000, $0x38;
	[tilespmem:$0xC400] =	vst v63  }
0x73: {  	_ =	swait.ge [sflag:s10], $0x4000  }
0x74: {  	[sflag:s10] =	ssyncset.done $0x0  }
0x75: {  	[sflag:s10] =	ssyncadd.s32 $0xFFFFC000  }
0x76: {  	_ =	swait.ge [sflag:s17], $0x4000  }
0x77: {  	[sflag:s17] =	ssyncset.done $0x0  }
0x78: {  	[sflag:s17] =	ssyncadd.s32 $0xFFFFC000  }
0x79: {  	[tilespmem:s11], [sflag:$0x2] =	stream.indirect.gather [spmem:s1], $0x80, s18, s8, $0xb8;
	[tilespmem:$0xC400] =	vst v63  }
0x7a: {  	_ = 	snop  }
0x7b: {  	[hbm4b:s19+s2] =	stream.linear.scatter [tilespmem:s9], [sflag:$0x3], $0x4000, $0x38;
	[tilespmem:$0xC400] =	vst v63  }
0x7c: {  	_ =	swait.ge [sflag:s13], $0x4000  }
0x7d: {  	[sflag:s13] =	ssyncset.done $0x0  }
0x7e: {  	[sflag:s13] =	ssyncadd.s32 $0xFFFFC000  }
0x7f: {  	_ =	swait.ge [sflag:s14], $0x4000  }
0x80: {  	[sflag:s14] =	ssyncset.done $0x0  }
0x81: {  	[sflag:s14] =	ssyncadd.s32 $0xFFFFC000  }
0x82: {  	[tilespmem:s9], [sflag:$0x1] =	stream.indirect.gather [spmem:s1], $0x80, s20, s8, $0xb8;
	[tilespmem:$0xC400] =	vst v63  }
0x83: {  	_ = 	snop  }
0x84: {  	[hbm4b:s21+s2] =	stream.linear.scatter [tilespmem:s11], [sflag:$0x4], $0x4000, $0x38;
	[tilespmem:$0xC400] =	vst v63  }
0x85: {  	_ =	swait.ge [sflag:s10], $0x4000  }
0x86: {  	[sflag:s10] =	ssyncset.done $0x0  }
0x87: {  	[sflag:s10] =	ssyncadd.s32 $0xFFFFC000  }
0x88: {  	_ =	swait.ge [sflag:s17], $0x4000  }
0x89: {  	[sflag:s17] =	ssyncset.done $0x0  }
0x8a: {  	[sflag:s17] =	ssyncadd.s32 $0xFFFFC000  }
0x8b: {  	[tilespmem:s11], [sflag:$0x2] =	stream.indirect.gather [spmem:s1], $0x80, s22, s8, $0xb8;
	[tilespmem:$0xC400] =	vst v63  }
0x8c: {  	_ = 	snop  }
0x8d: {  	[hbm4b:s23+s2] =	stream.linear.scatter [tilespmem:s9], [sflag:$0x3], $0x4000, $0x38;
	[tilespmem:$0xC400] =	vst v63  }
0x8e: {  	_ =	swait.ge [sflag:s13], $0x4000  }
0x8f: {  	[sflag:s13] =	ssyncset.done $0x0  }
0x90: {  	[sflag:s13] =	ssyncadd.s32 $0xFFFFC000  }
0x91: {  	_ =	swait.ge [sflag:s14], $0x4000  }
0x92: {  	[sflag:s14] =	ssyncset.done $0x0  }
0x93: {  	[sflag:s14] =	ssyncadd.s32 $0xFFFFC000  }
0x94: {  	[tilespmem:s9], [sflag:$0x1] =	stream.indirect.gather [spmem:s1], $0x80, s24, s8, $0xb8;
	[tilespmem:$0xC400] =	vst v63  }
0x95: {  	_ = 	snop  }
0x96: {  	[hbm4b:s25+s2] =	stream.linear.scatter [tilespmem:s11], [sflag:$0x4], $0x4000, $0x38;
	[tilespmem:$0xC400] =	vst v63  }
0x97: {  	_ =	swait.ge [sflag:s10], $0x4000  }
0x98: {  	[sflag:s10] =	ssyncset.done $0x0  }
0x99: {  	[sflag:s10] =	ssyncadd.s32 $0xFFFFC000  }
0x9a: {  	_ =	swait.ge [sflag:s17], $0x4000  }
0x9b: {  	[sflag:s17] =	ssyncset.done $0x0  }
0x9c: {  	[sflag:s17] =	ssyncadd.s32 $0xFFFFC000  }
0x9d: {  	[tilespmem:s11], [sflag:$0x2] =	stream.indirect.gather [spmem:s1], $0x80, s26, s8, $0xb8;
	[tilespmem:$0xC400] =	vst v63  }
0x9e: {  	_ = 	snop  }
0x9f: {  	[hbm4b:s28+s2] =	stream.linear.scatter [tilespmem:s9], [sflag:$0x3], $0x4000, $0x38;
	[tilespmem:$0xC400] =	vst v63  }
0xa0: {  	_ =	swait.ge [sflag:s13], $0x4000  }
0xa1: {  	s30 =	sadd.s32 $0xFFFFFFFF, s30;
	[sflag:s13] =	ssyncset.done $0x0  }
0xa2: {  	p1 =	sne.s32 s30, $0x0;
	[sflag:s13] =	ssyncadd.s32 $0xFFFFC000  }
.Ltmp1:
0xa3: {  	_ =	swait.ge [sflag:s14], $0x4000;
	(pc) =	sbr.rel @p1 .LBB2_1-.Ltmp1, $4  }
0xa4: {  	[sflag:s14] =	ssyncset.done $0x0  }
0xa5: {  	[sflag:s14] =	ssyncadd.s32 $0xFFFFC000  }
0xa6: {  	[hbm4b:s29+s2] =	stream.linear.scatter [tilespmem:s11], [sflag:$0x4], $0x4000, $0x38;
	[tilespmem:$0xC400] =	vst v63  }
0xa7: {  	_ =	swait.ge [sflag:s17], $0x4000  }
.LBB2_2:
0xa8: {  	[sflag:s17] =	ssyncset.done $0x0  }
0xa9: {  	[sflag:s17] =	ssyncadd.s32 $0xFFFFC000  }
0xaa: {  	_ =	sfence.sel $0x180000  }
0xab: {  	[bflag:$0x0] =	sbarrier.arrive $0xFFFF  }
0xac: {  	_ =	strace $0x9000004D  }
0xad: {  	s0 =	sadd.s32 @!p0 $0x100000, s0;
	[bflag:$0x2] =	sbarrier.arrive $0xFFFF  }
0xae: {  	[sflag:s0] =	ssyncadd.tile.s32 @!p0 $0x1;
	_ =	shalt  }
.Lfunc_end2:
_tile_overlayer_lowered:
.L_overlay_start_2:
0xaf: {  	(tag) =	ssettag $0x2  }
0xb0: {  	s0 =	rddreg [dreg:$0x0];
	s2 =	stileid.u32  }
0xb1: {  	s1 =	rddreg [dreg:$0x1];
	p0 =	sne.s32 s2, $0x0  }
0xb2: {  	s3 =	rddreg [dreg:$0x2];
	[bflag:$0x3] =	sbarrier.arrive $0xFFFF;
	s2 =	simm.s32 @!p0 $0x1C05  }
0xb3: {  	[timem:s3], [sflag:s2] =	dma.local @!p0 [hbm:s0], s1  }
0xb4: {  	s0 =	simm.s32 @!p0 $0x5  }
0xb5: {  	_ =	swait.ge @!p0 [sflag:s0], s1  }
0xb6: {  	s1 =	ssub.s32 @!p0 $0x0, s1;
	[sflag:s0] =	ssyncset.done @!p0 $0x0  }
0xb7: {  	[sflag:s0] =	ssyncadd.s32 @!p0 s1  }
0xb8: {  	[bflag:$0x3] =	sbarrier.arrive $0xFFFF  }
0xb9: {  	_ =	shalt  }

// kernel: kernel.17.cloned.1.call-start
scs
__scs_entry_jumppad:
0x0: {  	(pc) =	sbr.rel $0x88, $3  }
0x1: {  	(tag) =	ssettag $0x0;
	lr =	simm.s32 $0x1  }
0x2: {  	[smem:$0x3F98] =	sst lr;
	_ =	strace $0xD0000000  }
0x3: {  	_ = 	snop  }
0x4: {  	_ = 	snop  }
0x5: {  	_ = 	snop  }
0x6: {  	_ = 	snop  }
0x7: {  	_ = 	snop  }
__scs_overlays_trampoline_lowered:
0x8: {  	[smem:$0x3FA7] =	sst s0  }
0x9: {  	[smem:$0x3FA8] =	sst s1  }
0xa: {  	[smem:$0x3FA9] =	sst s2  }
0xb: {  	[smem:$0x3FAA] =	sst s3  }
0xc: {  	[smem:$0x3FAB] =	sst s4  }
0xd: {  	[smem:$0x3FAC] =	sst s5  }
0xe: {  	[smem:$0x3FAD] =	sst s6  }
0xf: {  	[smem:$0x3FAE] =	sst s7  }
0x10: {  	[smem:$0x3FAF] =	sst s8  }
0x11: {  	[smem:$0x3FB0] =	sst s9;
	s0 =	simm.s32 @!p0 $0x0  }
0x12: {  	s1 =	sld [smem:$0x3F96];
	s0 =	simm.s32 @p0 $0x1  }
0x13: {  	[smem:$0x3FB1] =	sst s0;
	s0 =	simm.s32 @!p1 $0x0  }
0x14: {  	s2 =	sld [smem:$0x3F95];
	s0 =	simm.s32 @p1 $0x1  }
0x15: {  	[smem:$0x3FB2] =	sst s0;
	s0 =	simm.s32 @!p2 $0x0  }
0x16: {  	s3 =	sld [smem:$0x3FDB];
	s0 =	simm.s32 @p2 $0x1  }
0x17: {  	s4 =	simm.s32 $0x1BF5;
	[smem:$0x3FB4] =	sst s0  }
0x18: {  	s0 =	sld [smem:$0x3F97];
	_ =	swait.ge [sflag:s4], $0x0  }
0x19: {  	s7 =	sld [smem:$0x3F98]  }
0x1a: {  	s8 =	sadd.s32 $0xFFFFE003, lr  }
0x1b: {  	s9 =	sadd.s32 $0xFFFFFEF7, lr;
	s5 =	simm.s32 $0xFFFFFFFF;
	p2 =	slt.u32 s8, $0xFFFFF086  }
0x1c: {  	p1 =	slt.u32 s9, $0xF7A;
	s5 =	simm.s32 @!p2 $0x0  }
0x1d: {  	s5 =	simm.s32 @p1 $0x1;
	p0 =	seq.s32 s7, s2  }
0x1e: {  	s7 =	smul.u32 @!p0 $0xF7A, s2;
	p2 =	seq.s32 @!p0 s5, $0x0  }
0x1f: {  	s9 =	smul.u32 $0xF7A, s1;
	s8 =	simm.s32 @!p0 $0x1BF5;
	p2 =	por !p2, p0  }
0x20: {  	[sflag:s8] =	ssyncset.s32 @!p0 $0xFFFFF086;
	s6 =	sadd.s32 @!p0 s3, s7;
	s7 =	simm.s32 @!p0 $0x108  }
0x21: {  	s3 =	sadd.s32 s3, s9;
	s6 =	sadd.s32 @!p0 $0x88, s6;
	s7 =	simm.s32 @p2 $0x1082  }
0x22: {  	[simem:s7], [sflag:s8] =	dma.local @!p0 [hbm:s6], $0xF7A  }
0x23: {  	s9 =	sor.u32 $0xD0000000, s2;
	s6 =	simm.s32 $0x108;
	_ =	swait.ge @!p0 [sflag:s8], $0x0  }
0x24: {  	s3 =	sadd.s32 $0x88, s3;
	s6 =	simm.s32 @!p1 $0x1082;
	[sflag:s4] =	ssyncset.s32 $0xFFFFF086  }
0x25: {  	[simem:s6], [sflag:s4] =	dma.local [hbm:s3], $0xF7A  }
0x26: {  	[smem:$0x3F98] =	sst s1;
	(tag) =	ssettag s2;
	_ =	strace s9  }
0x27: {  	s1 =	sld [smem:$0x3FA8]  }
0x28: {  	s2 =	sld [smem:$0x3FA9]  }
0x29: {  	s4 =	sld [smem:$0x3FAB]  }
0x2a: {  	p0 =	seq.s32 s5, $0x0;
	s5 =	sld [smem:$0x3FAC]  }
0x2b: {  	s6 =	sld [smem:$0x3FAD]  }
0x2c: {  	s7 =	sld [smem:$0x3FAE]  }
0x2d: {  	s3 =	simm.s32 $0x108;
	s8 =	sld [smem:$0x3FAF]  }
0x2e: {  	s3 =	simm.s32 @!p0 $0x1082;
	s9 =	sld [smem:$0x3FB0]  }
0x2f: {  	lr =	sadd.s32 s0, s3;
	s0 =	sld [smem:$0x3FA7]  }
0x30: {  	s3 =	sld [smem:$0x3FAA]  }
0x31: {  	[smem:$0x3FB3] =	sst s10  }
0x32: {  	s10 =	sld [smem:$0x3FB1];
	_ =	sdelay $0x3  }
0x33: {  	p0 =	seq.s32 s10, $0x1;
	s10 =	sld [smem:$0x3FB3];
	_ =	sdelay $0x3  }
0x34: {  	[smem:$0x3FB3] =	sst s10  }
0x35: {  	s10 =	sld [smem:$0x3FB2];
	_ =	sdelay $0x3  }
0x36: {  	p1 =	seq.s32 s10, $0x1;
	s10 =	sld [smem:$0x3FB3];
	_ =	sdelay $0x3  }
0x37: {  	[smem:$0x3FB3] =	sst s10  }
0x38: {  	s10 =	sld [smem:$0x3FB4]  }
0x39: {  	_ = 	snop;
	(pc) =	sbr.ind lr, $3  }
0x3a: {  	_ = 	snop  }
0x3b: {  	_ = 	snop  }
0x3c: {  	p2 =	seq.s32 s10, $0x1;
	s10 =	sld [smem:$0x3FB3]  }
0x3d: {  	_ =	shalt  }
0x3e: {  	_ =	shalt  }
0x3f: {  	_ =	shalt  }
0x40: {  	_ =	shalt  }
0x41: {  	_ =	shalt  }
0x42: {  	_ =	shalt  }
0x43: {  	_ =	shalt  }
0x44: {  	_ =	shalt  }
0x45: {  	_ =	shalt  }
0x46: {  	_ =	shalt  }
0x47: {  	_ =	shalt  }
0x48: {  	_ =	shalt  }
0x49: {  	_ =	shalt  }
0x4a: {  	_ =	shalt  }
0x4b: {  	_ =	shalt  }
0x4c: {  	_ =	shalt  }
0x4d: {  	_ =	shalt  }
0x4e: {  	_ =	shalt  }
0x4f: {  	_ =	shalt  }
0x50: {  	_ =	shalt  }
0x51: {  	_ =	shalt  }
0x52: {  	_ =	shalt  }
0x53: {  	_ =	shalt  }
0x54: {  	_ =	shalt  }
0x55: {  	_ =	shalt  }
0x56: {  	_ =	shalt  }
0x57: {  	_ =	shalt  }
0x58: {  	_ =	shalt  }
0x59: {  	_ =	shalt  }
0x5a: {  	_ =	shalt  }
0x5b: {  	_ =	shalt  }
0x5c: {  	_ =	shalt  }
0x5d: {  	_ =	shalt  }
0x5e: {  	_ =	shalt  }
0x5f: {  	_ =	shalt  }
0x60: {  	_ =	shalt  }
0x61: {  	_ =	shalt  }
0x62: {  	_ =	shalt  }
0x63: {  	_ =	shalt  }
0x64: {  	_ =	shalt  }
0x65: {  	_ =	shalt  }
0x66: {  	_ =	shalt  }
0x67: {  	_ =	shalt  }
0x68: {  	_ =	shalt  }
0x69: {  	_ =	shalt  }
0x6a: {  	_ =	shalt  }
0x6b: {  	_ =	shalt  }
0x6c: {  	_ =	shalt  }
0x6d: {  	_ =	shalt  }
0x6e: {  	_ =	shalt  }
0x6f: {  	_ =	shalt  }
0x70: {  	_ =	shalt  }
0x71: {  	_ =	shalt  }
0x72: {  	_ =	shalt  }
0x73: {  	_ =	shalt  }
0x74: {  	_ =	shalt  }
0x75: {  	_ =	shalt  }
0x76: {  	_ =	shalt  }
0x77: {  	_ =	shalt  }
0x78: {  	_ =	shalt  }
0x79: {  	_ =	shalt  }
0x7a: {  	_ =	shalt  }
0x7b: {  	_ =	shalt  }
0x7c: {  	_ =	shalt  }
0x7d: {  	_ =	shalt  }
0x7e: {  	_ =	shalt  }
0x7f: {  	_ =	shalt  }
0x80: {  	_ =	shalt  }
0x81: {  	_ =	shalt  }
0x82: {  	_ =	shalt  }
0x83: {  	_ =	shalt  }
0x84: {  	_ =	shalt  }
0x85: {  	_ =	shalt  }
0x86: {  	_ =	shalt  }
0x87: {  	_ =	shalt  }
.Lfunc_end0:
.L_simem_size_0:
called_computation.2_lowered:
.L_overlay_start_0:
0x88: {  	s2 =	sld [smem:$0x3FD9]  }
0x89: {  	s3 =	sld [smem:$0x3FFE];
	_ =	sdelay $0x1  }
0x8a: {  	s1 =	srdreg.scid  }
0x8b: {  	s0 =	sand.u32 $0x1, s1  }
0x8c: {  	s17 =	sshll.u32 s0, $0xA;
	s2 =	sadd.s32 s3, s2  }
0x8d: {  	s2 =	sadd.s32 s2, s17  }
0x8e: {  	[smem:$0x3FBF] =	sst s2  }
0x8f: {  	_ = 	snop  }
0x90: {  	s2 =	sld [smem:$0x3FD0];
	(tm) =	ssettm $0x1  }
0x91: {  	s18 =	sld [smem:$0x3FFB];
	_ =	sdelay $0x3  }
0x92: {  	_ =	strace s18  }
0x93: {  	s3 =	sld [smem:$0x3FFC];
	_ =	sdelay $0x3  }
0x94: {  	_ =	strace s3  }
0x95: {  	s3 =	sld [smem:$0x3FFD];
	_ =	sdelay $0x3  }
0x96: {  	_ =	strace s3  }
0x97: {  	_ =	strace $0x8FFFFFFF  }
0x98: {  	s19 =	sld [smem:$0x3FDB];
	_ =	sdelay $0x1  }
0x99: {  	s4 =	simm.s32 $_scs_section_size  }
0x9a: {  	s5 =	simm.s32 $_size__tile_overlayer_lowered;
	s6 =	simm.s32 $_tile_overlayer_lowered  }
0x9b: {  	s22 =	simm.s32 $0x1BFF;
	s21 =	sshll.u32 s6, $0x1;
	s3 =	sadd.s32 s4, s19  }
0x9c: {  	s7 =	simm.s32 $0x0;
	s20 =	sshll.u32 s5, $0x1;
	s5 =	sadd.s32 s21, s3  }
0x9d: {  	[timem:s7], [sflag:s22] =	dma.local [hbm:s5], s20  }
0x9e: {  	_ =	swait.ge [sflag:s22], s20  }
0x9f: {  	s4 =	ssub.s32 $0x0, s20;
	[sflag:s22] =	ssyncset.done $0x0  }
0xa0: {  	[sflag:s22] =	ssyncadd.s32 s4;
	_ =	sdelay $0x1  }
0xa1: {  	s23 =	simm.s32 $0x1B8B  }
0xa2: {  	_ =	swait.ge [sflag:s23], $0x1  }
0xa3: {  	[sflag:s23] =	ssyncset.done $0x0  }
0xa4: {  	s25 =	simm.s32 $0x1B8E;
	s24 =	sld [smem:$0x3FFE];
	[sflag:s23] =	ssyncadd.s32 $0xFFFFFFFF  }
0xa5: {  	s26 =	simm.s32 $execute0_lowered;
	[smem:$0x3FD2] =	sst s25  }
0xa6: {  	s5 =	sshll.u32 s26, $0x1;
	_ =	strace $0x80000046;
	[dreg:$0x1] =	wrdreg $0xFFFFFFFF  }
0xa7: {  	s28 =	simm.s32 $_size_execute0_lowered;
	s3 =	sadd.s32 s3, s5;
	[dreg:$0x0] =	wrdreg $0x0  }
0xa8: {  	s5 =	sshll.u32 s28, $0x1;
	[dreg:$0x2] =	wrdreg s3  }
0xa9: {  	[dreg:$0x3] =	wrdreg s5  }
0xaa: {  	[dreg:$0x4] =	wrdreg $0xC0  }
0xab: {  	_ =	task [dreg:s7], $0x5FFFF  }
0xac: {  	[dreg:$0x1] =	wrdreg $0xFFFFFFFF  }
0xad: {  	[dreg:$0x0] =	wrdreg $0x60  }
0xae: {  	[dreg:$0x2] =	wrdreg s2  }
0xaf: {  	[dreg:$0x3] =	wrdreg s24  }
0xb0: {  	[dreg:$0x4] =	wrdreg $0x85000  }
0xb1: {  	[dreg:$0x5] =	wrdreg $0xB  }
0xb2: {  	_ =	task.clear_ibuf [dreg:s7], $0x6FFFF;
	_ =	strace $0x90000046  }
0xb3: {  	s29 =	simm.s32 $0xB;
	_ =	strace $0x80000048  }
0xb4: {  	_ =	swait.ge [sflag:s29], $0x1  }
0xb5: {  	[sflag:s29] =	ssyncadd.s32 $0xFFFFFFFF  }
0xb6: {  	_ =	strace $0x90000048  }
0xb7: {  	_ =	sfence  }
0xb8: {  	s30 =	sld [smem:$0x0];
	_ =	sdelay $0x2  }
0xb9: {  	s31 =	sshll.u32 s1, $0xD;
	s1 =	sshrl.u32 s1, $0x2  }
0xba: {  	s3 =	sand.u32 $0x4000, s31;
	s1 =	sadd.s32 s1, s30  }
0xbb: {  	s0 =	sor.u32 s3, s0;
	s1 =	sshll.u32 s1, $0x11  }
0xbc: {  	s0 =	sor.u32 s1, s0  }
0xbd: {  	s0 =	sadd.s32 $0x8F2B, s0  }
0xbe: {  	[sflag:s0] =	ssyncadd.remote.s32 $0x1  }
0xbf: {  	_ =	sfence.sel $0xFFFF  }
0xc0: {  	[dreg:$0x0] =	wrdreg $0xFFFFFFFF;
	(pc) =	sbr.abs _section_cstart, $3  }
0xc1: {  	[dreg:$0x1] =	wrdreg $0xFFFFFFFF  }
0xc2: {  	_ =	task.clear_ibuf [dreg:s7], $0x2FFFF;
	_ =	strace $0x9FFFFFFF  }
0xc3: {  	(tm) =	ssettm $0x7FFFFFFF  }
tec
execute0_lowered:
.L_overlay_start_1:
0x0: {  	(tag) =	ssettag $0x1  }
0x1: {  	s0 =	rddreg [dreg:$0x0]  }
0x2: {  	s3 =	rddreg [dreg:$0x1]  }
0x3: {  	s24 =	srdreg.scid;
	s2 =	rddreg [dreg:$0x2]  }
0x4: {  	s5 =	stileid.u32;
	s30 =	rddreg [dreg:$0x3];
	s9 =	simm.s32 $0x500  }
0x5: {  	s12 =	simm.s32 $0x1;
	s10 =	simm.s32 $0x2;
	s23 =	simm.s32 $0x200  }
0x6: {  	s21 =	simm.s32 $0x280;
	s20 =	simm.s32 $0x300;
	p1 =	por $0x0, $0x0  }
0x7: {  	s19 =	simm.s32 $0x380;
	s17 =	simm.s32 $0x400;
	s15 =	simm.s32 $0x480  }
0x8: {  	[dreg:$0x4] =	wrdreg s0;
	s0 =	sand.u32 $0x1, s24;
	s1 =	sshll.u32 s5, $0x1  }
0x9: {  	p0 =	sne.s32 s5, $0x0;
	s5 =	simm.s32 $0x4500;
	s4 =	sor.u32 s0, s1  }
0xa: {  	s24 =	simm.s32 $0x180;
	s1 =	simm.s32 $0x0;
	s6 =	smul.u32 $0xA0, s4  }
0xb: {  	s0 =	ssub.s32 $0x2, s0;
	s28 =	sshrl.u32 @!p0 s2, $0x3;
	s7 =	smul.u32 $0x28000, s4  }
0xc: {  	[smem:$0x7FF] =	sst s1;
	s8 =	sshrl.u32 s0, $0x1;
	s4 =	smul.u32 $0x5000, s4  }
0xd: {  	_ =	strace $0x80000047;
	s0 =	ssub.s32 s0, s8;
	s8 =	simm.s32 $0x80  }
0xe: {  	s6 =	sadd.s32 s6, s3;
	s3 =	sadd.s32 $0x6600, s3;
	s7 =	sshrl.u32 s7, $0x3  }
0xf: {  	s0 =	smax.u32 s0, $0x1;
	s6 =	sadd.s32 $0x3E00, s6;
	s25 =	sadd.s32 s3, s4  }
0x10: {  	s22 =	sadd.s32 s3, s7;
	s31 =	sadd.s32 $0xFFFFFFFF, s0;
	s0 =	rddreg [dreg:$0x4]  }
0x11: {  	s7 =	simm.s32 $0x3;
	[dreg:$0x5] =	wrdreg s6;
	p2 =	sne.s32 s31, $0x0  }
.Ltmp0:
0x12: {  	s26 =	sadd.s32 $0x800, s25;
	s29 =	sadd.s32 $0x1000, s22;
	(pc) =	sbr.rel @!p2 .LBB2_5-.Ltmp0, $4  }
0x13: {  	s18 =	sadd.s32 $0x1800, s25;
	s16 =	sadd.s32 $0x2000, s22;
	s14 =	sadd.s32 $0x2800, s25  }
0x14: {  	s13 =	sadd.s32 $0x3000, s22;
	s11 =	sadd.s32 $0x3800, s25;
	s4 =	sadd.s32 $0x4000, s22  }
0x15: {  	s3 =	sadd.s32 $0x4800, s25;
	s25 =	simm.s32 $0x100;
	[dreg:$0x6] =	wrdreg s26  }
0x16: {  	s6 =	simm.s32 $0x4;
	[dreg:$0x7] =	wrdreg s29;
	s26 =	simm.s32 $0x5  }
0x17: {  	s29 =	simm.s32 @!p0 $0x1C05;
	s30 =	simm.s32 @!p0 $0x5  }
0x18: {  	[spmem:s28], [sflag:s29] =	dma.local @!p0 [hbm:s0], $0x8000  }
0x19: {  	_ =	swait.ge @!p0 [sflag:s30], $0x8000  }
0x1a: {  	[sflag:s30] =	ssyncset.done @!p0 $0x0  }
0x1b: {  	s0 =	rddreg [dreg:$0x5];
	[sflag:s30] =	ssyncadd.s32 @!p0 $0xFFFF8000  }
0x1c: {  	[tilespmem:s1], [sflag:$0x5] =	stream.linear.gather [hbm4b:s0+s1], $0x500, $0x38;
	[tilespmem:$0xC500] =	vst v63  }
0x1d: {  	_ =	swait.ge [sflag:s26], $0x500  }
0x1e: {  	[sflag:s26] =	ssyncset.done $0x0  }
0x1f: {  	[sflag:s26] =	ssyncadd.s32 $0xFFFFFB00  }
0x20: {  	[bflag:$0x0] =	sbarrier.arrive $0xFFFF  }
0x21: {  	[tilespmem:s9], [sflag:$0x1] =	stream.indirect.gather [spmem:s2], $0x80, s1, s8, $0xb8;
	[tilespmem:$0xC500] =	vst v63  }
0x22: {  	_ =	swait.ge [sflag:s12], $0x4000  }
0x23: {  	[sflag:s12] =	ssyncset.done $0x0  }
0x24: {  	[sflag:s12] =	ssyncadd.s32 $0xFFFFC000  }
0x25: {  	[tilespmem:s5], [sflag:$0x2] =	stream.indirect.gather [spmem:s2], $0x80, s8, s8, $0xb8;
	[tilespmem:$0xC500] =	vst v63  }
0x26: {  	_ = 	snop  }
0x27: {  	[hbm4b:s22+s1] =	stream.linear.scatter [tilespmem:s9], [sflag:$0x3], $0x4000, $0x38;
	[tilespmem:$0xC500] =	vst v63  }
0x28: {  	_ =	swait.ge [sflag:s10], $0x4000  }
0x29: {  	[sflag:s10] =	ssyncset.done $0x0  }
0x2a: {  	[sflag:s10] =	ssyncadd.s32 $0xFFFFC000  }
0x2b: {  	_ =	swait.ge [sflag:s7], $0x4000  }
0x2c: {  	[sflag:s7] =	ssyncset.done $0x0  }
0x2d: {  	[sflag:s7] =	ssyncadd.s32 $0xFFFFC000  }
0x2e: {  	[tilespmem:s9], [sflag:$0x1] =	stream.indirect.gather [spmem:s2], $0x80, s25, s8, $0xb8;
	[tilespmem:$0xC500] =	vst v63  }
0x2f: {  	s0 =	rddreg [dreg:$0x6]  }
0x30: {  	[hbm4b:s0+s1] =	stream.linear.scatter [tilespmem:s5], [sflag:$0x4], $0x4000, $0x38;
	[tilespmem:$0xC500] =	vst v63  }
0x31: {  	_ =	swait.ge [sflag:s12], $0x4000  }
0x32: {  	[sflag:s12] =	ssyncset.done $0x0  }
0x33: {  	[sflag:s12] =	ssyncadd.s32 $0xFFFFC000  }
0x34: {  	_ =	swait.ge [sflag:s6], $0x4000  }
0x35: {  	[sflag:s6] =	ssyncset.done $0x0  }
0x36: {  	[sflag:s6] =	ssyncadd.s32 $0xFFFFC000  }
0x37: {  	[tilespmem:s5], [sflag:$0x2] =	stream.indirect.gather [spmem:s2], $0x80, s24, s8, $0xb8;
	[tilespmem:$0xC500] =	vst v63  }
0x38: {  	s0 =	rddreg [dreg:$0x7]  }
0x39: {  	[hbm4b:s0+s1] =	stream.linear.scatter [tilespmem:s9], [sflag:$0x3], $0x4000, $0x38;
	[tilespmem:$0xC500] =	vst v63  }
0x3a: {  	_ =	swait.ge [sflag:s10], $0x4000  }
0x3b: {  	[sflag:s10] =	ssyncset.done $0x0  }
0x3c: {  	[sflag:s10] =	ssyncadd.s32 $0xFFFFC000  }
0x3d: {  	_ =	swait.ge [sflag:s7], $0x4000  }
0x3e: {  	[sflag:s7] =	ssyncset.done $0x0  }
0x3f: {  	[sflag:s7] =	ssyncadd.s32 $0xFFFFC000  }
0x40: {  	[tilespmem:s9], [sflag:$0x1] =	stream.indirect.gather [spmem:s2], $0x80, s23, s8, $0xb8;
	[tilespmem:$0xC500] =	vst v63  }
0x41: {  	_ = 	snop  }
0x42: {  	[hbm4b:s18+s1] =	stream.linear.scatter [tilespmem:s5], [sflag:$0x4], $0x4000, $0x38;
	[tilespmem:$0xC500] =	vst v63  }
0x43: {  	_ =	swait.ge [sflag:s12], $0x4000  }
0x44: {  	[sflag:s12] =	ssyncset.done $0x0  }
0x45: {  	[sflag:s12] =	ssyncadd.s32 $0xFFFFC000  }
0x46: {  	_ =	swait.ge [sflag:s6], $0x4000  }
0x47: {  	[sflag:s6] =	ssyncset.done $0x0  }
0x48: {  	[sflag:s6] =	ssyncadd.s32 $0xFFFFC000  }
0x49: {  	[tilespmem:s5], [sflag:$0x2] =	stream.indirect.gather [spmem:s2], $0x80, s21, s8, $0xb8;
	[tilespmem:$0xC500] =	vst v63  }
0x4a: {  	_ = 	snop  }
0x4b: {  	[hbm4b:s16+s1] =	stream.linear.scatter [tilespmem:s9], [sflag:$0x3], $0x4000, $0x38;
	[tilespmem:$0xC500] =	vst v63  }
0x4c: {  	_ =	swait.ge [sflag:s10], $0x4000  }
0x4d: {  	[sflag:s10] =	ssyncset.done $0x0  }
0x4e: {  	[sflag:s10] =	ssyncadd.s32 $0xFFFFC000  }
0x4f: {  	_ =	swait.ge [sflag:s7], $0x4000  }
0x50: {  	[sflag:s7] =	ssyncset.done $0x0  }
0x51: {  	[sflag:s7] =	ssyncadd.s32 $0xFFFFC000  }
0x52: {  	[tilespmem:s9], [sflag:$0x1] =	stream.indirect.gather [spmem:s2], $0x80, s20, s8, $0xb8;
	[tilespmem:$0xC500] =	vst v63  }
0x53: {  	_ = 	snop  }
0x54: {  	[hbm4b:s14+s1] =	stream.linear.scatter [tilespmem:s5], [sflag:$0x4], $0x4000, $0x38;
	[tilespmem:$0xC500] =	vst v63  }
0x55: {  	_ =	swait.ge [sflag:s12], $0x4000  }
0x56: {  	[sflag:s12] =	ssyncset.done $0x0  }
0x57: {  	[sflag:s12] =	ssyncadd.s32 $0xFFFFC000  }
0x58: {  	_ =	swait.ge [sflag:s6], $0x4000  }
0x59: {  	[sflag:s6] =	ssyncset.done $0x0  }
0x5a: {  	[sflag:s6] =	ssyncadd.s32 $0xFFFFC000  }
0x5b: {  	[tilespmem:s5], [sflag:$0x2] =	stream.indirect.gather [spmem:s2], $0x80, s19, s8, $0xb8;
	[tilespmem:$0xC500] =	vst v63  }
0x5c: {  	_ = 	snop  }
0x5d: {  	[hbm4b:s13+s1] =	stream.linear.scatter [tilespmem:s9], [sflag:$0x3], $0x4000, $0x38;
	[tilespmem:$0xC500] =	vst v63  }
0x5e: {  	_ =	swait.ge [sflag:s10], $0x4000  }
0x5f: {  	[sflag:s10] =	ssyncset.done $0x0  }
0x60: {  	[sflag:s10] =	ssyncadd.s32 $0xFFFFC000  }
0x61: {  	_ =	swait.ge [sflag:s7], $0x4000  }
0x62: {  	[sflag:s7] =	ssyncset.done $0x0  }
0x63: {  	[sflag:s7] =	ssyncadd.s32 $0xFFFFC000  }
0x64: {  	[tilespmem:s9], [sflag:$0x1] =	stream.indirect.gather [spmem:s2], $0x80, s17, s8, $0xb8;
	[tilespmem:$0xC500] =	vst v63  }
0x65: {  	_ = 	snop  }
0x66: {  	[hbm4b:s11+s1] =	stream.linear.scatter [tilespmem:s5], [sflag:$0x4], $0x4000, $0x38;
	[tilespmem:$0xC500] =	vst v63  }
0x67: {  	_ =	swait.ge [sflag:s12], $0x4000  }
0x68: {  	[sflag:s12] =	ssyncset.done $0x0  }
0x69: {  	[sflag:s12] =	ssyncadd.s32 $0xFFFFC000  }
0x6a: {  	_ =	swait.ge [sflag:s6], $0x4000  }
0x6b: {  	[sflag:s6] =	ssyncset.done $0x0  }
0x6c: {  	[sflag:s6] =	ssyncadd.s32 $0xFFFFC000  }
0x6d: {  	[tilespmem:s5], [sflag:$0x2] =	stream.indirect.gather [spmem:s2], $0x80, s15, s8, $0xb8;
	[tilespmem:$0xC500] =	vst v63  }
0x6e: {  	_ = 	snop  }
0x6f: {  	[hbm4b:s4+s1] =	stream.linear.scatter [tilespmem:s9], [sflag:$0x3], $0x4000, $0x38;
	[tilespmem:$0xC500] =	vst v63  }
0x70: {  	_ =	swait.ge [sflag:s10], $0x4000  }
0x71: {  	[sflag:s10] =	ssyncset.done $0x0  }
0x72: {  	s31 =	sadd.s32 $0xFFFFFFFF, s31;
	[sflag:s10] =	ssyncadd.s32 $0xFFFFC000  }
0x73: {  	p2 =	sne.s32 s31, $0x0;
	_ =	swait.ge [sflag:s7], $0x4000  }
.Ltmp1:
0x74: {  	[sflag:s7] =	ssyncset.done $0x0;
	(pc) =	sbr.rel @!p2 .LBB2_2-.Ltmp1, $4  }
0x75: {  	[sflag:s7] =	ssyncadd.s32 $0xFFFFC000  }
0x76: {  	[hbm4b:s3+s1] =	stream.linear.scatter [tilespmem:s5], [sflag:$0x4], $0x4000, $0x38;
	[tilespmem:$0xC500] =	vst v63  }
0x77: {  	_ =	swait.ge [sflag:s6], $0x4000  }
0x78: {  	p1 =	por $0x1, $0x1;
	s0 =	rddreg [dreg:$0x4];
	[sflag:s6] =	ssyncset.done $0x0  }
.LBB2_3:
0x79: {  	[sflag:s6] =	ssyncadd.s32 $0xFFFFC000  }
0x7a: {  	[spmem:s28], [sflag:s29] =	dma.local @!p0 [hbm:s0], $0x8000  }
0x7b: {  	_ =	swait.ge @!p0 [sflag:s30], $0x8000  }
0x7c: {  	[sflag:s30] =	ssyncset.done @!p0 $0x0  }
0x7d: {  	s0 =	rddreg [dreg:$0x5];
	[sflag:s30] =	ssyncadd.s32 @!p0 $0xFFFF8000  }
0x7e: {  	[tilespmem:s1], [sflag:$0x5] =	stream.linear.gather [hbm4b:s0+s1], $0x500, $0x38;
	[tilespmem:$0xC500] =	vst v63  }
0x7f: {  	_ =	swait.ge [sflag:s26], $0x500  }
0x80: {  	[sflag:s26] =	ssyncset.done $0x0  }
0x81: {  	[sflag:s26] =	ssyncadd.s32 $0xFFFFFB00  }
0x82: {  	[bflag:$0x0] =	sbarrier.arrive $0xFFFF  }
0x83: {  	[tilespmem:s9], [sflag:$0x1] =	stream.indirect.gather [spmem:s2], $0x80, s1, s8, $0xb8;
	[tilespmem:$0xC500] =	vst v63  }
0x84: {  	_ =	swait.ge [sflag:s12], $0x4000  }
0x85: {  	[sflag:s12] =	ssyncset.done $0x0  }
0x86: {  	[sflag:s12] =	ssyncadd.s32 $0xFFFFC000  }
0x87: {  	[tilespmem:s5], [sflag:$0x2] =	stream.indirect.gather [spmem:s2], $0x80, s8, s8, $0xb8;
	[tilespmem:$0xC500] =	vst v63  }
0x88: {  	_ = 	snop  }
0x89: {  	[hbm4b:s22+s1] =	stream.linear.scatter [tilespmem:s9], [sflag:$0x3], $0x4000, $0x38;
	[tilespmem:$0xC500] =	vst v63  }
0x8a: {  	_ =	swait.ge [sflag:s10], $0x4000  }
0x8b: {  	[sflag:s10] =	ssyncset.done $0x0  }
0x8c: {  	[sflag:s10] =	ssyncadd.s32 $0xFFFFC000  }
0x8d: {  	_ =	swait.ge [sflag:s7], $0x4000  }
0x8e: {  	[sflag:s7] =	ssyncset.done $0x0  }
0x8f: {  	[sflag:s7] =	ssyncadd.s32 $0xFFFFC000  }
0x90: {  	[tilespmem:s9], [sflag:$0x1] =	stream.indirect.gather [spmem:s2], $0x80, s25, s8, $0xb8;
	[tilespmem:$0xC500] =	vst v63  }
0x91: {  	s0 =	rddreg [dreg:$0x6]  }
0x92: {  	[hbm4b:s0+s1] =	stream.linear.scatter [tilespmem:s5], [sflag:$0x4], $0x4000, $0x38;
	[tilespmem:$0xC500] =	vst v63  }
0x93: {  	_ =	swait.ge [sflag:s12], $0x4000  }
0x94: {  	[sflag:s12] =	ssyncset.done $0x0  }
0x95: {  	[sflag:s12] =	ssyncadd.s32 $0xFFFFC000  }
0x96: {  	_ =	swait.ge [sflag:s6], $0x4000  }
0x97: {  	[sflag:s6] =	ssyncset.done $0x0  }
0x98: {  	[sflag:s6] =	ssyncadd.s32 $0xFFFFC000  }
0x99: {  	[tilespmem:s5], [sflag:$0x2] =	stream.indirect.gather [spmem:s2], $0x80, s24, s8, $0xb8;
	[tilespmem:$0xC500] =	vst v63  }
0x9a: {  	s0 =	rddreg [dreg:$0x7]  }
0x9b: {  	[hbm4b:s0+s1] =	stream.linear.scatter [tilespmem:s9], [sflag:$0x3], $0x4000, $0x38;
	[tilespmem:$0xC500] =	vst v63  }
0x9c: {  	_ =	swait.ge [sflag:s10], $0x4000  }
0x9d: {  	[sflag:s10] =	ssyncset.done $0x0  }
0x9e: {  	[sflag:s10] =	ssyncadd.s32 $0xFFFFC000  }
0x9f: {  	_ =	swait.ge [sflag:s7], $0x4000  }
0xa0: {  	[sflag:s7] =	ssyncset.done $0x0  }
0xa1: {  	[sflag:s7] =	ssyncadd.s32 $0xFFFFC000  }
0xa2: {  	[tilespmem:s9], [sflag:$0x1] =	stream.indirect.gather [spmem:s2], $0x80, s23, s8, $0xb8;
	[tilespmem:$0xC500] =	vst v63  }
0xa3: {  	_ = 	snop  }
0xa4: {  	[hbm4b:s18+s1] =	stream.linear.scatter [tilespmem:s5], [sflag:$0x4], $0x4000, $0x38;
	[tilespmem:$0xC500] =	vst v63  }
0xa5: {  	_ =	swait.ge [sflag:s12], $0x4000  }
0xa6: {  	[sflag:s12] =	ssyncset.done $0x0  }
0xa7: {  	[sflag:s12] =	ssyncadd.s32 $0xFFFFC000  }
0xa8: {  	_ =	swait.ge [sflag:s6], $0x4000  }
0xa9: {  	[sflag:s6] =	ssyncset.done $0x0  }
0xaa: {  	[sflag:s6] =	ssyncadd.s32 $0xFFFFC000  }
0xab: {  	[tilespmem:s5], [sflag:$0x2] =	stream.indirect.gather [spmem:s2], $0x80, s21, s8, $0xb8;
	[tilespmem:$0xC500] =	vst v63  }
0xac: {  	_ = 	snop  }
0xad: {  	[hbm4b:s16+s1] =	stream.linear.scatter [tilespmem:s9], [sflag:$0x3], $0x4000, $0x38;
	[tilespmem:$0xC500] =	vst v63  }
0xae: {  	_ =	swait.ge [sflag:s10], $0x4000  }
0xaf: {  	[sflag:s10] =	ssyncset.done $0x0  }
0xb0: {  	[sflag:s10] =	ssyncadd.s32 $0xFFFFC000  }
0xb1: {  	_ =	swait.ge [sflag:s7], $0x4000  }
0xb2: {  	[sflag:s7] =	ssyncset.done $0x0  }
0xb3: {  	[sflag:s7] =	ssyncadd.s32 $0xFFFFC000  }
0xb4: {  	[tilespmem:s9], [sflag:$0x1] =	stream.indirect.gather [spmem:s2], $0x80, s20, s8, $0xb8;
	[tilespmem:$0xC500] =	vst v63  }
0xb5: {  	_ = 	snop  }
0xb6: {  	[hbm4b:s14+s1] =	stream.linear.scatter [tilespmem:s5], [sflag:$0x4], $0x4000, $0x38;
	[tilespmem:$0xC500] =	vst v63  }
0xb7: {  	_ =	swait.ge [sflag:s12], $0x4000  }
0xb8: {  	[sflag:s12] =	ssyncset.done $0x0  }
0xb9: {  	[sflag:s12] =	ssyncadd.s32 $0xFFFFC000  }
0xba: {  	_ =	swait.ge [sflag:s6], $0x4000  }
0xbb: {  	[sflag:s6] =	ssyncset.done $0x0  }
0xbc: {  	[sflag:s6] =	ssyncadd.s32 $0xFFFFC000  }
0xbd: {  	[tilespmem:s5], [sflag:$0x2] =	stream.indirect.gather [spmem:s2], $0x80, s19, s8, $0xb8;
	[tilespmem:$0xC500] =	vst v63  }
0xbe: {  	_ = 	snop  }
0xbf: {  	[hbm4b:s13+s1] =	stream.linear.scatter [tilespmem:s9], [sflag:$0x3], $0x4000, $0x38;
	[tilespmem:$0xC500] =	vst v63  }
0xc0: {  	_ =	swait.ge [sflag:s10], $0x4000  }
0xc1: {  	[sflag:s10] =	ssyncset.done $0x0  }
0xc2: {  	[sflag:s10] =	ssyncadd.s32 $0xFFFFC000  }
0xc3: {  	_ =	swait.ge [sflag:s7], $0x4000  }
0xc4: {  	[sflag:s7] =	ssyncset.done $0x0  }
0xc5: {  	[sflag:s7] =	ssyncadd.s32 $0xFFFFC000  }
0xc6: {  	[tilespmem:s9], [sflag:$0x1] =	stream.indirect.gather [spmem:s2], $0x80, s17, s8, $0xb8;
	[tilespmem:$0xC500] =	vst v63  }
0xc7: {  	_ = 	snop  }
0xc8: {  	[hbm4b:s11+s1] =	stream.linear.scatter [tilespmem:s5], [sflag:$0x4], $0x4000, $0x38;
	[tilespmem:$0xC500] =	vst v63  }
0xc9: {  	_ =	swait.ge [sflag:s12], $0x4000  }
0xca: {  	[sflag:s12] =	ssyncset.done $0x0  }
0xcb: {  	[sflag:s12] =	ssyncadd.s32 $0xFFFFC000  }
0xcc: {  	_ =	swait.ge [sflag:s6], $0x4000  }
0xcd: {  	[sflag:s6] =	ssyncset.done $0x0  }
0xce: {  	[sflag:s6] =	ssyncadd.s32 $0xFFFFC000  }
0xcf: {  	[tilespmem:s5], [sflag:$0x2] =	stream.indirect.gather [spmem:s2], $0x80, s15, s8, $0xb8;
	[tilespmem:$0xC500] =	vst v63  }
0xd0: {  	_ = 	snop  }
0xd1: {  	[hbm4b:s4+s1] =	stream.linear.scatter [tilespmem:s9], [sflag:$0x3], $0x4000, $0x38;
	[tilespmem:$0xC500] =	vst v63  }
0xd2: {  	_ =	swait.ge [sflag:s10], $0x4000  }
0xd3: {  	[sflag:s10] =	ssyncset.done $0x0  }
0xd4: {  	s31 =	sadd.s32 $0xFFFFFFFF, s31;
	[sflag:s10] =	ssyncadd.s32 $0xFFFFC000  }
0xd5: {  	p2 =	sne.s32 s31, $0x0;
	_ =	swait.ge [sflag:s7], $0x4000  }
.Ltmp2:
0xd6: {  	[sflag:s7] =	ssyncset.done $0x0;
	(pc) =	sbr.rel @p2 .LBB2_3-.Ltmp2, $4  }
0xd7: {  	[sflag:s7] =	ssyncadd.s32 $0xFFFFC000  }
0xd8: {  	[hbm4b:s3+s1] =	stream.linear.scatter [tilespmem:s5], [sflag:$0x4], $0x4000, $0x38;
	[tilespmem:$0xC500] =	vst v63  }
0xd9: {  	_ =	swait.ge [sflag:s6], $0x4000  }
0xda: {  	s0 =	rddreg [dreg:$0x4];
	[sflag:s6] =	ssyncset.done $0x0  }
0xdb: {  	s30 =	rddreg [dreg:$0x3]  }
.LBB2_5:
0xdc: {  	[sflag:s6] =	ssyncadd.s32 @p1 $0xFFFFC000;
	s29 =	simm.s32 @!p0 $0x1C05  }
0xdd: {  	[spmem:s28], [sflag:s29] =	dma.local @!p0 [hbm:s0], $0x8000  }
0xde: {  	s0 =	simm.s32 @!p0 $0x5  }
0xdf: {  	_ =	swait.ge @!p0 [sflag:s0], $0x8000  }
0xe0: {  	[sflag:s0] =	ssyncset.done @!p0 $0x0  }
0xe1: {  	s31 =	rddreg [dreg:$0x5];
	[sflag:s0] =	ssyncadd.s32 @!p0 $0xFFFF8000  }
0xe2: {  	[tilespmem:s1], [sflag:$0x5] =	stream.linear.gather [hbm4b:s31+s1], $0x500, $0x38;
	[tilespmem:$0xC500] =	vst v63  }
0xe3: {  	_ =	swait.ge [sflag:s26], $0x500  }
0xe4: {  	[sflag:s26] =	ssyncset.done $0x0  }
0xe5: {  	[sflag:s26] =	ssyncadd.s32 $0xFFFFFB00  }
0xe6: {  	[bflag:$0x0] =	sbarrier.arrive $0xFFFF  }
0xe7: {  	[tilespmem:s9], [sflag:$0x1] =	stream.indirect.gather [spmem:s2], $0x80, s1, s8, $0xb8;
	[tilespmem:$0xC500] =	vst v63  }
0xe8: {  	_ =	swait.ge [sflag:s12], $0x4000  }
0xe9: {  	[sflag:s12] =	ssyncset.done $0x0  }
0xea: {  	[sflag:s12] =	ssyncadd.s32 $0xFFFFC000  }
0xeb: {  	[tilespmem:s5], [sflag:$0x2] =	stream.indirect.gather [spmem:s2], $0x80, s8, s8, $0xb8;
	[tilespmem:$0xC500] =	vst v63  }
0xec: {  	_ = 	snop  }
0xed: {  	[hbm4b:s22+s1] =	stream.linear.scatter [tilespmem:s9], [sflag:$0x3], $0x4000, $0x38;
	[tilespmem:$0xC500] =	vst v63  }
0xee: {  	_ =	swait.ge [sflag:s10], $0x4000  }
0xef: {  	[sflag:s10] =	ssyncset.done $0x0  }
0xf0: {  	[sflag:s10] =	ssyncadd.s32 $0xFFFFC000  }
0xf1: {  	_ =	swait.ge [sflag:s7], $0x4000  }
0xf2: {  	[sflag:s7] =	ssyncset.done $0x0  }
0xf3: {  	[sflag:s7] =	ssyncadd.s32 $0xFFFFC000  }
0xf4: {  	[tilespmem:s9], [sflag:$0x1] =	stream.indirect.gather [spmem:s2], $0x80, s25, s8, $0xb8;
	[tilespmem:$0xC500] =	vst v63  }
0xf5: {  	s29 =	rddreg [dreg:$0x6]  }
0xf6: {  	[hbm4b:s29+s1] =	stream.linear.scatter [tilespmem:s5], [sflag:$0x4], $0x4000, $0x38;
	[tilespmem:$0xC500] =	vst v63  }
0xf7: {  	_ =	swait.ge [sflag:s12], $0x4000  }
0xf8: {  	[sflag:s12] =	ssyncset.done $0x0  }
0xf9: {  	[sflag:s12] =	ssyncadd.s32 $0xFFFFC000  }
0xfa: {  	_ =	swait.ge [sflag:s6], $0x4000  }
0xfb: {  	[sflag:s6] =	ssyncset.done $0x0  }
0xfc: {  	[sflag:s6] =	ssyncadd.s32 $0xFFFFC000  }
0xfd: {  	[tilespmem:s5], [sflag:$0x2] =	stream.indirect.gather [spmem:s2], $0x80, s24, s8, $0xb8;
	[tilespmem:$0xC500] =	vst v63  }
0xfe: {  	s31 =	rddreg [dreg:$0x7]  }
0xff: {  	[hbm4b:s31+s1] =	stream.linear.scatter [tilespmem:s9], [sflag:$0x3], $0x4000, $0x38;
	[tilespmem:$0xC500] =	vst v63  }
0x100: {  	_ =	swait.ge [sflag:s10], $0x4000  }
0x101: {  	[sflag:s10] =	ssyncset.done $0x0  }
0x102: {  	[sflag:s10] =	ssyncadd.s32 $0xFFFFC000  }
0x103: {  	_ =	swait.ge [sflag:s7], $0x4000  }
0x104: {  	[sflag:s7] =	ssyncset.done $0x0  }
0x105: {  	[sflag:s7] =	ssyncadd.s32 $0xFFFFC000  }
0x106: {  	[tilespmem:s9], [sflag:$0x1] =	stream.indirect.gather [spmem:s2], $0x80, s23, s8, $0xb8;
	[tilespmem:$0xC500] =	vst v63  }
0x107: {  	_ = 	snop  }
0x108: {  	[hbm4b:s18+s1] =	stream.linear.scatter [tilespmem:s5], [sflag:$0x4], $0x4000, $0x38;
	[tilespmem:$0xC500] =	vst v63  }
0x109: {  	_ =	swait.ge [sflag:s12], $0x4000  }
0x10a: {  	[sflag:s12] =	ssyncset.done $0x0  }
0x10b: {  	[sflag:s12] =	ssyncadd.s32 $0xFFFFC000  }
0x10c: {  	_ =	swait.ge [sflag:s6], $0x4000  }
0x10d: {  	[sflag:s6] =	ssyncset.done $0x0  }
0x10e: {  	[sflag:s6] =	ssyncadd.s32 $0xFFFFC000  }
0x10f: {  	[tilespmem:s5], [sflag:$0x2] =	stream.indirect.gather [spmem:s2], $0x80, s21, s8, $0xb8;
	[tilespmem:$0xC500] =	vst v63  }
0x110: {  	_ = 	snop  }
0x111: {  	[hbm4b:s16+s1] =	stream.linear.scatter [tilespmem:s9], [sflag:$0x3], $0x4000, $0x38;
	[tilespmem:$0xC500] =	vst v63  }
0x112: {  	_ =	swait.ge [sflag:s10], $0x4000  }
0x113: {  	[sflag:s10] =	ssyncset.done $0x0  }
0x114: {  	[sflag:s10] =	ssyncadd.s32 $0xFFFFC000  }
0x115: {  	_ =	swait.ge [sflag:s7], $0x4000  }
0x116: {  	[sflag:s7] =	ssyncset.done $0x0  }
0x117: {  	[sflag:s7] =	ssyncadd.s32 $0xFFFFC000  }
0x118: {  	[tilespmem:s9], [sflag:$0x1] =	stream.indirect.gather [spmem:s2], $0x80, s20, s8, $0xb8;
	[tilespmem:$0xC500] =	vst v63  }
0x119: {  	_ = 	snop  }
0x11a: {  	[hbm4b:s14+s1] =	stream.linear.scatter [tilespmem:s5], [sflag:$0x4], $0x4000, $0x38;
	[tilespmem:$0xC500] =	vst v63  }
0x11b: {  	_ =	swait.ge [sflag:s12], $0x4000  }
0x11c: {  	[sflag:s12] =	ssyncset.done $0x0  }
0x11d: {  	[sflag:s12] =	ssyncadd.s32 $0xFFFFC000  }
0x11e: {  	_ =	swait.ge [sflag:s6], $0x4000  }
0x11f: {  	[sflag:s6] =	ssyncset.done $0x0  }
0x120: {  	[sflag:s6] =	ssyncadd.s32 $0xFFFFC000  }
0x121: {  	[tilespmem:s5], [sflag:$0x2] =	stream.indirect.gather [spmem:s2], $0x80, s19, s8, $0xb8;
	[tilespmem:$0xC500] =	vst v63  }
0x122: {  	_ = 	snop  }
0x123: {  	[hbm4b:s13+s1] =	stream.linear.scatter [tilespmem:s9], [sflag:$0x3], $0x4000, $0x38;
	[tilespmem:$0xC500] =	vst v63  }
0x124: {  	_ =	swait.ge [sflag:s10], $0x4000  }
0x125: {  	[sflag:s10] =	ssyncset.done $0x0  }
0x126: {  	[sflag:s10] =	ssyncadd.s32 $0xFFFFC000  }
0x127: {  	_ =	swait.ge [sflag:s7], $0x4000  }
0x128: {  	[sflag:s7] =	ssyncset.done $0x0  }
0x129: {  	[sflag:s7] =	ssyncadd.s32 $0xFFFFC000  }
0x12a: {  	[tilespmem:s9], [sflag:$0x1] =	stream.indirect.gather [spmem:s2], $0x80, s17, s8, $0xb8;
	[tilespmem:$0xC500] =	vst v63  }
0x12b: {  	_ = 	snop  }
0x12c: {  	[hbm4b:s11+s1] =	stream.linear.scatter [tilespmem:s5], [sflag:$0x4], $0x4000, $0x38;
	[tilespmem:$0xC500] =	vst v63  }
0x12d: {  	_ =	swait.ge [sflag:s12], $0x4000  }
0x12e: {  	[sflag:s12] =	ssyncset.done $0x0  }
0x12f: {  	[sflag:s12] =	ssyncadd.s32 $0xFFFFC000  }
0x130: {  	_ =	swait.ge [sflag:s6], $0x4000  }
0x131: {  	[sflag:s6] =	ssyncset.done $0x0  }
0x132: {  	[sflag:s6] =	ssyncadd.s32 $0xFFFFC000  }
0x133: {  	[tilespmem:s5], [sflag:$0x2] =	stream.indirect.gather [spmem:s2], $0x80, s15, s8, $0xb8;
	[tilespmem:$0xC500] =	vst v63  }
0x134: {  	_ = 	snop  }
0x135: {  	[hbm4b:s4+s1] =	stream.linear.scatter [tilespmem:s9], [sflag:$0x3], $0x4000, $0x38;
	[tilespmem:$0xC500] =	vst v63  }
0x136: {  	_ =	swait.ge [sflag:s10], $0x4000  }
0x137: {  	[sflag:s10] =	ssyncset.done $0x0  }
0x138: {  	[sflag:s10] =	ssyncadd.s32 $0xFFFFC000  }
0x139: {  	_ =	swait.ge [sflag:s7], $0x4000  }
0x13a: {  	[sflag:s7] =	ssyncset.done $0x0  }
0x13b: {  	[sflag:s7] =	ssyncadd.s32 $0xFFFFC000  }
0x13c: {  	[hbm4b:s3+s1] =	stream.linear.scatter [tilespmem:s5], [sflag:$0x4], $0x4000, $0x38;
	[tilespmem:$0xC500] =	vst v63  }
0x13d: {  	_ =	swait.ge [sflag:s6], $0x4000  }
0x13e: {  	[sflag:s6] =	ssyncset.done $0x0  }
0x13f: {  	[sflag:s6] =	ssyncadd.s32 $0xFFFFC000  }
0x140: {  	_ =	sfence.sel $0x180000  }
0x141: {  	[bflag:$0x0] =	sbarrier.arrive $0xFFFF  }
0x142: {  	_ =	strace $0x90000047  }
0x143: {  	s0 =	sadd.s32 @!p0 $0x100000, s30;
	[bflag:$0x2] =	sbarrier.arrive $0xFFFF  }
0x144: {  	[sflag:s0] =	ssyncadd.tile.s32 @!p0 $0x1;
	_ =	shalt  }
.LBB2_2:
.Ltmp3:
0x145: {  	(pc) =	sbr.rel .LBB2_5-.Ltmp3, $2  }
0x146: {  	_ =	sdelay $0x2  }
0x147: {  	s30 =	rddreg [dreg:$0x3]  }
.Lfunc_end2:
_tile_overlayer_lowered:
.L_overlay_start_2:
0x148: {  	(tag) =	ssettag $0x2  }
0x149: {  	s0 =	rddreg [dreg:$0x0];
	s2 =	stileid.u32  }
0x14a: {  	s1 =	rddreg [dreg:$0x1];
	p0 =	sne.s32 s2, $0x0  }
0x14b: {  	s3 =	rddreg [dreg:$0x2];
	[bflag:$0x3] =	sbarrier.arrive $0xFFFF;
	s2 =	simm.s32 @!p0 $0x1C05  }
0x14c: {  	[timem:s3], [sflag:s2] =	dma.local @!p0 [hbm:s0], s1  }
0x14d: {  	s0 =	simm.s32 @!p0 $0x5  }
0x14e: {  	_ =	swait.ge @!p0 [sflag:s0], s1  }
0x14f: {  	s1 =	ssub.s32 @!p0 $0x0, s1;
	[sflag:s0] =	ssyncset.done @!p0 $0x0  }
0x150: {  	[sflag:s0] =	ssyncadd.s32 @!p0 s1  }
0x151: {  	[bflag:$0x3] =	sbarrier.arrive $0xFFFF  }
0x152: {  	_ =	shalt  }

// kernel: kernel.20.cloned.1.call-start
scs
__scs_entry_jumppad:
0x0: {  	(pc) =	sbr.rel $0x88, $3  }
0x1: {  	(tag) =	ssettag $0x0;
	lr =	simm.s32 $0x1  }
0x2: {  	[smem:$0x3F98] =	sst lr;
	_ =	strace $0xD0000000  }
0x3: {  	_ = 	snop  }
0x4: {  	_ = 	snop  }
0x5: {  	_ = 	snop  }
0x6: {  	_ = 	snop  }
0x7: {  	_ = 	snop  }
__scs_overlays_trampoline_lowered:
0x8: {  	[smem:$0x3FA7] =	sst s0  }
0x9: {  	[smem:$0x3FA8] =	sst s1  }
0xa: {  	[smem:$0x3FA9] =	sst s2  }
0xb: {  	[smem:$0x3FAA] =	sst s3  }
0xc: {  	[smem:$0x3FAB] =	sst s4  }
0xd: {  	[smem:$0x3FAC] =	sst s5  }
0xe: {  	[smem:$0x3FAD] =	sst s6  }
0xf: {  	[smem:$0x3FAE] =	sst s7  }
0x10: {  	[smem:$0x3FAF] =	sst s8  }
0x11: {  	[smem:$0x3FB0] =	sst s9;
	s0 =	simm.s32 @!p0 $0x0  }
0x12: {  	s1 =	sld [smem:$0x3F96];
	s0 =	simm.s32 @p0 $0x1  }
0x13: {  	[smem:$0x3FB1] =	sst s0;
	s0 =	simm.s32 @!p1 $0x0  }
0x14: {  	s2 =	sld [smem:$0x3F95];
	s0 =	simm.s32 @p1 $0x1  }
0x15: {  	[smem:$0x3FB2] =	sst s0;
	s0 =	simm.s32 @!p2 $0x0  }
0x16: {  	s3 =	sld [smem:$0x3FDB];
	s0 =	simm.s32 @p2 $0x1  }
0x17: {  	s4 =	simm.s32 $0x1BF5;
	[smem:$0x3FB4] =	sst s0  }
0x18: {  	s0 =	sld [smem:$0x3F97];
	_ =	swait.ge [sflag:s4], $0x0  }
0x19: {  	s7 =	sld [smem:$0x3F98]  }
0x1a: {  	s8 =	sadd.s32 $0xFFFFE003, lr  }
0x1b: {  	s9 =	sadd.s32 $0xFFFFFEF7, lr;
	s5 =	simm.s32 $0xFFFFFFFF;
	p2 =	slt.u32 s8, $0xFFFFF086  }
0x1c: {  	p1 =	slt.u32 s9, $0xF7A;
	s5 =	simm.s32 @!p2 $0x0  }
0x1d: {  	s5 =	simm.s32 @p1 $0x1;
	p0 =	seq.s32 s7, s2  }
0x1e: {  	s7 =	smul.u32 @!p0 $0xF7A, s2;
	p2 =	seq.s32 @!p0 s5, $0x0  }
0x1f: {  	s9 =	smul.u32 $0xF7A, s1;
	s8 =	simm.s32 @!p0 $0x1BF5;
	p2 =	por !p2, p0  }
0x20: {  	[sflag:s8] =	ssyncset.s32 @!p0 $0xFFFFF086;
	s6 =	sadd.s32 @!p0 s3, s7;
	s7 =	simm.s32 @!p0 $0x108  }
0x21: {  	s3 =	sadd.s32 s3, s9;
	s6 =	sadd.s32 @!p0 $0x88, s6;
	s7 =	simm.s32 @p2 $0x1082  }
0x22: {  	[simem:s7], [sflag:s8] =	dma.local @!p0 [hbm:s6], $0xF7A  }
0x23: {  	s9 =	sor.u32 $0xD0000000, s2;
	s6 =	simm.s32 $0x108;
	_ =	swait.ge @!p0 [sflag:s8], $0x0  }
0x24: {  	s3 =	sadd.s32 $0x88, s3;
	s6 =	simm.s32 @!p1 $0x1082;
	[sflag:s4] =	ssyncset.s32 $0xFFFFF086  }
0x25: {  	[simem:s6], [sflag:s4] =	dma.local [hbm:s3], $0xF7A  }
0x26: {  	[smem:$0x3F98] =	sst s1;
	(tag) =	ssettag s2;
	_ =	strace s9  }
0x27: {  	s1 =	sld [smem:$0x3FA8]  }
0x28: {  	s2 =	sld [smem:$0x3FA9]  }
0x29: {  	s4 =	sld [smem:$0x3FAB]  }
0x2a: {  	p0 =	seq.s32 s5, $0x0;
	s5 =	sld [smem:$0x3FAC]  }
0x2b: {  	s6 =	sld [smem:$0x3FAD]  }
0x2c: {  	s7 =	sld [smem:$0x3FAE]  }
0x2d: {  	s3 =	simm.s32 $0x108;
	s8 =	sld [smem:$0x3FAF]  }
0x2e: {  	s3 =	simm.s32 @!p0 $0x1082;
	s9 =	sld [smem:$0x3FB0]  }
0x2f: {  	lr =	sadd.s32 s0, s3;
	s0 =	sld [smem:$0x3FA7]  }
0x30: {  	s3 =	sld [smem:$0x3FAA]  }
0x31: {  	[smem:$0x3FB3] =	sst s10  }
0x32: {  	s10 =	sld [smem:$0x3FB1];
	_ =	sdelay $0x3  }
0x33: {  	p0 =	seq.s32 s10, $0x1;
	s10 =	sld [smem:$0x3FB3];
	_ =	sdelay $0x3  }
0x34: {  	[smem:$0x3FB3] =	sst s10  }
0x35: {  	s10 =	sld [smem:$0x3FB2];
	_ =	sdelay $0x3  }
0x36: {  	p1 =	seq.s32 s10, $0x1;
	s10 =	sld [smem:$0x3FB3];
	_ =	sdelay $0x3  }
0x37: {  	[smem:$0x3FB3] =	sst s10  }
0x38: {  	s10 =	sld [smem:$0x3FB4]  }
0x39: {  	_ = 	snop;
	(pc) =	sbr.ind lr, $3  }
0x3a: {  	_ = 	snop  }
0x3b: {  	_ = 	snop  }
0x3c: {  	p2 =	seq.s32 s10, $0x1;
	s10 =	sld [smem:$0x3FB3]  }
0x3d: {  	_ =	shalt  }
0x3e: {  	_ =	shalt  }
0x3f: {  	_ =	shalt  }
0x40: {  	_ =	shalt  }
0x41: {  	_ =	shalt  }
0x42: {  	_ =	shalt  }
0x43: {  	_ =	shalt  }
0x44: {  	_ =	shalt  }
0x45: {  	_ =	shalt  }
0x46: {  	_ =	shalt  }
0x47: {  	_ =	shalt  }
0x48: {  	_ =	shalt  }
0x49: {  	_ =	shalt  }
0x4a: {  	_ =	shalt  }
0x4b: {  	_ =	shalt  }
0x4c: {  	_ =	shalt  }
0x4d: {  	_ =	shalt  }
0x4e: {  	_ =	shalt  }
0x4f: {  	_ =	shalt  }
0x50: {  	_ =	shalt  }
0x51: {  	_ =	shalt  }
0x52: {  	_ =	shalt  }
0x53: {  	_ =	shalt  }
0x54: {  	_ =	shalt  }
0x55: {  	_ =	shalt  }
0x56: {  	_ =	shalt  }
0x57: {  	_ =	shalt  }
0x58: {  	_ =	shalt  }
0x59: {  	_ =	shalt  }
0x5a: {  	_ =	shalt  }
0x5b: {  	_ =	shalt  }
0x5c: {  	_ =	shalt  }
0x5d: {  	_ =	shalt  }
0x5e: {  	_ =	shalt  }
0x5f: {  	_ =	shalt  }
0x60: {  	_ =	shalt  }
0x61: {  	_ =	shalt  }
0x62: {  	_ =	shalt  }
0x63: {  	_ =	shalt  }
0x64: {  	_ =	shalt  }
0x65: {  	_ =	shalt  }
0x66: {  	_ =	shalt  }
0x67: {  	_ =	shalt  }
0x68: {  	_ =	shalt  }
0x69: {  	_ =	shalt  }
0x6a: {  	_ =	shalt  }
0x6b: {  	_ =	shalt  }
0x6c: {  	_ =	shalt  }
0x6d: {  	_ =	shalt  }
0x6e: {  	_ =	shalt  }
0x6f: {  	_ =	shalt  }
0x70: {  	_ =	shalt  }
0x71: {  	_ =	shalt  }
0x72: {  	_ =	shalt  }
0x73: {  	_ =	shalt  }
0x74: {  	_ =	shalt  }
0x75: {  	_ =	shalt  }
0x76: {  	_ =	shalt  }
0x77: {  	_ =	shalt  }
0x78: {  	_ =	shalt  }
0x79: {  	_ =	shalt  }
0x7a: {  	_ =	shalt  }
0x7b: {  	_ =	shalt  }
0x7c: {  	_ =	shalt  }
0x7d: {  	_ =	shalt  }
0x7e: {  	_ =	shalt  }
0x7f: {  	_ =	shalt  }
0x80: {  	_ =	shalt  }
0x81: {  	_ =	shalt  }
0x82: {  	_ =	shalt  }
0x83: {  	_ =	shalt  }
0x84: {  	_ =	shalt  }
0x85: {  	_ =	shalt  }
0x86: {  	_ =	shalt  }
0x87: {  	_ =	shalt  }
.Lfunc_end0:
.L_simem_size_0:
called_computation.3_lowered:
.L_overlay_start_0:
0x88: {  	s2 =	sld [smem:$0x3FD9]  }
0x89: {  	s3 =	sld [smem:$0x3FFE];
	_ =	sdelay $0x1  }
0x8a: {  	s1 =	srdreg.scid  }
0x8b: {  	s0 =	sand.u32 $0x1, s1  }
0x8c: {  	s17 =	sshll.u32 s0, $0xA;
	s2 =	sadd.s32 s3, s2  }
0x8d: {  	s2 =	sadd.s32 s2, s17  }
0x8e: {  	[smem:$0x3FBF] =	sst s2  }
0x8f: {  	_ = 	snop  }
0x90: {  	s18 =	sld [smem:$0x3FD0];
	(tm) =	ssettm $0x1  }
0x91: {  	s19 =	sld [smem:$0x3FFB];
	_ =	sdelay $0x3  }
0x92: {  	_ =	strace s19  }
0x93: {  	s2 =	sld [smem:$0x3FFC];
	_ =	sdelay $0x3  }
0x94: {  	_ =	strace s2  }
0x95: {  	s2 =	sld [smem:$0x3FFD];
	_ =	sdelay $0x3  }
0x96: {  	_ =	strace s2  }
0x97: {  	_ =	strace $0x8FFFFFFF  }
0x98: {  	s20 =	sld [smem:$0x3FDB];
	_ =	sdelay $0x1  }
0x99: {  	s4 =	simm.s32 $_scs_section_size  }
0x9a: {  	s5 =	simm.s32 $_size__tile_overlayer_lowered;
	s6 =	simm.s32 $_tile_overlayer_lowered  }
0x9b: {  	s7 =	simm.s32 $0x1BFF;
	s21 =	sshll.u32 s6, $0x1;
	s4 =	sadd.s32 s4, s20  }
0x9c: {  	s22 =	simm.s32 $0x0;
	s5 =	sshll.u32 s5, $0x1;
	s6 =	sadd.s32 s21, s4  }
0x9d: {  	[timem:s22], [sflag:s7] =	dma.local [hbm:s6], s5  }
0x9e: {  	_ =	swait.ge [sflag:s7], s5  }
0x9f: {  	s5 =	ssub.s32 $0x0, s5;
	[sflag:s7] =	ssyncset.done $0x0  }
0xa0: {  	[sflag:s7] =	ssyncadd.s32 s5;
	_ =	sdelay $0x1  }
0xa1: {  	s23 =	simm.s32 $0x1B8B  }
0xa2: {  	_ =	swait.ge [sflag:s23], $0x1  }
0xa3: {  	[sflag:s23] =	ssyncset.done $0x0  }
0xa4: {  	[sflag:s23] =	ssyncadd.s32 $0xFFFFFFFF  }
0xa5: {  	s5 =	sld [smem:$0x0]  }
0xa6: {  	s6 =	sand.u32 $0xFFFFFFFE, s1  }
0xa7: {  	p0 =	sne.s32 s1, s6  }
0xa8: {  	s6 =	sshll.u32 @p0 s6, $0xE  }
0xa9: {  	s6 =	sadd.s32 @p0 $0x11B8D, s6;
	s7 =	sshll.u32 @p0 s5, $0x11  }
0xaa: {  	s6 =	sor.u32 @p0 s7, s6  }
0xab: {  	[sflag:s6] =	ssyncadd.remote.s32 @p0 $0x1;
	_ =	sdelay $0x1  }
0xac: {  	s6 =	simm.s32 @p0 $0x1B8D  }
0xad: {  	_ =	swait.eq @p0 [sflag:s6], $0x1  }
0xae: {  	[sflag:s6] =	ssyncadd.s32 @p0 $0xFFFFFFFF  }
0xaf: {  	s7 =	sshll.u32 @!p0 s1, $0xE  }
0xb0: {  	s7 =	sor.u32 @!p0 $0x4000, s7;
	s6 =	simm.s32 @!p0 $0x1B8D  }
0xb1: {  	s5 =	sshll.u32 @!p0 s5, $0x11;
	s7 =	sadd.s32 @!p0 $0x11B8D, s7;
	_ =	swait.eq @!p0 [sflag:s6], $0x1  }
0xb2: {  	s5 =	sor.u32 @!p0 s5, s7;
	[sflag:s6] =	ssyncadd.s32 @!p0 $0xFFFFFFFF  }
0xb3: {  	s25 =	simm.s32 $0x1B8E;
	s24 =	sld [smem:$0x3FFE];
	[sflag:s5] =	ssyncadd.remote.s32 @!p0 $0x1  }
0xb4: {  	s26 =	simm.s32 $execute0_lowered;
	[smem:$0x3FD2] =	sst s25  }
0xb5: {  	s6 =	sshll.u32 s26, $0x1;
	_ =	strace $0x80000049;
	[dreg:$0x1] =	wrdreg $0xFFFFFFFF  }
0xb6: {  	s28 =	simm.s32 $_size_execute0_lowered;
	s4 =	sadd.s32 s4, s6;
	[dreg:$0x0] =	wrdreg $0x0  }
0xb7: {  	s6 =	sshll.u32 s28, $0x1;
	[dreg:$0x2] =	wrdreg s4  }
0xb8: {  	[dreg:$0x3] =	wrdreg s6  }
0xb9: {  	[dreg:$0x4] =	wrdreg $0xC0  }
0xba: {  	_ =	task [dreg:s22], $0x5FFFF  }
0xbb: {  	[dreg:$0x1] =	wrdreg $0xFFFFFFFF  }
0xbc: {  	[dreg:$0x0] =	wrdreg $0x60  }
0xbd: {  	[dreg:$0x2] =	wrdreg s18  }
0xbe: {  	[dreg:$0x3] =	wrdreg s24  }
0xbf: {  	[dreg:$0x4] =	wrdreg $0x85000  }
0xc0: {  	[dreg:$0x5] =	wrdreg $0xC  }
0xc1: {  	_ =	task.clear_ibuf [dreg:s22], $0x6FFFF;
	_ =	strace $0x90000049  }
0xc2: {  	s29 =	simm.s32 $0xC;
	_ =	strace $0x8000004B  }
0xc3: {  	_ =	swait.ge [sflag:s29], $0x1  }
0xc4: {  	[sflag:s29] =	ssyncadd.s32 $0xFFFFFFFF  }
0xc5: {  	_ =	strace $0x9000004B  }
0xc6: {  	_ =	sfence  }
0xc7: {  	s30 =	sld [smem:$0x0];
	_ =	sdelay $0x2  }
0xc8: {  	s31 =	sshll.u32 s1, $0xD;
	s1 =	sshrl.u32 s1, $0x2  }
0xc9: {  	s4 =	sand.u32 $0x4000, s31;
	s1 =	sadd.s32 s1, s30  }
0xca: {  	s0 =	sor.u32 s4, s0;
	s1 =	sshll.u32 s1, $0x11  }
0xcb: {  	s0 =	sor.u32 s1, s0  }
0xcc: {  	s0 =	sadd.s32 $0x8F2B, s0  }
0xcd: {  	[sflag:s0] =	ssyncadd.remote.s32 $0x1  }
0xce: {  	_ =	sfence.sel $0xFFFF  }
0xcf: {  	[dreg:$0x0] =	wrdreg $0xFFFFFFFF;
	(pc) =	sbr.abs _section_cstart, $3  }
0xd0: {  	[dreg:$0x1] =	wrdreg $0xFFFFFFFF  }
0xd1: {  	_ =	task.clear_ibuf [dreg:s22], $0x2FFFF;
	_ =	strace $0x9FFFFFFF  }
0xd2: {  	(tm) =	ssettm $0x7FFFFFFF  }
0xd3: {  	_ =	shalt  }
tec
execute0_lowered:
.L_overlay_start_1:
0x0: {  	(tag) =	ssettag $0x1  }
0x1: {  	s0 =	rddreg [dreg:$0x0]  }
0x2: {  	s3 =	rddreg [dreg:$0x1]  }
0x3: {  	s24 =	srdreg.scid;
	s2 =	rddreg [dreg:$0x2]  }
0x4: {  	s5 =	stileid.u32;
	s30 =	rddreg [dreg:$0x3];
	s9 =	simm.s32 $0x500  }
0x5: {  	s12 =	simm.s32 $0x1;
	s10 =	simm.s32 $0x2;
	s23 =	simm.s32 $0x200  }
0x6: {  	s21 =	simm.s32 $0x280;
	s20 =	simm.s32 $0x300;
	p1 =	por $0x0, $0x0  }
0x7: {  	s19 =	simm.s32 $0x380;
	s17 =	simm.s32 $0x400;
	s15 =	simm.s32 $0x480  }
0x8: {  	[dreg:$0x4] =	wrdreg s0;
	s0 =	sand.u32 $0x1, s24;
	s1 =	sshll.u32 s5, $0x1  }
0x9: {  	p0 =	sne.s32 s5, $0x0;
	s5 =	simm.s32 $0x4500;
	s4 =	sor.u32 s0, s1  }
0xa: {  	s24 =	simm.s32 $0x180;
	s1 =	simm.s32 $0x0;
	s6 =	smul.u32 $0xA0, s4  }
0xb: {  	s0 =	ssub.s32 $0x2, s0;
	s28 =	sshrl.u32 @!p0 s2, $0x3;
	s7 =	smul.u32 $0x28000, s4  }
0xc: {  	[smem:$0x7FF] =	sst s1;
	s8 =	sshrl.u32 s0, $0x1;
	s4 =	smul.u32 $0x5000, s4  }
0xd: {  	_ =	strace $0x8000004A;
	s0 =	ssub.s32 s0, s8;
	s8 =	simm.s32 $0x80  }
0xe: {  	s6 =	sadd.s32 s6, s3;
	s3 =	sadd.s32 $0xA6600, s3;
	s7 =	sshrl.u32 s7, $0x3  }
0xf: {  	s0 =	smax.u32 s0, $0x1;
	s6 =	sadd.s32 $0x5200, s6;
	s25 =	sadd.s32 s3, s4  }
0x10: {  	s22 =	sadd.s32 s3, s7;
	s31 =	sadd.s32 $0xFFFFFFFF, s0;
	s0 =	rddreg [dreg:$0x4]  }
0x11: {  	s7 =	simm.s32 $0x3;
	[dreg:$0x5] =	wrdreg s6;
	p2 =	sne.s32 s31, $0x0  }
.Ltmp0:
0x12: {  	s26 =	sadd.s32 $0x800, s25;
	s29 =	sadd.s32 $0x1000, s22;
	(pc) =	sbr.rel @!p2 .LBB2_5-.Ltmp0, $4  }
0x13: {  	s18 =	sadd.s32 $0x1800, s25;
	s16 =	sadd.s32 $0x2000, s22;
	s14 =	sadd.s32 $0x2800, s25  }
0x14: {  	s13 =	sadd.s32 $0x3000, s22;
	s11 =	sadd.s32 $0x3800, s25;
	s4 =	sadd.s32 $0x4000, s22  }
0x15: {  	s3 =	sadd.s32 $0x4800, s25;
	s25 =	simm.s32 $0x100;
	[dreg:$0x6] =	wrdreg s26  }
0x16: {  	s6 =	simm.s32 $0x4;
	[dreg:$0x7] =	wrdreg s29;
	s26 =	simm.s32 $0x5  }
0x17: {  	s29 =	simm.s32 @!p0 $0x1C05;
	s30 =	simm.s32 @!p0 $0x5  }
0x18: {  	[spmem:s28], [sflag:s29] =	dma.local @!p0 [hbm:s0], $0x8000  }
0x19: {  	_ =	swait.ge @!p0 [sflag:s30], $0x8000  }
0x1a: {  	[sflag:s30] =	ssyncset.done @!p0 $0x0  }
0x1b: {  	s0 =	rddreg [dreg:$0x5];
	[sflag:s30] =	ssyncadd.s32 @!p0 $0xFFFF8000  }
0x1c: {  	[tilespmem:s1], [sflag:$0x5] =	stream.linear.gather [hbm4b:s0+s1], $0x500, $0x38;
	[tilespmem:$0xC500] =	vst v63  }
0x1d: {  	_ =	swait.ge [sflag:s26], $0x500  }
0x1e: {  	[sflag:s26] =	ssyncset.done $0x0  }
0x1f: {  	[sflag:s26] =	ssyncadd.s32 $0xFFFFFB00  }
0x20: {  	[bflag:$0x0] =	sbarrier.arrive $0xFFFF  }
0x21: {  	[tilespmem:s9], [sflag:$0x1] =	stream.indirect.gather [spmem:s2], $0x80, s1, s8, $0xb8;
	[tilespmem:$0xC500] =	vst v63  }
0x22: {  	_ =	swait.ge [sflag:s12], $0x4000  }
0x23: {  	[sflag:s12] =	ssyncset.done $0x0  }
0x24: {  	[sflag:s12] =	ssyncadd.s32 $0xFFFFC000  }
0x25: {  	[tilespmem:s5], [sflag:$0x2] =	stream.indirect.gather [spmem:s2], $0x80, s8, s8, $0xb8;
	[tilespmem:$0xC500] =	vst v63  }
0x26: {  	_ = 	snop  }
0x27: {  	[hbm4b:s22+s1] =	stream.linear.scatter [tilespmem:s9], [sflag:$0x3], $0x4000, $0x38;
	[tilespmem:$0xC500] =	vst v63  }
0x28: {  	_ =	swait.ge [sflag:s10], $0x4000  }
0x29: {  	[sflag:s10] =	ssyncset.done $0x0  }
0x2a: {  	[sflag:s10] =	ssyncadd.s32 $0xFFFFC000  }
0x2b: {  	_ =	swait.ge [sflag:s7], $0x4000  }
0x2c: {  	[sflag:s7] =	ssyncset.done $0x0  }
0x2d: {  	[sflag:s7] =	ssyncadd.s32 $0xFFFFC000  }
0x2e: {  	[tilespmem:s9], [sflag:$0x1] =	stream.indirect.gather [spmem:s2], $0x80, s25, s8, $0xb8;
	[tilespmem:$0xC500] =	vst v63  }
0x2f: {  	s0 =	rddreg [dreg:$0x6]  }
0x30: {  	[hbm4b:s0+s1] =	stream.linear.scatter [tilespmem:s5], [sflag:$0x4], $0x4000, $0x38;
	[tilespmem:$0xC500] =	vst v63  }
0x31: {  	_ =	swait.ge [sflag:s12], $0x4000  }
0x32: {  	[sflag:s12] =	ssyncset.done $0x0  }
0x33: {  	[sflag:s12] =	ssyncadd.s32 $0xFFFFC000  }
0x34: {  	_ =	swait.ge [sflag:s6], $0x4000  }
0x35: {  	[sflag:s6] =	ssyncset.done $0x0  }
0x36: {  	[sflag:s6] =	ssyncadd.s32 $0xFFFFC000  }
0x37: {  	[tilespmem:s5], [sflag:$0x2] =	stream.indirect.gather [spmem:s2], $0x80, s24, s8, $0xb8;
	[tilespmem:$0xC500] =	vst v63  }
0x38: {  	s0 =	rddreg [dreg:$0x7]  }
0x39: {  	[hbm4b:s0+s1] =	stream.linear.scatter [tilespmem:s9], [sflag:$0x3], $0x4000, $0x38;
	[tilespmem:$0xC500] =	vst v63  }
0x3a: {  	_ =	swait.ge [sflag:s10], $0x4000  }
0x3b: {  	[sflag:s10] =	ssyncset.done $0x0  }
0x3c: {  	[sflag:s10] =	ssyncadd.s32 $0xFFFFC000  }
0x3d: {  	_ =	swait.ge [sflag:s7], $0x4000  }
0x3e: {  	[sflag:s7] =	ssyncset.done $0x0  }
0x3f: {  	[sflag:s7] =	ssyncadd.s32 $0xFFFFC000  }
0x40: {  	[tilespmem:s9], [sflag:$0x1] =	stream.indirect.gather [spmem:s2], $0x80, s23, s8, $0xb8;
	[tilespmem:$0xC500] =	vst v63  }
0x41: {  	_ = 	snop  }
0x42: {  	[hbm4b:s18+s1] =	stream.linear.scatter [tilespmem:s5], [sflag:$0x4], $0x4000, $0x38;
	[tilespmem:$0xC500] =	vst v63  }
0x43: {  	_ =	swait.ge [sflag:s12], $0x4000  }
0x44: {  	[sflag:s12] =	ssyncset.done $0x0  }
0x45: {  	[sflag:s12] =	ssyncadd.s32 $0xFFFFC000  }
0x46: {  	_ =	swait.ge [sflag:s6], $0x4000  }
0x47: {  	[sflag:s6] =	ssyncset.done $0x0  }
0x48: {  	[sflag:s6] =	ssyncadd.s32 $0xFFFFC000  }
0x49: {  	[tilespmem:s5], [sflag:$0x2] =	stream.indirect.gather [spmem:s2], $0x80, s21, s8, $0xb8;
	[tilespmem:$0xC500] =	vst v63  }
0x4a: {  	_ = 	snop  }
0x4b: {  	[hbm4b:s16+s1] =	stream.linear.scatter [tilespmem:s9], [sflag:$0x3], $0x4000, $0x38;
	[tilespmem:$0xC500] =	vst v63  }
0x4c: {  	_ =	swait.ge [sflag:s10], $0x4000  }
0x4d: {  	[sflag:s10] =	ssyncset.done $0x0  }
0x4e: {  	[sflag:s10] =	ssyncadd.s32 $0xFFFFC000  }
0x4f: {  	_ =	swait.ge [sflag:s7], $0x4000  }
0x50: {  	[sflag:s7] =	ssyncset.done $0x0  }
0x51: {  	[sflag:s7] =	ssyncadd.s32 $0xFFFFC000  }
0x52: {  	[tilespmem:s9], [sflag:$0x1] =	stream.indirect.gather [spmem:s2], $0x80, s20, s8, $0xb8;
	[tilespmem:$0xC500] =	vst v63  }
0x53: {  	_ = 	snop  }
0x54: {  	[hbm4b:s14+s1] =	stream.linear.scatter [tilespmem:s5], [sflag:$0x4], $0x4000, $0x38;
	[tilespmem:$0xC500] =	vst v63  }
0x55: {  	_ =	swait.ge [sflag:s12], $0x4000  }
0x56: {  	[sflag:s12] =	ssyncset.done $0x0  }
0x57: {  	[sflag:s12] =	ssyncadd.s32 $0xFFFFC000  }
0x58: {  	_ =	swait.ge [sflag:s6], $0x4000  }
0x59: {  	[sflag:s6] =	ssyncset.done $0x0  }
0x5a: {  	[sflag:s6] =	ssyncadd.s32 $0xFFFFC000  }
0x5b: {  	[tilespmem:s5], [sflag:$0x2] =	stream.indirect.gather [spmem:s2], $0x80, s19, s8, $0xb8;
	[tilespmem:$0xC500] =	vst v63  }
0x5c: {  	_ = 	snop  }
0x5d: {  	[hbm4b:s13+s1] =	stream.linear.scatter [tilespmem:s9], [sflag:$0x3], $0x4000, $0x38;
	[tilespmem:$0xC500] =	vst v63  }
0x5e: {  	_ =	swait.ge [sflag:s10], $0x4000  }
0x5f: {  	[sflag:s10] =	ssyncset.done $0x0  }
0x60: {  	[sflag:s10] =	ssyncadd.s32 $0xFFFFC000  }
0x61: {  	_ =	swait.ge [sflag:s7], $0x4000  }
0x62: {  	[sflag:s7] =	ssyncset.done $0x0  }
0x63: {  	[sflag:s7] =	ssyncadd.s32 $0xFFFFC000  }
0x64: {  	[tilespmem:s9], [sflag:$0x1] =	stream.indirect.gather [spmem:s2], $0x80, s17, s8, $0xb8;
	[tilespmem:$0xC500] =	vst v63  }
0x65: {  	_ = 	snop  }
0x66: {  	[hbm4b:s11+s1] =	stream.linear.scatter [tilespmem:s5], [sflag:$0x4], $0x4000, $0x38;
	[tilespmem:$0xC500] =	vst v63  }
0x67: {  	_ =	swait.ge [sflag:s12], $0x4000  }
0x68: {  	[sflag:s12] =	ssyncset.done $0x0  }
0x69: {  	[sflag:s12] =	ssyncadd.s32 $0xFFFFC000  }
0x6a: {  	_ =	swait.ge [sflag:s6], $0x4000  }
0x6b: {  	[sflag:s6] =	ssyncset.done $0x0  }
0x6c: {  	[sflag:s6] =	ssyncadd.s32 $0xFFFFC000  }
0x6d: {  	[tilespmem:s5], [sflag:$0x2] =	stream.indirect.gather [spmem:s2], $0x80, s15, s8, $0xb8;
	[tilespmem:$0xC500] =	vst v63  }
0x6e: {  	_ = 	snop  }
0x6f: {  	[hbm4b:s4+s1] =	stream.linear.scatter [tilespmem:s9], [sflag:$0x3], $0x4000, $0x38;
	[tilespmem:$0xC500] =	vst v63  }
0x70: {  	_ =	swait.ge [sflag:s10], $0x4000  }
0x71: {  	[sflag:s10] =	ssyncset.done $0x0  }
0x72: {  	s31 =	sadd.s32 $0xFFFFFFFF, s31;
	[sflag:s10] =	ssyncadd.s32 $0xFFFFC000  }
0x73: {  	p2 =	sne.s32 s31, $0x0;
	_ =	swait.ge [sflag:s7], $0x4000  }
.Ltmp1:
0x74: {  	[sflag:s7] =	ssyncset.done $0x0;
	(pc) =	sbr.rel @!p2 .LBB2_2-.Ltmp1, $4  }
0x75: {  	[sflag:s7] =	ssyncadd.s32 $0xFFFFC000  }
0x76: {  	[hbm4b:s3+s1] =	stream.linear.scatter [tilespmem:s5], [sflag:$0x4], $0x4000, $0x38;
	[tilespmem:$0xC500] =	vst v63  }
0x77: {  	_ =	swait.ge [sflag:s6], $0x4000  }
0x78: {  	p1 =	por $0x1, $0x1;
	s0 =	rddreg [dreg:$0x4];
	[sflag:s6] =	ssyncset.done $0x0  }
.LBB2_3:
0x79: {  	[sflag:s6] =	ssyncadd.s32 $0xFFFFC000  }
0x7a: {  	[spmem:s28], [sflag:s29] =	dma.local @!p0 [hbm:s0], $0x8000  }
0x7b: {  	_ =	swait.ge @!p0 [sflag:s30], $0x8000  }
0x7c: {  	[sflag:s30] =	ssyncset.done @!p0 $0x0  }
0x7d: {  	s0 =	rddreg [dreg:$0x5];
	[sflag:s30] =	ssyncadd.s32 @!p0 $0xFFFF8000  }
0x7e: {  	[tilespmem:s1], [sflag:$0x5] =	stream.linear.gather [hbm4b:s0+s1], $0x500, $0x38;
	[tilespmem:$0xC500] =	vst v63  }
0x7f: {  	_ =	swait.ge [sflag:s26], $0x500  }
0x80: {  	[sflag:s26] =	ssyncset.done $0x0  }
0x81: {  	[sflag:s26] =	ssyncadd.s32 $0xFFFFFB00  }
0x82: {  	[bflag:$0x0] =	sbarrier.arrive $0xFFFF  }
0x83: {  	[tilespmem:s9], [sflag:$0x1] =	stream.indirect.gather [spmem:s2], $0x80, s1, s8, $0xb8;
	[tilespmem:$0xC500] =	vst v63  }
0x84: {  	_ =	swait.ge [sflag:s12], $0x4000  }
0x85: {  	[sflag:s12] =	ssyncset.done $0x0  }
0x86: {  	[sflag:s12] =	ssyncadd.s32 $0xFFFFC000  }
0x87: {  	[tilespmem:s5], [sflag:$0x2] =	stream.indirect.gather [spmem:s2], $0x80, s8, s8, $0xb8;
	[tilespmem:$0xC500] =	vst v63  }
0x88: {  	_ = 	snop  }
0x89: {  	[hbm4b:s22+s1] =	stream.linear.scatter [tilespmem:s9], [sflag:$0x3], $0x4000, $0x38;
	[tilespmem:$0xC500] =	vst v63  }
0x8a: {  	_ =	swait.ge [sflag:s10], $0x4000  }
0x8b: {  	[sflag:s10] =	ssyncset.done $0x0  }
0x8c: {  	[sflag:s10] =	ssyncadd.s32 $0xFFFFC000  }
0x8d: {  	_ =	swait.ge [sflag:s7], $0x4000  }
0x8e: {  	[sflag:s7] =	ssyncset.done $0x0  }
0x8f: {  	[sflag:s7] =	ssyncadd.s32 $0xFFFFC000  }
0x90: {  	[tilespmem:s9], [sflag:$0x1] =	stream.indirect.gather [spmem:s2], $0x80, s25, s8, $0xb8;
	[tilespmem:$0xC500] =	vst v63  }
0x91: {  	s0 =	rddreg [dreg:$0x6]  }
0x92: {  	[hbm4b:s0+s1] =	stream.linear.scatter [tilespmem:s5], [sflag:$0x4], $0x4000, $0x38;
	[tilespmem:$0xC500] =	vst v63  }
0x93: {  	_ =	swait.ge [sflag:s12], $0x4000  }
0x94: {  	[sflag:s12] =	ssyncset.done $0x0  }
0x95: {  	[sflag:s12] =	ssyncadd.s32 $0xFFFFC000  }
0x96: {  	_ =	swait.ge [sflag:s6], $0x4000  }
0x97: {  	[sflag:s6] =	ssyncset.done $0x0  }
0x98: {  	[sflag:s6] =	ssyncadd.s32 $0xFFFFC000  }
0x99: {  	[tilespmem:s5], [sflag:$0x2] =	stream.indirect.gather [spmem:s2], $0x80, s24, s8, $0xb8;
	[tilespmem:$0xC500] =	vst v63  }
0x9a: {  	s0 =	rddreg [dreg:$0x7]  }
0x9b: {  	[hbm4b:s0+s1] =	stream.linear.scatter [tilespmem:s9], [sflag:$0x3], $0x4000, $0x38;
	[tilespmem:$0xC500] =	vst v63  }
0x9c: {  	_ =	swait.ge [sflag:s10], $0x4000  }
0x9d: {  	[sflag:s10] =	ssyncset.done $0x0  }
0x9e: {  	[sflag:s10] =	ssyncadd.s32 $0xFFFFC000  }
0x9f: {  	_ =	swait.ge [sflag:s7], $0x4000  }
0xa0: {  	[sflag:s7] =	ssyncset.done $0x0  }
0xa1: {  	[sflag:s7] =	ssyncadd.s32 $0xFFFFC000  }
0xa2: {  	[tilespmem:s9], [sflag:$0x1] =	stream.indirect.gather [spmem:s2], $0x80, s23, s8, $0xb8;
	[tilespmem:$0xC500] =	vst v63  }
0xa3: {  	_ = 	snop  }
0xa4: {  	[hbm4b:s18+s1] =	stream.linear.scatter [tilespmem:s5], [sflag:$0x4], $0x4000, $0x38;
	[tilespmem:$0xC500] =	vst v63  }
0xa5: {  	_ =	swait.ge [sflag:s12], $0x4000  }
0xa6: {  	[sflag:s12] =	ssyncset.done $0x0  }
0xa7: {  	[sflag:s12] =	ssyncadd.s32 $0xFFFFC000  }
0xa8: {  	_ =	swait.ge [sflag:s6], $0x4000  }
0xa9: {  	[sflag:s6] =	ssyncset.done $0x0  }
0xaa: {  	[sflag:s6] =	ssyncadd.s32 $0xFFFFC000  }
0xab: {  	[tilespmem:s5], [sflag:$0x2] =	stream.indirect.gather [spmem:s2], $0x80, s21, s8, $0xb8;
	[tilespmem:$0xC500] =	vst v63  }
0xac: {  	_ = 	snop  }
0xad: {  	[hbm4b:s16+s1] =	stream.linear.scatter [tilespmem:s9], [sflag:$0x3], $0x4000, $0x38;
	[tilespmem:$0xC500] =	vst v63  }
0xae: {  	_ =	swait.ge [sflag:s10], $0x4000  }
0xaf: {  	[sflag:s10] =	ssyncset.done $0x0  }
0xb0: {  	[sflag:s10] =	ssyncadd.s32 $0xFFFFC000  }
0xb1: {  	_ =	swait.ge [sflag:s7], $0x4000  }
0xb2: {  	[sflag:s7] =	ssyncset.done $0x0  }
0xb3: {  	[sflag:s7] =	ssyncadd.s32 $0xFFFFC000  }
0xb4: {  	[tilespmem:s9], [sflag:$0x1] =	stream.indirect.gather [spmem:s2], $0x80, s20, s8, $0xb8;
	[tilespmem:$0xC500] =	vst v63  }
0xb5: {  	_ = 	snop  }
0xb6: {  	[hbm4b:s14+s1] =	stream.linear.scatter [tilespmem:s5], [sflag:$0x4], $0x4000, $0x38;
	[tilespmem:$0xC500] =	vst v63  }
0xb7: {  	_ =	swait.ge [sflag:s12], $0x4000  }
0xb8: {  	[sflag:s12] =	ssyncset.done $0x0  }
0xb9: {  	[sflag:s12] =	ssyncadd.s32 $0xFFFFC000  }
0xba: {  	_ =	swait.ge [sflag:s6], $0x4000  }
0xbb: {  	[sflag:s6] =	ssyncset.done $0x0  }
0xbc: {  	[sflag:s6] =	ssyncadd.s32 $0xFFFFC000  }
0xbd: {  	[tilespmem:s5], [sflag:$0x2] =	stream.indirect.gather [spmem:s2], $0x80, s19, s8, $0xb8;
	[tilespmem:$0xC500] =	vst v63  }
0xbe: {  	_ = 	snop  }
0xbf: {  	[hbm4b:s13+s1] =	stream.linear.scatter [tilespmem:s9], [sflag:$0x3], $0x4000, $0x38;
	[tilespmem:$0xC500] =	vst v63  }
0xc0: {  	_ =	swait.ge [sflag:s10], $0x4000  }
0xc1: {  	[sflag:s10] =	ssyncset.done $0x0  }
0xc2: {  	[sflag:s10] =	ssyncadd.s32 $0xFFFFC000  }
0xc3: {  	_ =	swait.ge [sflag:s7], $0x4000  }
0xc4: {  	[sflag:s7] =	ssyncset.done $0x0  }
0xc5: {  	[sflag:s7] =	ssyncadd.s32 $0xFFFFC000  }
0xc6: {  	[tilespmem:s9], [sflag:$0x1] =	stream.indirect.gather [spmem:s2], $0x80, s17, s8, $0xb8;
	[tilespmem:$0xC500] =	vst v63  }
0xc7: {  	_ = 	snop  }
0xc8: {  	[hbm4b:s11+s1] =	stream.linear.scatter [tilespmem:s5], [sflag:$0x4], $0x4000, $0x38;
	[tilespmem:$0xC500] =	vst v63  }
0xc9: {  	_ =	swait.ge [sflag:s12], $0x4000  }
0xca: {  	[sflag:s12] =	ssyncset.done $0x0  }
0xcb: {  	[sflag:s12] =	ssyncadd.s32 $0xFFFFC000  }
0xcc: {  	_ =	swait.ge [sflag:s6], $0x4000  }
0xcd: {  	[sflag:s6] =	ssyncset.done $0x0  }
0xce: {  	[sflag:s6] =	ssyncadd.s32 $0xFFFFC000  }
0xcf: {  	[tilespmem:s5], [sflag:$0x2] =	stream.indirect.gather [spmem:s2], $0x80, s15, s8, $0xb8;
	[tilespmem:$0xC500] =	vst v63  }
0xd0: {  	_ = 	snop  }
0xd1: {  	[hbm4b:s4+s1] =	stream.linear.scatter [tilespmem:s9], [sflag:$0x3], $0x4000, $0x38;
	[tilespmem:$0xC500] =	vst v63  }
0xd2: {  	_ =	swait.ge [sflag:s10], $0x4000  }
0xd3: {  	[sflag:s10] =	ssyncset.done $0x0  }
0xd4: {  	s31 =	sadd.s32 $0xFFFFFFFF, s31;
	[sflag:s10] =	ssyncadd.s32 $0xFFFFC000  }
0xd5: {  	p2 =	sne.s32 s31, $0x0;
	_ =	swait.ge [sflag:s7], $0x4000  }
.Ltmp2:
0xd6: {  	[sflag:s7] =	ssyncset.done $0x0;
	(pc) =	sbr.rel @p2 .LBB2_3-.Ltmp2, $4  }
0xd7: {  	[sflag:s7] =	ssyncadd.s32 $0xFFFFC000  }
0xd8: {  	[hbm4b:s3+s1] =	stream.linear.scatter [tilespmem:s5], [sflag:$0x4], $0x4000, $0x38;
	[tilespmem:$0xC500] =	vst v63  }
0xd9: {  	_ =	swait.ge [sflag:s6], $0x4000  }
0xda: {  	s0 =	rddreg [dreg:$0x4];
	[sflag:s6] =	ssyncset.done $0x0  }
0xdb: {  	s30 =	rddreg [dreg:$0x3]  }
.LBB2_5:
0xdc: {  	[sflag:s6] =	ssyncadd.s32 @p1 $0xFFFFC000;
	s29 =	simm.s32 @!p0 $0x1C05  }
0xdd: {  	[spmem:s28], [sflag:s29] =	dma.local @!p0 [hbm:s0], $0x8000  }
0xde: {  	s0 =	simm.s32 @!p0 $0x5  }
0xdf: {  	_ =	swait.ge @!p0 [sflag:s0], $0x8000  }
0xe0: {  	[sflag:s0] =	ssyncset.done @!p0 $0x0  }
0xe1: {  	s31 =	rddreg [dreg:$0x5];
	[sflag:s0] =	ssyncadd.s32 @!p0 $0xFFFF8000  }
0xe2: {  	[tilespmem:s1], [sflag:$0x5] =	stream.linear.gather [hbm4b:s31+s1], $0x500, $0x38;
	[tilespmem:$0xC500] =	vst v63  }
0xe3: {  	_ =	swait.ge [sflag:s26], $0x500  }
0xe4: {  	[sflag:s26] =	ssyncset.done $0x0  }
0xe5: {  	[sflag:s26] =	ssyncadd.s32 $0xFFFFFB00  }
0xe6: {  	[bflag:$0x0] =	sbarrier.arrive $0xFFFF  }
0xe7: {  	[tilespmem:s9], [sflag:$0x1] =	stream.indirect.gather [spmem:s2], $0x80, s1, s8, $0xb8;
	[tilespmem:$0xC500] =	vst v63  }
0xe8: {  	_ =	swait.ge [sflag:s12], $0x4000  }
0xe9: {  	[sflag:s12] =	ssyncset.done $0x0  }
0xea: {  	[sflag:s12] =	ssyncadd.s32 $0xFFFFC000  }
0xeb: {  	[tilespmem:s5], [sflag:$0x2] =	stream.indirect.gather [spmem:s2], $0x80, s8, s8, $0xb8;
	[tilespmem:$0xC500] =	vst v63  }
0xec: {  	_ = 	snop  }
0xed: {  	[hbm4b:s22+s1] =	stream.linear.scatter [tilespmem:s9], [sflag:$0x3], $0x4000, $0x38;
	[tilespmem:$0xC500] =	vst v63  }
0xee: {  	_ =	swait.ge [sflag:s10], $0x4000  }
0xef: {  	[sflag:s10] =	ssyncset.done $0x0  }
0xf0: {  	[sflag:s10] =	ssyncadd.s32 $0xFFFFC000  }
0xf1: {  	_ =	swait.ge [sflag:s7], $0x4000  }
0xf2: {  	[sflag:s7] =	ssyncset.done $0x0  }
0xf3: {  	[sflag:s7] =	ssyncadd.s32 $0xFFFFC000  }
0xf4: {  	[tilespmem:s9], [sflag:$0x1] =	stream.indirect.gather [spmem:s2], $0x80, s25, s8, $0xb8;
	[tilespmem:$0xC500] =	vst v63  }
0xf5: {  	s29 =	rddreg [dreg:$0x6]  }
0xf6: {  	[hbm4b:s29+s1] =	stream.linear.scatter [tilespmem:s5], [sflag:$0x4], $0x4000, $0x38;
	[tilespmem:$0xC500] =	vst v63  }
0xf7: {  	_ =	swait.ge [sflag:s12], $0x4000  }
0xf8: {  	[sflag:s12] =	ssyncset.done $0x0  }
0xf9: {  	[sflag:s12] =	ssyncadd.s32 $0xFFFFC000  }
0xfa: {  	_ =	swait.ge [sflag:s6], $0x4000  }
0xfb: {  	[sflag:s6] =	ssyncset.done $0x0  }
0xfc: {  	[sflag:s6] =	ssyncadd.s32 $0xFFFFC000  }
0xfd: {  	[tilespmem:s5], [sflag:$0x2] =	stream.indirect.gather [spmem:s2], $0x80, s24, s8, $0xb8;
	[tilespmem:$0xC500] =	vst v63  }
0xfe: {  	s31 =	rddreg [dreg:$0x7]  }
0xff: {  	[hbm4b:s31+s1] =	stream.linear.scatter [tilespmem:s9], [sflag:$0x3], $0x4000, $0x38;
	[tilespmem:$0xC500] =	vst v63  }
0x100: {  	_ =	swait.ge [sflag:s10], $0x4000  }
0x101: {  	[sflag:s10] =	ssyncset.done $0x0  }
0x102: {  	[sflag:s10] =	ssyncadd.s32 $0xFFFFC000  }
0x103: {  	_ =	swait.ge [sflag:s7], $0x4000  }
0x104: {  	[sflag:s7] =	ssyncset.done $0x0  }
0x105: {  	[sflag:s7] =	ssyncadd.s32 $0xFFFFC000  }
0x106: {  	[tilespmem:s9], [sflag:$0x1] =	stream.indirect.gather [spmem:s2], $0x80, s23, s8, $0xb8;
	[tilespmem:$0xC500] =	vst v63  }
0x107: {  	_ = 	snop  }
0x108: {  	[hbm4b:s18+s1] =	stream.linear.scatter [tilespmem:s5], [sflag:$0x4], $0x4000, $0x38;
	[tilespmem:$0xC500] =	vst v63  }
0x109: {  	_ =	swait.ge [sflag:s12], $0x4000  }
0x10a: {  	[sflag:s12] =	ssyncset.done $0x0  }
0x10b: {  	[sflag:s12] =	ssyncadd.s32 $0xFFFFC000  }
0x10c: {  	_ =	swait.ge [sflag:s6], $0x4000  }
0x10d: {  	[sflag:s6] =	ssyncset.done $0x0  }
0x10e: {  	[sflag:s6] =	ssyncadd.s32 $0xFFFFC000  }
0x10f: {  	[tilespmem:s5], [sflag:$0x2] =	stream.indirect.gather [spmem:s2], $0x80, s21, s8, $0xb8;
	[tilespmem:$0xC500] =	vst v63  }
0x110: {  	_ = 	snop  }
0x111: {  	[hbm4b:s16+s1] =	stream.linear.scatter [tilespmem:s9], [sflag:$0x3], $0x4000, $0x38;
	[tilespmem:$0xC500] =	vst v63  }
0x112: {  	_ =	swait.ge [sflag:s10], $0x4000  }
0x113: {  	[sflag:s10] =	ssyncset.done $0x0  }
0x114: {  	[sflag:s10] =	ssyncadd.s32 $0xFFFFC000  }
0x115: {  	_ =	swait.ge [sflag:s7], $0x4000  }
0x116: {  	[sflag:s7] =	ssyncset.done $0x0  }
0x117: {  	[sflag:s7] =	ssyncadd.s32 $0xFFFFC000  }
0x118: {  	[tilespmem:s9], [sflag:$0x1] =	stream.indirect.gather [spmem:s2], $0x80, s20, s8, $0xb8;
	[tilespmem:$0xC500] =	vst v63  }
0x119: {  	_ = 	snop  }
0x11a: {  	[hbm4b:s14+s1] =	stream.linear.scatter [tilespmem:s5], [sflag:$0x4], $0x4000, $0x38;
	[tilespmem:$0xC500] =	vst v63  }
0x11b: {  	_ =	swait.ge [sflag:s12], $0x4000  }
0x11c: {  	[sflag:s12] =	ssyncset.done $0x0  }
0x11d: {  	[sflag:s12] =	ssyncadd.s32 $0xFFFFC000  }
0x11e: {  	_ =	swait.ge [sflag:s6], $0x4000  }
0x11f: {  	[sflag:s6] =	ssyncset.done $0x0  }
0x120: {  	[sflag:s6] =	ssyncadd.s32 $0xFFFFC000  }
0x121: {  	[tilespmem:s5], [sflag:$0x2] =	stream.indirect.gather [spmem:s2], $0x80, s19, s8, $0xb8;
	[tilespmem:$0xC500] =	vst v63  }
0x122: {  	_ = 	snop  }
0x123: {  	[hbm4b:s13+s1] =	stream.linear.scatter [tilespmem:s9], [sflag:$0x3], $0x4000, $0x38;
	[tilespmem:$0xC500] =	vst v63  }
0x124: {  	_ =	swait.ge [sflag:s10], $0x4000  }
0x125: {  	[sflag:s10] =	ssyncset.done $0x0  }
0x126: {  	[sflag:s10] =	ssyncadd.s32 $0xFFFFC000  }
0x127: {  	_ =	swait.ge [sflag:s7], $0x4000  }
0x128: {  	[sflag:s7] =	ssyncset.done $0x0  }
0x129: {  	[sflag:s7] =	ssyncadd.s32 $0xFFFFC000  }
0x12a: {  	[tilespmem:s9], [sflag:$0x1] =	stream.indirect.gather [spmem:s2], $0x80, s17, s8, $0xb8;
	[tilespmem:$0xC500] =	vst v63  }
0x12b: {  	_ = 	snop  }
0x12c: {  	[hbm4b:s11+s1] =	stream.linear.scatter [tilespmem:s5], [sflag:$0x4], $0x4000, $0x38;
	[tilespmem:$0xC500] =	vst v63  }
0x12d: {  	_ =	swait.ge [sflag:s12], $0x4000  }
0x12e: {  	[sflag:s12] =	ssyncset.done $0x0  }
0x12f: {  	[sflag:s12] =	ssyncadd.s32 $0xFFFFC000  }
0x130: {  	_ =	swait.ge [sflag:s6], $0x4000  }
0x131: {  	[sflag:s6] =	ssyncset.done $0x0  }
0x132: {  	[sflag:s6] =	ssyncadd.s32 $0xFFFFC000  }
0x133: {  	[tilespmem:s5], [sflag:$0x2] =	stream.indirect.gather [spmem:s2], $0x80, s15, s8, $0xb8;
	[tilespmem:$0xC500] =	vst v63  }
0x134: {  	_ = 	snop  }
0x135: {  	[hbm4b:s4+s1] =	stream.linear.scatter [tilespmem:s9], [sflag:$0x3], $0x4000, $0x38;
	[tilespmem:$0xC500] =	vst v63  }
0x136: {  	_ =	swait.ge [sflag:s10], $0x4000  }
0x137: {  	[sflag:s10] =	ssyncset.done $0x0  }
0x138: {  	[sflag:s10] =	ssyncadd.s32 $0xFFFFC000  }
0x139: {  	_ =	swait.ge [sflag:s7], $0x4000  }
0x13a: {  	[sflag:s7] =	ssyncset.done $0x0  }
0x13b: {  	[sflag:s7] =	ssyncadd.s32 $0xFFFFC000  }
0x13c: {  	[hbm4b:s3+s1] =	stream.linear.scatter [tilespmem:s5], [sflag:$0x4], $0x4000, $0x38;
	[tilespmem:$0xC500] =	vst v63  }
0x13d: {  	_ =	swait.ge [sflag:s6], $0x4000  }
0x13e: {  	[sflag:s6] =	ssyncset.done $0x0  }
0x13f: {  	[sflag:s6] =	ssyncadd.s32 $0xFFFFC000  }
0x140: {  	_ =	sfence.sel $0x180000  }
0x141: {  	[bflag:$0x0] =	sbarrier.arrive $0xFFFF  }
0x142: {  	_ =	strace $0x9000004A  }
0x143: {  	s0 =	sadd.s32 @!p0 $0x100000, s30;
	[bflag:$0x2] =	sbarrier.arrive $0xFFFF  }
0x144: {  	[sflag:s0] =	ssyncadd.tile.s32 @!p0 $0x1;
	_ =	shalt  }
.LBB2_2:
.Ltmp3:
0x145: {  	(pc) =	sbr.rel .LBB2_5-.Ltmp3, $2  }
0x146: {  	_ =	sdelay $0x2  }
0x147: {  	s30 =	rddreg [dreg:$0x3]  }
.Lfunc_end2:
_tile_overlayer_lowered:
.L_overlay_start_2:
0x148: {  	(tag) =	ssettag $0x2  }
0x149: {  	s0 =	rddreg [dreg:$0x0];
	s2 =	stileid.u32  }
0x14a: {  	s1 =	rddreg [dreg:$0x1];
	p0 =	sne.s32 s2, $0x0  }
0x14b: {  	s3 =	rddreg [dreg:$0x2];
	[bflag:$0x3] =	sbarrier.arrive $0xFFFF;
	s2 =	simm.s32 @!p0 $0x1C05  }
0x14c: {  	[timem:s3], [sflag:s2] =	dma.local @!p0 [hbm:s0], s1  }
0x14d: {  	s0 =	simm.s32 @!p0 $0x5  }
0x14e: {  	_ =	swait.ge @!p0 [sflag:s0], s1  }
0x14f: {  	s1 =	ssub.s32 @!p0 $0x0, s1;
	[sflag:s0] =	ssyncset.done @!p0 $0x0  }
0x150: {  	[sflag:s0] =	ssyncadd.s32 @!p0 s1  }
0x151: {  	[bflag:$0x3] =	sbarrier.arrive $0xFFFF  }
0x152: {  	_ =	shalt  }

</sc_bundles>
